<compile_context>
chip_gen: v7x
topology: tpu7x:2x2x1
jax: 0.10.2.dev20260603
libtpu: 0.0.44.dev20260713+nightly
codegen_flags: <defaults>
</compile_context>

<pallas_src>
import jax
import jax.numpy as jnp
from jax import lax
from jax.experimental import pallas as pl
from jax.experimental.pallas import tpu as pltpu
from jax.experimental.pallas import tpu_sc as plsc

HIDDEN_DIM = 64
VOCAB_SIZE = 64
MEMORY_SLOTS = 4
SEQ_LEN = 48
B = 4096
VOCAB = VOCAB_SIZE + 2
TBL_STRIDE = HIDDEN_DIM + 1
VOCAB_PAD = 128

NTOK = 1 + MEMORY_SLOTS
NW = 32
BSC = B // 4
BTC = B - BSC
CB = 128
NACT = BSC // CB
NBV = CB // 16



def _sc_gather_body(embed_hbm, idx_hbm, ht_hbm, tbl_flat, idx_v, ht_v, sem):
    c = lax.axis_index("c")
    s = lax.axis_index("s")
    wid = s * 2 + c

    @pl.when(wid < NACT)
    def _active():
        _sc_worker(embed_hbm, idx_hbm, ht_hbm, tbl_flat, idx_v, ht_v, sem, wid)


def _sc_worker(embed_hbm, idx_hbm, ht_hbm, tbl_flat, idx_v, ht_v, sem, wid):
    cp1 = pltpu.async_copy(embed_hbm, tbl_flat, sem)
    cp2 = pltpu.async_copy(idx_hbm.at[:, pl.ds(wid * CB, CB)], idx_v, sem)
    cp1.wait()
    cp2.wait()

    for bv in range(NBV):
        bcol = pl.ds(bv * 16, 16)
        base = [idx_v[k, bcol] * TBL_STRIDE for k in range(NTOK)]

        def dbody(d, bcol=bcol, base=base):
            q = plsc.load_gather(tbl_flat, [base[0] + d])
            m = plsc.load_gather(tbl_flat, [base[1] + d])
            for k in range(2, NTOK):
                m = m + plsc.load_gather(tbl_flat, [base[k] + d])
            ht_v[d, bcol] = q
            ht_v[HIDDEN_DIM + d, bcol] = m

        plsc.parallel_loop(0, HIDDEN_DIM, 1, unroll=8)(dbody)

    pltpu.sync_copy(ht_v, ht_hbm.at[:, pl.ds(wid * CB, CB)])


def _sc_gather(embed_padded_flat, idx):
    mesh = plsc.VectorSubcoreMesh(core_axis_name="c", subcore_axis_name="s")
    return pl.kernel(
        _sc_gather_body,
        mesh=mesh,
        compiler_params=pltpu.CompilerParams(
            needs_layout_passes=False, disable_bounds_checks=True),
        out_type=jax.ShapeDtypeStruct((2 * HIDDEN_DIM, BSC), jnp.float32),
        scratch_types=[
            pltpu.VMEM((VOCAB * TBL_STRIDE,), jnp.float32),
            pltpu.VMEM((NTOK, CB), jnp.int32),
            pltpu.VMEM((2 * HIDDEN_DIM, CB), jnp.float32),
            pltpu.SemaphoreType.DMA,
        ],
    )(embed_padded_flat, idx)


def _tc_mlp(ht_ref, W1_ref, b1_ref, W2_ref, b2_ref, out_ref):
    w_q = W1_ref[0:HIDDEN_DIM, :]
    w_m = W1_ref[HIDDEN_DIM:2 * HIDDEN_DIM, :] * (1.0 / MEMORY_SLOTS)
    w_eff = jnp.concatenate([w_q, w_m], axis=0)
    h = lax.dot_general(ht_ref[...], w_eff, (((0,), (0,)), ((), ())),
                        preferred_element_type=jnp.float32)
    h = jnp.maximum(h + b1_ref[...], 0.0)
    out_ref[...] = jnp.dot(h, W2_ref[...],
                           preferred_element_type=jnp.float32) + b2_ref[...]



def _tc_onehot(idx_ref, embed_ref, W1_ref, b1_ref, W2_ref, b2_ref, out_ref):
    T = idx_ref.shape[0]
    idx = idx_ref[...]
    iota = lax.broadcasted_iota(jnp.int32, (T, VOCAB_PAD), 1)

    q_oh = (idx[:, 0:1] == iota).astype(jnp.float32)
    m_oh = (idx[:, 1:2] == iota).astype(jnp.float32)
    for j in range(2, 1 + MEMORY_SLOTS):
        m_oh += (idx[:, j:j + 1] == iota).astype(jnp.float32)

    embed = embed_ref[...]
    e1 = jnp.dot(embed, W1_ref[0:HIDDEN_DIM, :],
                 preferred_element_type=jnp.float32)
    e2 = jnp.dot(embed, W1_ref[HIDDEN_DIM:2 * HIDDEN_DIM, :],
                 preferred_element_type=jnp.float32) * (1.0 / MEMORY_SLOTS)

    h = jnp.dot(q_oh, e1, preferred_element_type=jnp.float32)
    h += jnp.dot(m_oh, e2, preferred_element_type=jnp.float32)
    h = jnp.maximum(h + b1_ref[...], 0.0)
    out_ref[...] = jnp.dot(h, W2_ref[...],
                           preferred_element_type=jnp.float32) + b2_ref[...]


def kernel(seqs, query_tok, embed, W1, b1, W2, b2):
    mem_idx = seqs[:, SEQ_LEN - 1 - MEMORY_SLOTS: SEQ_LEN - 1]

    idx_sc = jnp.concatenate(
        [query_tok[None, BTC:].astype(jnp.int32),
         mem_idx[BTC:].T.astype(jnp.int32)], axis=0)
    embed_sc = jnp.pad(embed, ((0, 0), (0, TBL_STRIDE - HIDDEN_DIM))
                       ).reshape(-1)
    ht = _sc_gather(embed_sc, idx_sc)

    idx_tc = jnp.concatenate(
        [query_tok[:BTC, None].astype(jnp.int32),
         mem_idx[:BTC].astype(jnp.int32),
         jnp.full((BTC, 3), -1, dtype=jnp.int32)], axis=1)
    embed_p = jnp.zeros((VOCAB_PAD, HIDDEN_DIM), jnp.float32).at[
        0:VOCAB].set(embed)

    TILE = 1024
    out_tc = pl.pallas_call(
        _tc_onehot,
        grid=(BTC // TILE,),
        in_specs=[
            pl.BlockSpec((TILE, 8), lambda i: (i, 0)),
            pl.BlockSpec((VOCAB_PAD, HIDDEN_DIM), lambda i: (0, 0)),
            pl.BlockSpec((2 * HIDDEN_DIM, HIDDEN_DIM), lambda i: (0, 0)),
            pl.BlockSpec((HIDDEN_DIM,), lambda i: (0,)),
            pl.BlockSpec((HIDDEN_DIM, VOCAB_SIZE), lambda i: (0, 0)),
            pl.BlockSpec((VOCAB_SIZE,), lambda i: (0,)),
        ],
        out_specs=pl.BlockSpec((TILE, VOCAB_SIZE), lambda i: (i, 0)),
        out_shape=jax.ShapeDtypeStruct((BTC, VOCAB_SIZE), jnp.float32),
    )(idx_tc, embed_p, W1, b1, W2, b2)

    out_sc = pl.pallas_call(
        _tc_mlp,
        grid=(1,),
        in_specs=[
            pl.BlockSpec((2 * HIDDEN_DIM, BSC), lambda i: (0, i)),
            pl.BlockSpec((2 * HIDDEN_DIM, HIDDEN_DIM), lambda i: (0, 0)),
            pl.BlockSpec((HIDDEN_DIM,), lambda i: (0,)),
            pl.BlockSpec((HIDDEN_DIM, VOCAB_SIZE), lambda i: (0, 0)),
            pl.BlockSpec((VOCAB_SIZE,), lambda i: (0,)),
        ],
        out_specs=pl.BlockSpec((BSC, VOCAB_SIZE), lambda i: (i, 0)),
        out_shape=jax.ShapeDtypeStruct((BSC, VOCAB_SIZE), jnp.float32),
    )(ht, W1, b1, W2, b2)

    return jnp.concatenate([out_tc, out_sc], axis=0)

# --- scband reference (transcript-rebuilt; emitter-appended) ---
"""Pipeline reference for scband-lrumodel-77068893160294 (READ-ONLY COPY).

The authoritative reference and input builder live on the scoring server;
editing this copy changes nothing except your own understanding.
"""

import jax, jax.numpy as jnp
import numpy as np

HIDDEN_DIM = 64
VOCAB_SIZE = 64
MEMORY_SLOTS = 4
SEQ_LEN = 48
B = 4096


def setup_inputs(seed: int = 0) -> dict:
    key = jax.random.key(seed)
    k1, k2, k3, k4, k5 = jax.random.split(key, 5)
    seqs = jax.random.randint(k1, (B, SEQ_LEN), 0, VOCAB_SIZE + 2, dtype=jnp.int64 if jax.config.jax_enable_x64 else jnp.int32)
    query_tok = jax.random.randint(k2, (B,), 0, VOCAB_SIZE + 2, dtype=jnp.int64 if jax.config.jax_enable_x64 else jnp.int32)
    embed = jax.random.normal(k3, (VOCAB_SIZE + 2, HIDDEN_DIM), dtype=jnp.float32) * 0.02
    W1 = jax.random.normal(k4, (HIDDEN_DIM * 2, HIDDEN_DIM), dtype=jnp.float32) * 0.05
    b1 = jnp.zeros((HIDDEN_DIM,), dtype=jnp.float32)
    W2 = jax.random.normal(k5, (HIDDEN_DIM, HIDDEN_DIM), dtype=jnp.float32) * 0.05
    b2 = jnp.zeros((VOCAB_SIZE,), dtype=jnp.float32)
    return {"seqs": seqs, "query_tok": query_tok, "embed": embed, "W1": W1, "b1": b1, "W2": W2, "b2": b2}


def reference(seqs, query_tok, embed, W1, b1, W2, b2):
    # LRU with MEMORY_SLOTS slots over positions t = 0 .. SEQ_LEN-2:
    # after the loop, memory holds exactly the embeddings of the LAST
    # MEMORY_SLOTS tokens, i.e. positions SEQ_LEN-1-MEMORY_SLOTS .. SEQ_LEN-2.
    last_idx = seqs[:, SEQ_LEN - 1 - MEMORY_SLOTS: SEQ_LEN - 1]  # [B, MEMORY_SLOTS]
    mem_emb = jnp.take(embed, last_idx, axis=0)                   # [B, MEMORY_SLOTS, H] gather
    mem_summary = mem_emb.mean(axis=1)                            # [B, H]
    q_emb = jnp.take(embed, query_tok, axis=0)                    # [B, H] gather
    h = jnp.concatenate([q_emb, mem_summary], axis=-1)            # [B, 2H]
    h = jax.nn.relu(h @ W1 + b1)
    logits = h @ W2 + b2                                          # [B, VOCAB_SIZE]
    return logits

if __name__ == "__main__":
    import jax
    _d = setup_inputs()
    print(jax.jit(kernel)(*tuple(_d.values())))

</pallas_src>

<mosaic_0001>
#map = affine_map<(d0, d1) -> (0)>
#map1 = affine_map<(d0, d1) -> (0, 0)>
module attributes {stable_mosaic.version = 14 : i64} {
  func.func @_sc_gather_body(%arg0: i32, %arg1: i32, %arg2: memref<4290xf32, #tpu.memory_space<hbm>>, %arg3: memref<5x1024xi32, #tpu.memory_space<hbm>>, %arg4: memref<128x1024xf32, #tpu.memory_space<hbm>>, %arg5: memref<4290xf32, #tpu.memory_space<vmem>>, %arg6: memref<5x128xi32, #tpu.memory_space<vmem>>, %arg7: memref<128x128xf32, #tpu.memory_space<vmem>>, %arg8: memref<!tpu.dma_semaphore, #tpu.memory_space<semaphore_mem>>) attributes {dimension_semantics = [#tpu.dimension_semantics<core_parallel>, #tpu.dimension_semantics<subcore_parallel>], iteration_bounds = array<i64: 2, 16>, scalar_prefetch = 0 : i64, scratch_operands = 4 : i64, tpu.core_type = #tpu.core_type<sc_vector_subcore>, window_params = [{transform_indices = #map}, {transform_indices = #map1}, {transform_indices = #map1}]} {
    %mul3A = arith.constant 2 : i32
    %mul3A_0 = arith.muli %arg1, %mul3A : i32
    %add3A = arith.addi %mul3A_0, %arg0 : i32
    %lt3A = arith.constant 8 : i32
    %lt3A_1 = arith.cmpi slt, %add3A, %lt3A : i32
    %convert_element_type3A = arith.extui %lt3A_1 : i1 to i32
    %cond3A = arith.constant 0 : i32
    %cond3A_2 = arith.cmpi ne, %convert_element_type3A, %cond3A : i32
    scf.if %cond3A_2 {
      tpu.enqueue_dma source(%arg2 : memref<4290xf32, #tpu.memory_space<hbm>>) target(%arg5 : memref<4290xf32, #tpu.memory_space<vmem>>) target_semaphore(%arg8 : memref<!tpu.dma_semaphore, #tpu.memory_space<semaphore_mem>>)
      %mul3A_3 = arith.constant 128 : i32
      %mul3A_4 = arith.muli %add3A, %mul3A_3 : i32
      %dma_start3A = arith.constant 0 : i32
      %dma_start3A_5 = tpu.memref_slice %arg3[%dma_start3A, %mul3A_4] : memref<5x1024xi32, #tpu.memory_space<hbm>> -> memref<5x128xi32, #tpu.memory_space<hbm>>
      %dma_start3A_6 = arith.constant 0 : i32
      %dma_start3A_7 = tpu.memref_slice %arg3[%dma_start3A_6, %mul3A_4] : memref<5x1024xi32, #tpu.memory_space<hbm>> -> memref<5x128xi32, #tpu.memory_space<hbm>>
      tpu.enqueue_dma source(%dma_start3A_7 : memref<5x128xi32, #tpu.memory_space<hbm>>) target(%arg6 : memref<5x128xi32, #tpu.memory_space<vmem>>) target_semaphore(%arg8 : memref<!tpu.dma_semaphore, #tpu.memory_space<semaphore_mem>>)
      tpu.wait_dma2 semaphore(%arg8 : memref<!tpu.dma_semaphore, #tpu.memory_space<semaphore_mem>>) src(%arg2 : memref<4290xf32, #tpu.memory_space<hbm>>) dst(%arg5 : memref<4290xf32, #tpu.memory_space<vmem>>)
      %dma_wait3A = arith.constant 0 : i32
      %dma_wait3A_8 = tpu.memref_slice %arg3[%dma_wait3A, %mul3A_4] : memref<5x1024xi32, #tpu.memory_space<hbm>> -> memref<5x128xi32, #tpu.memory_space<hbm>>
      %dma_wait3A_9 = arith.constant 0 : i32
      %dma_wait3A_10 = tpu.memref_slice %arg3[%dma_wait3A_9, %mul3A_4] : memref<5x1024xi32, #tpu.memory_space<hbm>> -> memref<5x128xi32, #tpu.memory_space<hbm>>
      tpu.wait_dma2 semaphore(%arg8 : memref<!tpu.dma_semaphore, #tpu.memory_space<semaphore_mem>>) src(%dma_wait3A_10 : memref<5x128xi32, #tpu.memory_space<hbm>>) dst(%arg6 : memref<5x128xi32, #tpu.memory_space<vmem>>)
      %get3A = arith.constant 0 : i32
      %get3A_11 = arith.index_cast %get3A : i32 to index
      %get3A_12 = arith.constant 0 : index
      %get3A_13 = tpu.vector_load %arg6[%get3A_11, %get3A_12] {strides = array<i32>} : memref<5x128xi32, #tpu.memory_space<vmem>>, vector<16xi32>,
      %mul3A_14 = arith.constant 65 : i32
      %mul3A_15 = vector.broadcast %mul3A_14 : i32 to vector<16xi32>
      %mul3A_16 = arith.muli %get3A_13, %mul3A_15 : vector<16xi32>
      %get3A_17 = arith.constant 1 : i32
      %get3A_18 = arith.index_cast %get3A_17 : i32 to index
      %get3A_19 = arith.constant 0 : index
      %get3A_20 = tpu.vector_load %arg6[%get3A_18, %get3A_19] {strides = array<i32>} : memref<5x128xi32, #tpu.memory_space<vmem>>, vector<16xi32>,
      %mul3A_21 = arith.constant 65 : i32
      %mul3A_22 = vector.broadcast %mul3A_21 : i32 to vector<16xi32>
      %mul3A_23 = arith.muli %get3A_20, %mul3A_22 : vector<16xi32>
      %get3A_24 = arith.constant 2 : i32
      %get3A_25 = arith.index_cast %get3A_24 : i32 to index
      %get3A_26 = arith.constant 0 : index
      %get3A_27 = tpu.vector_load %arg6[%get3A_25, %get3A_26] {strides = array<i32>} : memref<5x128xi32, #tpu.memory_space<vmem>>, vector<16xi32>,
      %mul3A_28 = arith.constant 65 : i32
      %mul3A_29 = vector.broadcast %mul3A_28 : i32 to vector<16xi32>
      %mul3A_30 = arith.muli %get3A_27, %mul3A_29 : vector<16xi32>
      %get3A_31 = arith.constant 3 : i32
      %get3A_32 = arith.index_cast %get3A_31 : i32 to index
      %get3A_33 = arith.constant 0 : index
      %get3A_34 = tpu.vector_load %arg6[%get3A_32, %get3A_33] {strides = array<i32>} : memref<5x128xi32, #tpu.memory_space<vmem>>, vector<16xi32>,
      %mul3A_35 = arith.constant 65 : i32
      %mul3A_36 = vector.broadcast %mul3A_35 : i32 to vector<16xi32>
      %mul3A_37 = arith.muli %get3A_34, %mul3A_36 : vector<16xi32>
      %get3A_38 = arith.constant 4 : i32
      %get3A_39 = arith.index_cast %get3A_38 : i32 to index
      %get3A_40 = arith.constant 0 : index
      %get3A_41 = tpu.vector_load %arg6[%get3A_39, %get3A_40] {strides = array<i32>} : memref<5x128xi32, #tpu.memory_space<vmem>>, vector<16xi32>,
      %mul3A_42 = arith.constant 65 : i32
      %mul3A_43 = vector.broadcast %mul3A_42 : i32 to vector<16xi32>
      %mul3A_44 = arith.muli %get3A_41, %mul3A_43 : vector<16xi32>
      %parallel_loop3A = arith.constant 0 : i32
      %parallel_loop3A_45 = arith.constant 64 : i32
      %parallel_loop3A_46 = arith.constant 1 : i32
      scf.for %parallel_loop3A_315 = %parallel_loop3A to %parallel_loop3A_45 step %parallel_loop3A_46  : i32 {
        %parallel_loop3A_316 = vector.broadcast %parallel_loop3A_315 : i32 to vector<16xi32>
        %parallel_loop3A_317 = arith.addi %mul3A_16, %parallel_loop3A_316 : vector<16xi32>
        %parallel_loop3A_318 = tpu.vector_load_idx %arg5[%parallel_loop3A_317] : memref<4290xf32, #tpu.memory_space<vmem>>[vector<16xi32>], vector<16xf32>,
        %parallel_loop3A_319 = vector.broadcast %parallel_loop3A_315 : i32 to vector<16xi32>
        %parallel_loop3A_320 = arith.addi %mul3A_23, %parallel_loop3A_319 : vector<16xi32>
        %parallel_loop3A_321 = tpu.vector_load_idx %arg5[%parallel_loop3A_320] : memref<4290xf32, #tpu.memory_space<vmem>>[vector<16xi32>], vector<16xf32>,
        %parallel_loop3A_322 = vector.broadcast %parallel_loop3A_315 : i32 to vector<16xi32>
        %parallel_loop3A_323 = arith.addi %mul3A_30, %parallel_loop3A_322 : vector<16xi32>
        %parallel_loop3A_324 = tpu.vector_load_idx %arg5[%parallel_loop3A_323] : memref<4290xf32, #tpu.memory_space<vmem>>[vector<16xi32>], vector<16xf32>,
        %parallel_loop3A_325 = arith.addf %parallel_loop3A_321, %parallel_loop3A_324 : vector<16xf32>
        %parallel_loop3A_326 = vector.broadcast %parallel_loop3A_315 : i32 to vector<16xi32>
        %parallel_loop3A_327 = arith.addi %mul3A_37, %parallel_loop3A_326 : vector<16xi32>
        %parallel_loop3A_328 = tpu.vector_load_idx %arg5[%parallel_loop3A_327] : memref<4290xf32, #tpu.memory_space<vmem>>[vector<16xi32>], vector<16xf32>,
        %parallel_loop3A_329 = arith.addf %parallel_loop3A_325, %parallel_loop3A_328 : vector<16xf32>
        %parallel_loop3A_330 = vector.broadcast %parallel_loop3A_315 : i32 to vector<16xi32>
        %parallel_loop3A_331 = arith.addi %mul3A_44, %parallel_loop3A_330 : vector<16xi32>
        %parallel_loop3A_332 = tpu.vector_load_idx %arg5[%parallel_loop3A_331] : memref<4290xf32, #tpu.memory_space<vmem>>[vector<16xi32>], vector<16xf32>,
        %parallel_loop3A_333 = arith.addf %parallel_loop3A_329, %parallel_loop3A_332 : vector<16xf32>
        %parallel_loop3A_334 = arith.index_cast %parallel_loop3A_315 : i32 to index
        %parallel_loop3A_335 = arith.constant 0 : index
        %parallel_loop3A_336 = tpu.vector_load %arg7[%parallel_loop3A_334, %parallel_loop3A_335] {strides = array<i32>} : memref<128x128xf32, #tpu.memory_space<vmem>>, vector<16xf32>,
        tpu.vector_store %arg7[%parallel_loop3A_334, %parallel_loop3A_335], %parallel_loop3A_318 {strides = array<i32>} : memref<128x128xf32, #tpu.memory_space<vmem>>, vector<16xf32>,
        %parallel_loop3A_337 = arith.constant 64 : i32
        %parallel_loop3A_338 = arith.addi %parallel_loop3A_337, %parallel_loop3A_315 : i32
        %parallel_loop3A_339 = arith.index_cast %parallel_loop3A_338 : i32 to index
        %parallel_loop3A_340 = arith.constant 0 : index
        %parallel_loop3A_341 = tpu.vector_load %arg7[%parallel_loop3A_339, %parallel_loop3A_340] {strides = array<i32>} : memref<128x128xf32, #tpu.memory_space<vmem>>, vector<16xf32>,
        tpu.vector_store %arg7[%parallel_loop3A_339, %parallel_loop3A_340], %parallel_loop3A_333 {strides = array<i32>} : memref<128x128xf32, #tpu.memory_space<vmem>>, vector<16xf32>,
      } {sc.loop_unroll_factor = 8 : i64, sc.parallel_access}
      %get3A_47 = arith.constant 0 : i32
      %get3A_48 = arith.index_cast %get3A_47 : i32 to index
      %get3A_49 = arith.constant 16 : index
      %get3A_50 = tpu.vector_load %arg6[%get3A_48, %get3A_49] {strides = array<i32>} : memref<5x128xi32, #tpu.memory_space<vmem>>, vector<16xi32>,
      %mul3A_51 = arith.constant 65 : i32
      %mul3A_52 = vector.broadcast %mul3A_51 : i32 to vector<16xi32>
      %mul3A_53 = arith.muli %get3A_50, %mul3A_52 : vector<16xi32>
      %get3A_54 = arith.constant 1 : i32
      %get3A_55 = arith.index_cast %get3A_54 : i32 to index
      %get3A_56 = arith.constant 16 : index
      %get3A_57 = tpu.vector_load %arg6[%get3A_55, %get3A_56] {strides = array<i32>} : memref<5x128xi32, #tpu.memory_space<vmem>>, vector<16xi32>,
      %mul3A_58 = arith.constant 65 : i32
      %mul3A_59 = vector.broadcast %mul3A_58 : i32 to vector<16xi32>
      %mul3A_60 = arith.muli %get3A_57, %mul3A_59 : vector<16xi32>
      %get3A_61 = arith.constant 2 : i32
      %get3A_62 = arith.index_cast %get3A_61 : i32 to index
      %get3A_63 = arith.constant 16 : index
      %get3A_64 = tpu.vector_load %arg6[%get3A_62, %get3A_63] {strides = array<i32>} : memref<5x128xi32, #tpu.memory_space<vmem>>, vector<16xi32>,
      %mul3A_65 = arith.constant 65 : i32
      %mul3A_66 = vector.broadcast %mul3A_65 : i32 to vector<16xi32>
      %mul3A_67 = arith.muli %get3A_64, %mul3A_66 : vector<16xi32>
      %get3A_68 = arith.constant 3 : i32
      %get3A_69 = arith.index_cast %get3A_68 : i32 to index
      %get3A_70 = arith.constant 16 : index
      %get3A_71 = tpu.vector_load %arg6[%get3A_69, %get3A_70] {strides = array<i32>} : memref<5x128xi32, #tpu.memory_space<vmem>>, vector<16xi32>,
      %mul3A_72 = arith.constant 65 : i32
      %mul3A_73 = vector.broadcast %mul3A_72 : i32 to vector<16xi32>
      %mul3A_74 = arith.muli %get3A_71, %mul3A_73 : vector<16xi32>
      %get3A_75 = arith.constant 4 : i32
      %get3A_76 = arith.index_cast %get3A_75 : i32 to index
      %get3A_77 = arith.constant 16 : index
      %get3A_78 = tpu.vector_load %arg6[%get3A_76, %get3A_77] {strides = array<i32>} : memref<5x128xi32, #tpu.memory_space<vmem>>, vector<16xi32>,
      %mul3A_79 = arith.constant 65 : i32
      %mul3A_80 = vector.broadcast %mul3A_79 : i32 to vector<16xi32>
      %mul3A_81 = arith.muli %get3A_78, %mul3A_80 : vector<16xi32>
      %parallel_loop3A_82 = arith.constant 0 : i32
      %parallel_loop3A_83 = arith.constant 64 : i32
      %parallel_loop3A_84 = arith.constant 1 : i32
      scf.for %parallel_loop3A_315 = %parallel_loop3A_82 to %parallel_loop3A_83 step %parallel_loop3A_84  : i32 {
        %parallel_loop3A_316 = vector.broadcast %parallel_loop3A_315 : i32 to vector<16xi32>
        %parallel_loop3A_317 = arith.addi %mul3A_53, %parallel_loop3A_316 : vector<16xi32>
        %parallel_loop3A_318 = tpu.vector_load_idx %arg5[%parallel_loop3A_317] : memref<4290xf32, #tpu.memory_space<vmem>>[vector<16xi32>], vector<16xf32>,
        %parallel_loop3A_319 = vector.broadcast %parallel_loop3A_315 : i32 to vector<16xi32>
        %parallel_loop3A_320 = arith.addi %mul3A_60, %parallel_loop3A_319 : vector<16xi32>
        %parallel_loop3A_321 = tpu.vector_load_idx %arg5[%parallel_loop3A_320] : memref<4290xf32, #tpu.memory_space<vmem>>[vector<16xi32>], vector<16xf32>,
        %parallel_loop3A_322 = vector.broadcast %parallel_loop3A_315 : i32 to vector<16xi32>
        %parallel_loop3A_323 = arith.addi %mul3A_67, %parallel_loop3A_322 : vector<16xi32>
        %parallel_loop3A_324 = tpu.vector_load_idx %arg5[%parallel_loop3A_323] : memref<4290xf32, #tpu.memory_space<vmem>>[vector<16xi32>], vector<16xf32>,
        %parallel_loop3A_325 = arith.addf %parallel_loop3A_321, %parallel_loop3A_324 : vector<16xf32>
        %parallel_loop3A_326 = vector.broadcast %parallel_loop3A_315 : i32 to vector<16xi32>
        %parallel_loop3A_327 = arith.addi %mul3A_74, %parallel_loop3A_326 : vector<16xi32>
        %parallel_loop3A_328 = tpu.vector_load_idx %arg5[%parallel_loop3A_327] : memref<4290xf32, #tpu.memory_space<vmem>>[vector<16xi32>], vector<16xf32>,
        %parallel_loop3A_329 = arith.addf %parallel_loop3A_325, %parallel_loop3A_328 : vector<16xf32>
        %parallel_loop3A_330 = vector.broadcast %parallel_loop3A_315 : i32 to vector<16xi32>
        %parallel_loop3A_331 = arith.addi %mul3A_81, %parallel_loop3A_330 : vector<16xi32>
        %parallel_loop3A_332 = tpu.vector_load_idx %arg5[%parallel_loop3A_331] : memref<4290xf32, #tpu.memory_space<vmem>>[vector<16xi32>], vector<16xf32>,
        %parallel_loop3A_333 = arith.addf %parallel_loop3A_329, %parallel_loop3A_332 : vector<16xf32>
        %parallel_loop3A_334 = arith.index_cast %parallel_loop3A_315 : i32 to index
        %parallel_loop3A_335 = arith.constant 16 : index
        %parallel_loop3A_336 = tpu.vector_load %arg7[%parallel_loop3A_334, %parallel_loop3A_335] {strides = array<i32>} : memref<128x128xf32, #tpu.memory_space<vmem>>, vector<16xf32>,
        tpu.vector_store %arg7[%parallel_loop3A_334, %parallel_loop3A_335], %parallel_loop3A_318 {strides = array<i32>} : memref<128x128xf32, #tpu.memory_space<vmem>>, vector<16xf32>,
        %parallel_loop3A_337 = arith.constant 64 : i32
        %parallel_loop3A_338 = arith.addi %parallel_loop3A_337, %parallel_loop3A_315 : i32
        %parallel_loop3A_339 = arith.index_cast %parallel_loop3A_338 : i32 to index
        %parallel_loop3A_340 = arith.constant 16 : index
        %parallel_loop3A_341 = tpu.vector_load %arg7[%parallel_loop3A_339, %parallel_loop3A_340] {strides = array<i32>} : memref<128x128xf32, #tpu.memory_space<vmem>>, vector<16xf32>,
        tpu.vector_store %arg7[%parallel_loop3A_339, %parallel_loop3A_340], %parallel_loop3A_333 {strides = array<i32>} : memref<128x128xf32, #tpu.memory_space<vmem>>, vector<16xf32>,
      } {sc.loop_unroll_factor = 8 : i64, sc.parallel_access}
      %get3A_85 = arith.constant 0 : i32
      %get3A_86 = arith.index_cast %get3A_85 : i32 to index
      %get3A_87 = arith.constant 32 : index
      %get3A_88 = tpu.vector_load %arg6[%get3A_86, %get3A_87] {strides = array<i32>} : memref<5x128xi32, #tpu.memory_space<vmem>>, vector<16xi32>,
      %mul3A_89 = arith.constant 65 : i32
      %mul3A_90 = vector.broadcast %mul3A_89 : i32 to vector<16xi32>
      %mul3A_91 = arith.muli %get3A_88, %mul3A_90 : vector<16xi32>
      %get3A_92 = arith.constant 1 : i32
      %get3A_93 = arith.index_cast %get3A_92 : i32 to index
      %get3A_94 = arith.constant 32 : index
      %get3A_95 = tpu.vector_load %arg6[%get3A_93, %get3A_94] {strides = array<i32>} : memref<5x128xi32, #tpu.memory_space<vmem>>, vector<16xi32>,
      %mul3A_96 = arith.constant 65 : i32
      %mul3A_97 = vector.broadcast %mul3A_96 : i32 to vector<16xi32>
      %mul3A_98 = arith.muli %get3A_95, %mul3A_97 : vector<16xi32>
      %get3A_99 = arith.constant 2 : i32
      %get3A_100 = arith.index_cast %get3A_99 : i32 to index
      %get3A_101 = arith.constant 32 : index
      %get3A_102 = tpu.vector_load %arg6[%get3A_100, %get3A_101] {strides = array<i32>} : memref<5x128xi32, #tpu.memory_space<vmem>>, vector<16xi32>,
      %mul3A_103 = arith.constant 65 : i32
      %mul3A_104 = vector.broadcast %mul3A_103 : i32 to vector<16xi32>
      %mul3A_105 = arith.muli %get3A_102, %mul3A_104 : vector<16xi32>
      %get3A_106 = arith.constant 3 : i32
      %get3A_107 = arith.index_cast %get3A_106 : i32 to index
      %get3A_108 = arith.constant 32 : index
      %get3A_109 = tpu.vector_load %arg6[%get3A_107, %get3A_108] {strides = array<i32>} : memref<5x128xi32, #tpu.memory_space<vmem>>, vector<16xi32>,
      %mul3A_110 = arith.constant 65 : i32
      %mul3A_111 = vector.broadcast %mul3A_110 : i32 to vector<16xi32>
      %mul3A_112 = arith.muli %get3A_109, %mul3A_111 : vector<16xi32>
      %get3A_113 = arith.constant 4 : i32
      %get3A_114 = arith.index_cast %get3A_113 : i32 to index
      %get3A_115 = arith.constant 32 : index
      %get3A_116 = tpu.vector_load %arg6[%get3A_114, %get3A_115] {strides = array<i32>} : memref<5x128xi32, #tpu.memory_space<vmem>>, vector<16xi32>,
      %mul3A_117 = arith.constant 65 : i32
      %mul3A_118 = vector.broadcast %mul3A_117 : i32 to vector<16xi32>
      %mul3A_119 = arith.muli %get3A_116, %mul3A_118 : vector<16xi32>
      %parallel_loop3A_120 = arith.constant 0 : i32
      %parallel_loop3A_121 = arith.constant 64 : i32
      %parallel_loop3A_122 = arith.constant 1 : i32
      scf.for %parallel_loop3A_315 = %parallel_loop3A_120 to %parallel_loop3A_121 step %parallel_loop3A_122  : i32 {
        %parallel_loop3A_316 = vector.broadcast %parallel_loop3A_315 : i32 to vector<16xi32>
        %parallel_loop3A_317 = arith.addi %mul3A_91, %parallel_loop3A_316 : vector<16xi32>
        %parallel_loop3A_318 = tpu.vector_load_idx %arg5[%parallel_loop3A_317] : memref<4290xf32, #tpu.memory_space<vmem>>[vector<16xi32>], vector<16xf32>,
        %parallel_loop3A_319 = vector.broadcast %parallel_loop3A_315 : i32 to vector<16xi32>
        %parallel_loop3A_320 = arith.addi %mul3A_98, %parallel_loop3A_319 : vector<16xi32>
        %parallel_loop3A_321 = tpu.vector_load_idx %arg5[%parallel_loop3A_320] : memref<4290xf32, #tpu.memory_space<vmem>>[vector<16xi32>], vector<16xf32>,
        %parallel_loop3A_322 = vector.broadcast %parallel_loop3A_315 : i32 to vector<16xi32>
        %parallel_loop3A_323 = arith.addi %mul3A_105, %parallel_loop3A_322 : vector<16xi32>
        %parallel_loop3A_324 = tpu.vector_load_idx %arg5[%parallel_loop3A_323] : memref<4290xf32, #tpu.memory_space<vmem>>[vector<16xi32>], vector<16xf32>,
        %parallel_loop3A_325 = arith.addf %parallel_loop3A_321, %parallel_loop3A_324 : vector<16xf32>
        %parallel_loop3A_326 = vector.broadcast %parallel_loop3A_315 : i32 to vector<16xi32>
        %parallel_loop3A_327 = arith.addi %mul3A_112, %parallel_loop3A_326 : vector<16xi32>
        %parallel_loop3A_328 = tpu.vector_load_idx %arg5[%parallel_loop3A_327] : memref<4290xf32, #tpu.memory_space<vmem>>[vector<16xi32>], vector<16xf32>,
        %parallel_loop3A_329 = arith.addf %parallel_loop3A_325, %parallel_loop3A_328 : vector<16xf32>
        %parallel_loop3A_330 = vector.broadcast %parallel_loop3A_315 : i32 to vector<16xi32>
        %parallel_loop3A_331 = arith.addi %mul3A_119, %parallel_loop3A_330 : vector<16xi32>
        %parallel_loop3A_332 = tpu.vector_load_idx %arg5[%parallel_loop3A_331] : memref<4290xf32, #tpu.memory_space<vmem>>[vector<16xi32>], vector<16xf32>,
        %parallel_loop3A_333 = arith.addf %parallel_loop3A_329, %parallel_loop3A_332 : vector<16xf32>
        %parallel_loop3A_334 = arith.index_cast %parallel_loop3A_315 : i32 to index
        %parallel_loop3A_335 = arith.constant 32 : index
        %parallel_loop3A_336 = tpu.vector_load %arg7[%parallel_loop3A_334, %parallel_loop3A_335] {strides = array<i32>} : memref<128x128xf32, #tpu.memory_space<vmem>>, vector<16xf32>,
        tpu.vector_store %arg7[%parallel_loop3A_334, %parallel_loop3A_335], %parallel_loop3A_318 {strides = array<i32>} : memref<128x128xf32, #tpu.memory_space<vmem>>, vector<16xf32>,
        %parallel_loop3A_337 = arith.constant 64 : i32
        %parallel_loop3A_338 = arith.addi %parallel_loop3A_337, %parallel_loop3A_315 : i32
        %parallel_loop3A_339 = arith.index_cast %parallel_loop3A_338 : i32 to index
        %parallel_loop3A_340 = arith.constant 32 : index
        %parallel_loop3A_341 = tpu.vector_load %arg7[%parallel_loop3A_339, %parallel_loop3A_340] {strides = array<i32>} : memref<128x128xf32, #tpu.memory_space<vmem>>, vector<16xf32>,
        tpu.vector_store %arg7[%parallel_loop3A_339, %parallel_loop3A_340], %parallel_loop3A_333 {strides = array<i32>} : memref<128x128xf32, #tpu.memory_space<vmem>>, vector<16xf32>,
      } {sc.loop_unroll_factor = 8 : i64, sc.parallel_access}
      %get3A_123 = arith.constant 0 : i32
      %get3A_124 = arith.index_cast %get3A_123 : i32 to index
      %get3A_125 = arith.constant 48 : index
      %get3A_126 = tpu.vector_load %arg6[%get3A_124, %get3A_125] {strides = array<i32>} : memref<5x128xi32, #tpu.memory_space<vmem>>, vector<16xi32>,
      %mul3A_127 = arith.constant 65 : i32
      %mul3A_128 = vector.broadcast %mul3A_127 : i32 to vector<16xi32>
      %mul3A_129 = arith.muli %get3A_126, %mul3A_128 : vector<16xi32>
      %get3A_130 = arith.constant 1 : i32
      %get3A_131 = arith.index_cast %get3A_130 : i32 to index
      %get3A_132 = arith.constant 48 : index
      %get3A_133 = tpu.vector_load %arg6[%get3A_131, %get3A_132] {strides = array<i32>} : memref<5x128xi32, #tpu.memory_space<vmem>>, vector<16xi32>,
      %mul3A_134 = arith.constant 65 : i32
      %mul3A_135 = vector.broadcast %mul3A_134 : i32 to vector<16xi32>
      %mul3A_136 = arith.muli %get3A_133, %mul3A_135 : vector<16xi32>
      %get3A_137 = arith.constant 2 : i32
      %get3A_138 = arith.index_cast %get3A_137 : i32 to index
      %get3A_139 = arith.constant 48 : index
      %get3A_140 = tpu.vector_load %arg6[%get3A_138, %get3A_139] {strides = array<i32>} : memref<5x128xi32, #tpu.memory_space<vmem>>, vector<16xi32>,
      %mul3A_141 = arith.constant 65 : i32
      %mul3A_142 = vector.broadcast %mul3A_141 : i32 to vector<16xi32>
      %mul3A_143 = arith.muli %get3A_140, %mul3A_142 : vector<16xi32>
      %get3A_144 = arith.constant 3 : i32
      %get3A_145 = arith.index_cast %get3A_144 : i32 to index
      %get3A_146 = arith.constant 48 : index
      %get3A_147 = tpu.vector_load %arg6[%get3A_145, %get3A_146] {strides = array<i32>} : memref<5x128xi32, #tpu.memory_space<vmem>>, vector<16xi32>,
      %mul3A_148 = arith.constant 65 : i32
      %mul3A_149 = vector.broadcast %mul3A_148 : i32 to vector<16xi32>
      %mul3A_150 = arith.muli %get3A_147, %mul3A_149 : vector<16xi32>
      %get3A_151 = arith.constant 4 : i32
      %get3A_152 = arith.index_cast %get3A_151 : i32 to index
      %get3A_153 = arith.constant 48 : index
      %get3A_154 = tpu.vector_load %arg6[%get3A_152, %get3A_153] {strides = array<i32>} : memref<5x128xi32, #tpu.memory_space<vmem>>, vector<16xi32>,
      %mul3A_155 = arith.constant 65 : i32
      %mul3A_156 = vector.broadcast %mul3A_155 : i32 to vector<16xi32>
      %mul3A_157 = arith.muli %get3A_154, %mul3A_156 : vector<16xi32>
      %parallel_loop3A_158 = arith.constant 0 : i32
      %parallel_loop3A_159 = arith.constant 64 : i32
      %parallel_loop3A_160 = arith.constant 1 : i32
      scf.for %parallel_loop3A_315 = %parallel_loop3A_158 to %parallel_loop3A_159 step %parallel_loop3A_160  : i32 {
        %parallel_loop3A_316 = vector.broadcast %parallel_loop3A_315 : i32 to vector<16xi32>
        %parallel_loop3A_317 = arith.addi %mul3A_129, %parallel_loop3A_316 : vector<16xi32>
        %parallel_loop3A_318 = tpu.vector_load_idx %arg5[%parallel_loop3A_317] : memref<4290xf32, #tpu.memory_space<vmem>>[vector<16xi32>], vector<16xf32>,
        %parallel_loop3A_319 = vector.broadcast %parallel_loop3A_315 : i32 to vector<16xi32>
        %parallel_loop3A_320 = arith.addi %mul3A_136, %parallel_loop3A_319 : vector<16xi32>
        %parallel_loop3A_321 = tpu.vector_load_idx %arg5[%parallel_loop3A_320] : memref<4290xf32, #tpu.memory_space<vmem>>[vector<16xi32>], vector<16xf32>,
        %parallel_loop3A_322 = vector.broadcast %parallel_loop3A_315 : i32 to vector<16xi32>
        %parallel_loop3A_323 = arith.addi %mul3A_143, %parallel_loop3A_322 : vector<16xi32>
        %parallel_loop3A_324 = tpu.vector_load_idx %arg5[%parallel_loop3A_323] : memref<4290xf32, #tpu.memory_space<vmem>>[vector<16xi32>], vector<16xf32>,
        %parallel_loop3A_325 = arith.addf %parallel_loop3A_321, %parallel_loop3A_324 : vector<16xf32>
        %parallel_loop3A_326 = vector.broadcast %parallel_loop3A_315 : i32 to vector<16xi32>
        %parallel_loop3A_327 = arith.addi %mul3A_150, %parallel_loop3A_326 : vector<16xi32>
        %parallel_loop3A_328 = tpu.vector_load_idx %arg5[%parallel_loop3A_327] : memref<4290xf32, #tpu.memory_space<vmem>>[vector<16xi32>], vector<16xf32>,
        %parallel_loop3A_329 = arith.addf %parallel_loop3A_325, %parallel_loop3A_328 : vector<16xf32>
        %parallel_loop3A_330 = vector.broadcast %parallel_loop3A_315 : i32 to vector<16xi32>
        %parallel_loop3A_331 = arith.addi %mul3A_157, %parallel_loop3A_330 : vector<16xi32>
        %parallel_loop3A_332 = tpu.vector_load_idx %arg5[%parallel_loop3A_331] : memref<4290xf32, #tpu.memory_space<vmem>>[vector<16xi32>], vector<16xf32>,
        %parallel_loop3A_333 = arith.addf %parallel_loop3A_329, %parallel_loop3A_332 : vector<16xf32>
        %parallel_loop3A_334 = arith.index_cast %parallel_loop3A_315 : i32 to index
        %parallel_loop3A_335 = arith.constant 48 : index
        %parallel_loop3A_336 = tpu.vector_load %arg7[%parallel_loop3A_334, %parallel_loop3A_335] {strides = array<i32>} : memref<128x128xf32, #tpu.memory_space<vmem>>, vector<16xf32>,
        tpu.vector_store %arg7[%parallel_loop3A_334, %parallel_loop3A_335], %parallel_loop3A_318 {strides = array<i32>} : memref<128x128xf32, #tpu.memory_space<vmem>>, vector<16xf32>,
        %parallel_loop3A_337 = arith.constant 64 : i32
        %parallel_loop3A_338 = arith.addi %parallel_loop3A_337, %parallel_loop3A_315 : i32
        %parallel_loop3A_339 = arith.index_cast %parallel_loop3A_338 : i32 to index
        %parallel_loop3A_340 = arith.constant 48 : index
        %parallel_loop3A_341 = tpu.vector_load %arg7[%parallel_loop3A_339, %parallel_loop3A_340] {strides = array<i32>} : memref<128x128xf32, #tpu.memory_space<vmem>>, vector<16xf32>,
        tpu.vector_store %arg7[%parallel_loop3A_339, %parallel_loop3A_340], %parallel_loop3A_333 {strides = array<i32>} : memref<128x128xf32, #tpu.memory_space<vmem>>, vector<16xf32>,
      } {sc.loop_unroll_factor = 8 : i64, sc.parallel_access}
      %get3A_161 = arith.constant 0 : i32
      %get3A_162 = arith.index_cast %get3A_161 : i32 to index
      %get3A_163 = arith.constant 64 : index
      %get3A_164 = tpu.vector_load %arg6[%get3A_162, %get3A_163] {strides = array<i32>} : memref<5x128xi32, #tpu.memory_space<vmem>>, vector<16xi32>,
      %mul3A_165 = arith.constant 65 : i32
      %mul3A_166 = vector.broadcast %mul3A_165 : i32 to vector<16xi32>
      %mul3A_167 = arith.muli %get3A_164, %mul3A_166 : vector<16xi32>
      %get3A_168 = arith.constant 1 : i32
      %get3A_169 = arith.index_cast %get3A_168 : i32 to index
      %get3A_170 = arith.constant 64 : index
      %get3A_171 = tpu.vector_load %arg6[%get3A_169, %get3A_170] {strides = array<i32>} : memref<5x128xi32, #tpu.memory_space<vmem>>, vector<16xi32>,
      %mul3A_172 = arith.constant 65 : i32
      %mul3A_173 = vector.broadcast %mul3A_172 : i32 to vector<16xi32>
      %mul3A_174 = arith.muli %get3A_171, %mul3A_173 : vector<16xi32>
      %get3A_175 = arith.constant 2 : i32
      %get3A_176 = arith.index_cast %get3A_175 : i32 to index
      %get3A_177 = arith.constant 64 : index
      %get3A_178 = tpu.vector_load %arg6[%get3A_176, %get3A_177] {strides = array<i32>} : memref<5x128xi32, #tpu.memory_space<vmem>>, vector<16xi32>,
      %mul3A_179 = arith.constant 65 : i32
      %mul3A_180 = vector.broadcast %mul3A_179 : i32 to vector<16xi32>
      %mul3A_181 = arith.muli %get3A_178, %mul3A_180 : vector<16xi32>
      %get3A_182 = arith.constant 3 : i32
      %get3A_183 = arith.index_cast %get3A_182 : i32 to index
      %get3A_184 = arith.constant 64 : index
      %get3A_185 = tpu.vector_load %arg6[%get3A_183, %get3A_184] {strides = array<i32>} : memref<5x128xi32, #tpu.memory_space<vmem>>, vector<16xi32>,
      %mul3A_186 = arith.constant 65 : i32
      %mul3A_187 = vector.broadcast %mul3A_186 : i32 to vector<16xi32>
      %mul3A_188 = arith.muli %get3A_185, %mul3A_187 : vector<16xi32>
      %get3A_189 = arith.constant 4 : i32
      %get3A_190 = arith.index_cast %get3A_189 : i32 to index
      %get3A_191 = arith.constant 64 : index
      %get3A_192 = tpu.vector_load %arg6[%get3A_190, %get3A_191] {strides = array<i32>} : memref<5x128xi32, #tpu.memory_space<vmem>>, vector<16xi32>,
      %mul3A_193 = arith.constant 65 : i32
      %mul3A_194 = vector.broadcast %mul3A_193 : i32 to vector<16xi32>
      %mul3A_195 = arith.muli %get3A_192, %mul3A_194 : vector<16xi32>
      %parallel_loop3A_196 = arith.constant 0 : i32
      %parallel_loop3A_197 = arith.constant 64 : i32
      %parallel_loop3A_198 = arith.constant 1 : i32
      scf.for %parallel_loop3A_315 = %parallel_loop3A_196 to %parallel_loop3A_197 step %parallel_loop3A_198  : i32 {
        %parallel_loop3A_316 = vector.broadcast %parallel_loop3A_315 : i32 to vector<16xi32>
        %parallel_loop3A_317 = arith.addi %mul3A_167, %parallel_loop3A_316 : vector<16xi32>
        %parallel_loop3A_318 = tpu.vector_load_idx %arg5[%parallel_loop3A_317] : memref<4290xf32, #tpu.memory_space<vmem>>[vector<16xi32>], vector<16xf32>,
        %parallel_loop3A_319 = vector.broadcast %parallel_loop3A_315 : i32 to vector<16xi32>
        %parallel_loop3A_320 = arith.addi %mul3A_174, %parallel_loop3A_319 : vector<16xi32>
        %parallel_loop3A_321 = tpu.vector_load_idx %arg5[%parallel_loop3A_320] : memref<4290xf32, #tpu.memory_space<vmem>>[vector<16xi32>], vector<16xf32>,
        %parallel_loop3A_322 = vector.broadcast %parallel_loop3A_315 : i32 to vector<16xi32>
        %parallel_loop3A_323 = arith.addi %mul3A_181, %parallel_loop3A_322 : vector<16xi32>
        %parallel_loop3A_324 = tpu.vector_load_idx %arg5[%parallel_loop3A_323] : memref<4290xf32, #tpu.memory_space<vmem>>[vector<16xi32>], vector<16xf32>,
        %parallel_loop3A_325 = arith.addf %parallel_loop3A_321, %parallel_loop3A_324 : vector<16xf32>
        %parallel_loop3A_326 = vector.broadcast %parallel_loop3A_315 : i32 to vector<16xi32>
        %parallel_loop3A_327 = arith.addi %mul3A_188, %parallel_loop3A_326 : vector<16xi32>
        %parallel_loop3A_328 = tpu.vector_load_idx %arg5[%parallel_loop3A_327] : memref<4290xf32, #tpu.memory_space<vmem>>[vector<16xi32>], vector<16xf32>,
        %parallel_loop3A_329 = arith.addf %parallel_loop3A_325, %parallel_loop3A_328 : vector<16xf32>
        %parallel_loop3A_330 = vector.broadcast %parallel_loop3A_315 : i32 to vector<16xi32>
        %parallel_loop3A_331 = arith.addi %mul3A_195, %parallel_loop3A_330 : vector<16xi32>
        %parallel_loop3A_332 = tpu.vector_load_idx %arg5[%parallel_loop3A_331] : memref<4290xf32, #tpu.memory_space<vmem>>[vector<16xi32>], vector<16xf32>,
        %parallel_loop3A_333 = arith.addf %parallel_loop3A_329, %parallel_loop3A_332 : vector<16xf32>
        %parallel_loop3A_334 = arith.index_cast %parallel_loop3A_315 : i32 to index
        %parallel_loop3A_335 = arith.constant 64 : index
        %parallel_loop3A_336 = tpu.vector_load %arg7[%parallel_loop3A_334, %parallel_loop3A_335] {strides = array<i32>} : memref<128x128xf32, #tpu.memory_space<vmem>>, vector<16xf32>,
        tpu.vector_store %arg7[%parallel_loop3A_334, %parallel_loop3A_335], %parallel_loop3A_318 {strides = array<i32>} : memref<128x128xf32, #tpu.memory_space<vmem>>, vector<16xf32>,
        %parallel_loop3A_337 = arith.constant 64 : i32
        %parallel_loop3A_338 = arith.addi %parallel_loop3A_337, %parallel_loop3A_315 : i32
        %parallel_loop3A_339 = arith.index_cast %parallel_loop3A_338 : i32 to index
        %parallel_loop3A_340 = arith.constant 64 : index
        %parallel_loop3A_341 = tpu.vector_load %arg7[%parallel_loop3A_339, %parallel_loop3A_340] {strides = array<i32>} : memref<128x128xf32, #tpu.memory_space<vmem>>, vector<16xf32>,
        tpu.vector_store %arg7[%parallel_loop3A_339, %parallel_loop3A_340], %parallel_loop3A_333 {strides = array<i32>} : memref<128x128xf32, #tpu.memory_space<vmem>>, vector<16xf32>,
      } {sc.loop_unroll_factor = 8 : i64, sc.parallel_access}
      %get3A_199 = arith.constant 0 : i32
      %get3A_200 = arith.index_cast %get3A_199 : i32 to index
      %get3A_201 = arith.constant 80 : index
      %get3A_202 = tpu.vector_load %arg6[%get3A_200, %get3A_201] {strides = array<i32>} : memref<5x128xi32, #tpu.memory_space<vmem>>, vector<16xi32>,
      %mul3A_203 = arith.constant 65 : i32
      %mul3A_204 = vector.broadcast %mul3A_203 : i32 to vector<16xi32>
      %mul3A_205 = arith.muli %get3A_202, %mul3A_204 : vector<16xi32>
      %get3A_206 = arith.constant 1 : i32
      %get3A_207 = arith.index_cast %get3A_206 : i32 to index
      %get3A_208 = arith.constant 80 : index
      %get3A_209 = tpu.vector_load %arg6[%get3A_207, %get3A_208] {strides = array<i32>} : memref<5x128xi32, #tpu.memory_space<vmem>>, vector<16xi32>,
      %mul3A_210 = arith.constant 65 : i32
      %mul3A_211 = vector.broadcast %mul3A_210 : i32 to vector<16xi32>
      %mul3A_212 = arith.muli %get3A_209, %mul3A_211 : vector<16xi32>
      %get3A_213 = arith.constant 2 : i32
      %get3A_214 = arith.index_cast %get3A_213 : i32 to index
      %get3A_215 = arith.constant 80 : index
      %get3A_216 = tpu.vector_load %arg6[%get3A_214, %get3A_215] {strides = array<i32>} : memref<5x128xi32, #tpu.memory_space<vmem>>, vector<16xi32>,
      %mul3A_217 = arith.constant 65 : i32
      %mul3A_218 = vector.broadcast %mul3A_217 : i32 to vector<16xi32>
      %mul3A_219 = arith.muli %get3A_216, %mul3A_218 : vector<16xi32>
      %get3A_220 = arith.constant 3 : i32
      %get3A_221 = arith.index_cast %get3A_220 : i32 to index
      %get3A_222 = arith.constant 80 : index
      %get3A_223 = tpu.vector_load %arg6[%get3A_221, %get3A_222] {strides = array<i32>} : memref<5x128xi32, #tpu.memory_space<vmem>>, vector<16xi32>,
      %mul3A_224 = arith.constant 65 : i32
      %mul3A_225 = vector.broadcast %mul3A_224 : i32 to vector<16xi32>
      %mul3A_226 = arith.muli %get3A_223, %mul3A_225 : vector<16xi32>
      %get3A_227 = arith.constant 4 : i32
      %get3A_228 = arith.index_cast %get3A_227 : i32 to index
      %get3A_229 = arith.constant 80 : index
      %get3A_230 = tpu.vector_load %arg6[%get3A_228, %get3A_229] {strides = array<i32>} : memref<5x128xi32, #tpu.memory_space<vmem>>, vector<16xi32>,
      %mul3A_231 = arith.constant 65 : i32
      %mul3A_232 = vector.broadcast %mul3A_231 : i32 to vector<16xi32>
      %mul3A_233 = arith.muli %get3A_230, %mul3A_232 : vector<16xi32>
      %parallel_loop3A_234 = arith.constant 0 : i32
      %parallel_loop3A_235 = arith.constant 64 : i32
      %parallel_loop3A_236 = arith.constant 1 : i32
      scf.for %parallel_loop3A_315 = %parallel_loop3A_234 to %parallel_loop3A_235 step %parallel_loop3A_236  : i32 {
        %parallel_loop3A_316 = vector.broadcast %parallel_loop3A_315 : i32 to vector<16xi32>
        %parallel_loop3A_317 = arith.addi %mul3A_205, %parallel_loop3A_316 : vector<16xi32>
        %parallel_loop3A_318 = tpu.vector_load_idx %arg5[%parallel_loop3A_317] : memref<4290xf32, #tpu.memory_space<vmem>>[vector<16xi32>], vector<16xf32>,
        %parallel_loop3A_319 = vector.broadcast %parallel_loop3A_315 : i32 to vector<16xi32>
        %parallel_loop3A_320 = arith.addi %mul3A_212, %parallel_loop3A_319 : vector<16xi32>
        %parallel_loop3A_321 = tpu.vector_load_idx %arg5[%parallel_loop3A_320] : memref<4290xf32, #tpu.memory_space<vmem>>[vector<16xi32>], vector<16xf32>,
        %parallel_loop3A_322 = vector.broadcast %parallel_loop3A_315 : i32 to vector<16xi32>
        %parallel_loop3A_323 = arith.addi %mul3A_219, %parallel_loop3A_322 : vector<16xi32>
        %parallel_loop3A_324 = tpu.vector_load_idx %arg5[%parallel_loop3A_323] : memref<4290xf32, #tpu.memory_space<vmem>>[vector<16xi32>], vector<16xf32>,
        %parallel_loop3A_325 = arith.addf %parallel_loop3A_321, %parallel_loop3A_324 : vector<16xf32>
        %parallel_loop3A_326 = vector.broadcast %parallel_loop3A_315 : i32 to vector<16xi32>
        %parallel_loop3A_327 = arith.addi %mul3A_226, %parallel_loop3A_326 : vector<16xi32>
        %parallel_loop3A_328 = tpu.vector_load_idx %arg5[%parallel_loop3A_327] : memref<4290xf32, #tpu.memory_space<vmem>>[vector<16xi32>], vector<16xf32>,
        %parallel_loop3A_329 = arith.addf %parallel_loop3A_325, %parallel_loop3A_328 : vector<16xf32>
        %parallel_loop3A_330 = vector.broadcast %parallel_loop3A_315 : i32 to vector<16xi32>
        %parallel_loop3A_331 = arith.addi %mul3A_233, %parallel_loop3A_330 : vector<16xi32>
        %parallel_loop3A_332 = tpu.vector_load_idx %arg5[%parallel_loop3A_331] : memref<4290xf32, #tpu.memory_space<vmem>>[vector<16xi32>], vector<16xf32>,
        %parallel_loop3A_333 = arith.addf %parallel_loop3A_329, %parallel_loop3A_332 : vector<16xf32>
        %parallel_loop3A_334 = arith.index_cast %parallel_loop3A_315 : i32 to index
        %parallel_loop3A_335 = arith.constant 80 : index
        %parallel_loop3A_336 = tpu.vector_load %arg7[%parallel_loop3A_334, %parallel_loop3A_335] {strides = array<i32>} : memref<128x128xf32, #tpu.memory_space<vmem>>, vector<16xf32>,
        tpu.vector_store %arg7[%parallel_loop3A_334, %parallel_loop3A_335], %parallel_loop3A_318 {strides = array<i32>} : memref<128x128xf32, #tpu.memory_space<vmem>>, vector<16xf32>,
        %parallel_loop3A_337 = arith.constant 64 : i32
        %parallel_loop3A_338 = arith.addi %parallel_loop3A_337, %parallel_loop3A_315 : i32
        %parallel_loop3A_339 = arith.index_cast %parallel_loop3A_338 : i32 to index
        %parallel_loop3A_340 = arith.constant 80 : index
        %parallel_loop3A_341 = tpu.vector_load %arg7[%parallel_loop3A_339, %parallel_loop3A_340] {strides = array<i32>} : memref<128x128xf32, #tpu.memory_space<vmem>>, vector<16xf32>,
        tpu.vector_store %arg7[%parallel_loop3A_339, %parallel_loop3A_340], %parallel_loop3A_333 {strides = array<i32>} : memref<128x128xf32, #tpu.memory_space<vmem>>, vector<16xf32>,
      } {sc.loop_unroll_factor = 8 : i64, sc.parallel_access}
      %get3A_237 = arith.constant 0 : i32
      %get3A_238 = arith.index_cast %get3A_237 : i32 to index
      %get3A_239 = arith.constant 96 : index
      %get3A_240 = tpu.vector_load %arg6[%get3A_238, %get3A_239] {strides = array<i32>} : memref<5x128xi32, #tpu.memory_space<vmem>>, vector<16xi32>,
      %mul3A_241 = arith.constant 65 : i32
      %mul3A_242 = vector.broadcast %mul3A_241 : i32 to vector<16xi32>
      %mul3A_243 = arith.muli %get3A_240, %mul3A_242 : vector<16xi32>
      %get3A_244 = arith.constant 1 : i32
      %get3A_245 = arith.index_cast %get3A_244 : i32 to index
      %get3A_246 = arith.constant 96 : index
      %get3A_247 = tpu.vector_load %arg6[%get3A_245, %get3A_246] {strides = array<i32>} : memref<5x128xi32, #tpu.memory_space<vmem>>, vector<16xi32>,
      %mul3A_248 = arith.constant 65 : i32
      %mul3A_249 = vector.broadcast %mul3A_248 : i32 to vector<16xi32>
      %mul3A_250 = arith.muli %get3A_247, %mul3A_249 : vector<16xi32>
      %get3A_251 = arith.constant 2 : i32
      %get3A_252 = arith.index_cast %get3A_251 : i32 to index
      %get3A_253 = arith.constant 96 : index
      %get3A_254 = tpu.vector_load %arg6[%get3A_252, %get3A_253] {strides = array<i32>} : memref<5x128xi32, #tpu.memory_space<vmem>>, vector<16xi32>,
      %mul3A_255 = arith.constant 65 : i32
      %mul3A_256 = vector.broadcast %mul3A_255 : i32 to vector<16xi32>
      %mul3A_257 = arith.muli %get3A_254, %mul3A_256 : vector<16xi32>
      %get3A_258 = arith.constant 3 : i32
      %get3A_259 = arith.index_cast %get3A_258 : i32 to index
      %get3A_260 = arith.constant 96 : index
      %get3A_261 = tpu.vector_load %arg6[%get3A_259, %get3A_260] {strides = array<i32>} : memref<5x128xi32, #tpu.memory_space<vmem>>, vector<16xi32>,
      %mul3A_262 = arith.constant 65 : i32
      %mul3A_263 = vector.broadcast %mul3A_262 : i32 to vector<16xi32>
      %mul3A_264 = arith.muli %get3A_261, %mul3A_263 : vector<16xi32>
      %get3A_265 = arith.constant 4 : i32
      %get3A_266 = arith.index_cast %get3A_265 : i32 to index
      %get3A_267 = arith.constant 96 : index
      %get3A_268 = tpu.vector_load %arg6[%get3A_266, %get3A_267] {strides = array<i32>} : memref<5x128xi32, #tpu.memory_space<vmem>>, vector<16xi32>,
      %mul3A_269 = arith.constant 65 : i32
      %mul3A_270 = vector.broadcast %mul3A_269 : i32 to vector<16xi32>
      %mul3A_271 = arith.muli %get3A_268, %mul3A_270 : vector<16xi32>
      %parallel_loop3A_272 = arith.constant 0 : i32
      %parallel_loop3A_273 = arith.constant 64 : i32
      %parallel_loop3A_274 = arith.constant 1 : i32
      scf.for %parallel_loop3A_315 = %parallel_loop3A_272 to %parallel_loop3A_273 step %parallel_loop3A_274  : i32 {
        %parallel_loop3A_316 = vector.broadcast %parallel_loop3A_315 : i32 to vector<16xi32>
        %parallel_loop3A_317 = arith.addi %mul3A_243, %parallel_loop3A_316 : vector<16xi32>
        %parallel_loop3A_318 = tpu.vector_load_idx %arg5[%parallel_loop3A_317] : memref<4290xf32, #tpu.memory_space<vmem>>[vector<16xi32>], vector<16xf32>,
        %parallel_loop3A_319 = vector.broadcast %parallel_loop3A_315 : i32 to vector<16xi32>
        %parallel_loop3A_320 = arith.addi %mul3A_250, %parallel_loop3A_319 : vector<16xi32>
        %parallel_loop3A_321 = tpu.vector_load_idx %arg5[%parallel_loop3A_320] : memref<4290xf32, #tpu.memory_space<vmem>>[vector<16xi32>], vector<16xf32>,
        %parallel_loop3A_322 = vector.broadcast %parallel_loop3A_315 : i32 to vector<16xi32>
        %parallel_loop3A_323 = arith.addi %mul3A_257, %parallel_loop3A_322 : vector<16xi32>
        %parallel_loop3A_324 = tpu.vector_load_idx %arg5[%parallel_loop3A_323] : memref<4290xf32, #tpu.memory_space<vmem>>[vector<16xi32>], vector<16xf32>,
        %parallel_loop3A_325 = arith.addf %parallel_loop3A_321, %parallel_loop3A_324 : vector<16xf32>
        %parallel_loop3A_326 = vector.broadcast %parallel_loop3A_315 : i32 to vector<16xi32>
        %parallel_loop3A_327 = arith.addi %mul3A_264, %parallel_loop3A_326 : vector<16xi32>
        %parallel_loop3A_328 = tpu.vector_load_idx %arg5[%parallel_loop3A_327] : memref<4290xf32, #tpu.memory_space<vmem>>[vector<16xi32>], vector<16xf32>,
        %parallel_loop3A_329 = arith.addf %parallel_loop3A_325, %parallel_loop3A_328 : vector<16xf32>
        %parallel_loop3A_330 = vector.broadcast %parallel_loop3A_315 : i32 to vector<16xi32>
        %parallel_loop3A_331 = arith.addi %mul3A_271, %parallel_loop3A_330 : vector<16xi32>
        %parallel_loop3A_332 = tpu.vector_load_idx %arg5[%parallel_loop3A_331] : memref<4290xf32, #tpu.memory_space<vmem>>[vector<16xi32>], vector<16xf32>,
        %parallel_loop3A_333 = arith.addf %parallel_loop3A_329, %parallel_loop3A_332 : vector<16xf32>
        %parallel_loop3A_334 = arith.index_cast %parallel_loop3A_315 : i32 to index
        %parallel_loop3A_335 = arith.constant 96 : index
        %parallel_loop3A_336 = tpu.vector_load %arg7[%parallel_loop3A_334, %parallel_loop3A_335] {strides = array<i32>} : memref<128x128xf32, #tpu.memory_space<vmem>>, vector<16xf32>,
        tpu.vector_store %arg7[%parallel_loop3A_334, %parallel_loop3A_335], %parallel_loop3A_318 {strides = array<i32>} : memref<128x128xf32, #tpu.memory_space<vmem>>, vector<16xf32>,
        %parallel_loop3A_337 = arith.constant 64 : i32
        %parallel_loop3A_338 = arith.addi %parallel_loop3A_337, %parallel_loop3A_315 : i32
        %parallel_loop3A_339 = arith.index_cast %parallel_loop3A_338 : i32 to index
        %parallel_loop3A_340 = arith.constant 96 : index
        %parallel_loop3A_341 = tpu.vector_load %arg7[%parallel_loop3A_339, %parallel_loop3A_340] {strides = array<i32>} : memref<128x128xf32, #tpu.memory_space<vmem>>, vector<16xf32>,
        tpu.vector_store %arg7[%parallel_loop3A_339, %parallel_loop3A_340], %parallel_loop3A_333 {strides = array<i32>} : memref<128x128xf32, #tpu.memory_space<vmem>>, vector<16xf32>,
      } {sc.loop_unroll_factor = 8 : i64, sc.parallel_access}
      %get3A_275 = arith.constant 0 : i32
      %get3A_276 = arith.index_cast %get3A_275 : i32 to index
      %get3A_277 = arith.constant 112 : index
      %get3A_278 = tpu.vector_load %arg6[%get3A_276, %get3A_277] {strides = array<i32>} : memref<5x128xi32, #tpu.memory_space<vmem>>, vector<16xi32>,
      %mul3A_279 = arith.constant 65 : i32
      %mul3A_280 = vector.broadcast %mul3A_279 : i32 to vector<16xi32>
      %mul3A_281 = arith.muli %get3A_278, %mul3A_280 : vector<16xi32>
      %get3A_282 = arith.constant 1 : i32
      %get3A_283 = arith.index_cast %get3A_282 : i32 to index
      %get3A_284 = arith.constant 112 : index
      %get3A_285 = tpu.vector_load %arg6[%get3A_283, %get3A_284] {strides = array<i32>} : memref<5x128xi32, #tpu.memory_space<vmem>>, vector<16xi32>,
      %mul3A_286 = arith.constant 65 : i32
      %mul3A_287 = vector.broadcast %mul3A_286 : i32 to vector<16xi32>
      %mul3A_288 = arith.muli %get3A_285, %mul3A_287 : vector<16xi32>
      %get3A_289 = arith.constant 2 : i32
      %get3A_290 = arith.index_cast %get3A_289 : i32 to index
      %get3A_291 = arith.constant 112 : index
      %get3A_292 = tpu.vector_load %arg6[%get3A_290, %get3A_291] {strides = array<i32>} : memref<5x128xi32, #tpu.memory_space<vmem>>, vector<16xi32>,
      %mul3A_293 = arith.constant 65 : i32
      %mul3A_294 = vector.broadcast %mul3A_293 : i32 to vector<16xi32>
      %mul3A_295 = arith.muli %get3A_292, %mul3A_294 : vector<16xi32>
      %get3A_296 = arith.constant 3 : i32
      %get3A_297 = arith.index_cast %get3A_296 : i32 to index
      %get3A_298 = arith.constant 112 : index
      %get3A_299 = tpu.vector_load %arg6[%get3A_297, %get3A_298] {strides = array<i32>} : memref<5x128xi32, #tpu.memory_space<vmem>>, vector<16xi32>,
      %mul3A_300 = arith.constant 65 : i32
      %mul3A_301 = vector.broadcast %mul3A_300 : i32 to vector<16xi32>
      %mul3A_302 = arith.muli %get3A_299, %mul3A_301 : vector<16xi32>
      %get3A_303 = arith.constant 4 : i32
      %get3A_304 = arith.index_cast %get3A_303 : i32 to index
      %get3A_305 = arith.constant 112 : index
      %get3A_306 = tpu.vector_load %arg6[%get3A_304, %get3A_305] {strides = array<i32>} : memref<5x128xi32, #tpu.memory_space<vmem>>, vector<16xi32>,
      %mul3A_307 = arith.constant 65 : i32
      %mul3A_308 = vector.broadcast %mul3A_307 : i32 to vector<16xi32>
      %mul3A_309 = arith.muli %get3A_306, %mul3A_308 : vector<16xi32>
      %parallel_loop3A_310 = arith.constant 0 : i32
      %parallel_loop3A_311 = arith.constant 64 : i32
      %parallel_loop3A_312 = arith.constant 1 : i32
      scf.for %parallel_loop3A_315 = %parallel_loop3A_310 to %parallel_loop3A_311 step %parallel_loop3A_312  : i32 {
        %parallel_loop3A_316 = vector.broadcast %parallel_loop3A_315 : i32 to vector<16xi32>
        %parallel_loop3A_317 = arith.addi %mul3A_281, %parallel_loop3A_316 : vector<16xi32>
        %parallel_loop3A_318 = tpu.vector_load_idx %arg5[%parallel_loop3A_317] : memref<4290xf32, #tpu.memory_space<vmem>>[vector<16xi32>], vector<16xf32>,
        %parallel_loop3A_319 = vector.broadcast %parallel_loop3A_315 : i32 to vector<16xi32>
        %parallel_loop3A_320 = arith.addi %mul3A_288, %parallel_loop3A_319 : vector<16xi32>
        %parallel_loop3A_321 = tpu.vector_load_idx %arg5[%parallel_loop3A_320] : memref<4290xf32, #tpu.memory_space<vmem>>[vector<16xi32>], vector<16xf32>,
        %parallel_loop3A_322 = vector.broadcast %parallel_loop3A_315 : i32 to vector<16xi32>
        %parallel_loop3A_323 = arith.addi %mul3A_295, %parallel_loop3A_322 : vector<16xi32>
        %parallel_loop3A_324 = tpu.vector_load_idx %arg5[%parallel_loop3A_323] : memref<4290xf32, #tpu.memory_space<vmem>>[vector<16xi32>], vector<16xf32>,
        %parallel_loop3A_325 = arith.addf %parallel_loop3A_321, %parallel_loop3A_324 : vector<16xf32>
        %parallel_loop3A_326 = vector.broadcast %parallel_loop3A_315 : i32 to vector<16xi32>
        %parallel_loop3A_327 = arith.addi %mul3A_302, %parallel_loop3A_326 : vector<16xi32>
        %parallel_loop3A_328 = tpu.vector_load_idx %arg5[%parallel_loop3A_327] : memref<4290xf32, #tpu.memory_space<vmem>>[vector<16xi32>], vector<16xf32>,
        %parallel_loop3A_329 = arith.addf %parallel_loop3A_325, %parallel_loop3A_328 : vector<16xf32>
        %parallel_loop3A_330 = vector.broadcast %parallel_loop3A_315 : i32 to vector<16xi32>
        %parallel_loop3A_331 = arith.addi %mul3A_309, %parallel_loop3A_330 : vector<16xi32>
        %parallel_loop3A_332 = tpu.vector_load_idx %arg5[%parallel_loop3A_331] : memref<4290xf32, #tpu.memory_space<vmem>>[vector<16xi32>], vector<16xf32>,
        %parallel_loop3A_333 = arith.addf %parallel_loop3A_329, %parallel_loop3A_332 : vector<16xf32>
        %parallel_loop3A_334 = arith.index_cast %parallel_loop3A_315 : i32 to index
        %parallel_loop3A_335 = arith.constant 112 : index
        %parallel_loop3A_336 = tpu.vector_load %arg7[%parallel_loop3A_334, %parallel_loop3A_335] {strides = array<i32>} : memref<128x128xf32, #tpu.memory_space<vmem>>, vector<16xf32>,
        tpu.vector_store %arg7[%parallel_loop3A_334, %parallel_loop3A_335], %parallel_loop3A_318 {strides = array<i32>} : memref<128x128xf32, #tpu.memory_space<vmem>>, vector<16xf32>,
        %parallel_loop3A_337 = arith.constant 64 : i32
        %parallel_loop3A_338 = arith.addi %parallel_loop3A_337, %parallel_loop3A_315 : i32
        %parallel_loop3A_339 = arith.index_cast %parallel_loop3A_338 : i32 to index
        %parallel_loop3A_340 = arith.constant 112 : index
        %parallel_loop3A_341 = tpu.vector_load %arg7[%parallel_loop3A_339, %parallel_loop3A_340] {strides = array<i32>} : memref<128x128xf32, #tpu.memory_space<vmem>>, vector<16xf32>,
        tpu.vector_store %arg7[%parallel_loop3A_339, %parallel_loop3A_340], %parallel_loop3A_333 {strides = array<i32>} : memref<128x128xf32, #tpu.memory_space<vmem>>, vector<16xf32>,
      } {sc.loop_unroll_factor = 8 : i64, sc.parallel_access}
      %mul3A_313 = arith.constant 128 : i32
      %mul3A_314 = arith.muli %add3A, %mul3A_313 : i32
      "tpu.region"() ({
        %run_scoped3A = tpu.sem_alloc : memref<!tpu.dma_semaphore, #tpu.memory_space<semaphore_mem>>
        %dma_start3A_315 = arith.constant 0 : i32
        %dma_start3A_316 = tpu.memref_slice %arg4[%dma_start3A_315, %mul3A_314] : memref<128x1024xf32, #tpu.memory_space<hbm>> -> memref<128x128xf32, #tpu.memory_space<hbm>>
        %dma_start3A_317 = arith.constant 0 : i32
        %dma_start3A_318 = tpu.memref_slice %arg4[%dma_start3A_317, %mul3A_314] : memref<128x1024xf32, #tpu.memory_space<hbm>> -> memref<128x128xf32, #tpu.memory_space<hbm>>
        tpu.enqueue_dma source(%arg7 : memref<128x128xf32, #tpu.memory_space<vmem>>) target(%dma_start3A_318 : memref<128x128xf32, #tpu.memory_space<hbm>>) target_semaphore(%run_scoped3A : memref<!tpu.dma_semaphore, #tpu.memory_space<semaphore_mem>>)
        %dma_wait3A_319 = arith.constant 0 : i32
        %dma_wait3A_320 = tpu.memref_slice %arg4[%dma_wait3A_319, %mul3A_314] : memref<128x1024xf32, #tpu.memory_space<hbm>> -> memref<128x128xf32, #tpu.memory_space<hbm>>
        %dma_wait3A_321 = arith.constant 0 : i32
        %dma_wait3A_322 = tpu.memref_slice %arg4[%dma_wait3A_321, %mul3A_314] : memref<128x1024xf32, #tpu.memory_space<hbm>> -> memref<128x128xf32, #tpu.memory_space<hbm>>
        tpu.wait_dma2 semaphore(%run_scoped3A : memref<!tpu.dma_semaphore, #tpu.memory_space<semaphore_mem>>) src(%arg7 : memref<128x128xf32, #tpu.memory_space<vmem>>) dst(%dma_wait3A_322 : memref<128x128xf32, #tpu.memory_space<hbm>>)
        tpu.yield
      }) : () -> ()
    } else {
    }
    return
  }
}

module attributes {stable_mosaic.version = 14 : i64} {
  func.func @_tc_mlp(%arg0: i32, %arg1: memref<128x1024xf32, #tpu.memory_space<vmem>>, %arg2: memref<128x64xf32, #tpu.memory_space<vmem>>, %arg3: memref<64xf32, #tpu.memory_space<vmem>>, %arg4: memref<64x64xf32, #tpu.memory_space<vmem>>, %arg5: memref<64xf32, #tpu.memory_space<vmem>>, %arg6: memref<1024x64xf32, #tpu.memory_space<vmem>>) attributes {dimension_semantics = [#tpu.dimension_semantics<arbitrary>], iteration_bounds = array<i64: 1>, scalar_prefetch = 0 : i64, scratch_operands = 0 : i64, tpu.core_type = #tpu.core_type<tc>, window_params = [{transform_indices = @transform_0, window_bounds = array<i64: 128, 1024>}, {pipeline_mode = #tpu.pipeline_mode<synchronous>, transform_indices = @transform_1, window_bounds = array<i64: 128, 64>}, {pipeline_mode = #tpu.pipeline_mode<synchronous>, transform_indices = @transform_2, window_bounds = array<i64: 64>}, {pipeline_mode = #tpu.pipeline_mode<synchronous>, transform_indices = @transform_3, window_bounds = array<i64: 64, 64>}, {pipeline_mode = #tpu.pipeline_mode<synchronous>, transform_indices = @transform_4, window_bounds = array<i64: 64>}, {transform_indices = @transform_5, window_bounds = array<i64: 1024, 64>}]} {
    %get3A = arith.constant 0 : index
    %get3A_0 = arith.constant 0 : index
    %get3A_1 = vector.load %arg2[%get3A, %get3A_0] : memref<128x64xf32, #tpu.memory_space<vmem>>, vector<64x64xf32>
    %get3A_2 = arith.constant 64 : index
    %get3A_3 = arith.constant 0 : index
    %get3A_4 = vector.load %arg2[%get3A_2, %get3A_3] : memref<128x64xf32, #tpu.memory_space<vmem>>, vector<64x64xf32>
    %mul3A = arith.constant 2.500000e-01 : f32
    %mul3A_5 = vector.broadcast %mul3A : f32 to vector<64x64xf32>
    %mul3A_6 = arith.mulf %get3A_4, %mul3A_5 : vector<64x64xf32>
    %concatenate3A = tpu.concatenate %get3A_1, %mul3A_6 in 0 : vector<64x64xf32>, vector<64x64xf32> -> vector<128x64xf32>
    %get3A_7 = arith.constant 0 : index
    %get3A_8 = arith.constant 0 : index
    %get3A_9 = vector.load %arg1[%get3A_7, %get3A_8] : memref<128x1024xf32, #tpu.memory_space<vmem>>, vector<128x1024xf32>
    %dot_general3A = arith.constant dense<0.000000e+00> : vector<1024x64xf32>
    %dot_general3A_10 = tpu.matmul %get3A_9, %concatenate3A, %dot_general3A {dimension_numbers = #tpu.dot_dimension_numbers<[0], [0], [1], [1], [0, 1, 1, 1], [], []>, transpose_lhs_hint = false} : vector<128x1024xf32>, vector<128x64xf32>, vector<1024x64xf32> -> vector<1024x64xf32>
    %get3A_11 = arith.constant 0 : index
    %get3A_12 = vector.load %arg3[%get3A_11] : memref<64xf32, #tpu.memory_space<vmem>>, vector<64xf32>
    %broadcast_in_dim3A = vector.shape_cast %get3A_12 : vector<64xf32> to vector<1x64xf32>
    %add3A = vector.broadcast %broadcast_in_dim3A : vector<1x64xf32> to vector<1024x64xf32>
    %add3A_13 = arith.addf %dot_general3A_10, %add3A : vector<1024x64xf32>
    %max3A = arith.constant 0.000000e+00 : f32
    %max3A_14 = vector.broadcast %max3A : f32 to vector<1024x64xf32>
    %max3A_15 = arith.maximumf %add3A_13, %max3A_14 : vector<1024x64xf32>
    %get3A_16 = arith.constant 0 : index
    %get3A_17 = arith.constant 0 : index
    %get3A_18 = vector.load %arg4[%get3A_16, %get3A_17] : memref<64x64xf32, #tpu.memory_space<vmem>>, vector<64x64xf32>
    %dot_general3A_19 = arith.constant dense<0.000000e+00> : vector<1024x64xf32>
    %dot_general3A_20 = tpu.matmul %max3A_15, %get3A_18, %dot_general3A_19 {dimension_numbers = #tpu.dot_dimension_numbers<[1], [0], [0], [1], [0, 0, 1, 1], [], []>, transpose_lhs_hint = false} : vector<1024x64xf32>, vector<64x64xf32>, vector<1024x64xf32> -> vector<1024x64xf32>
    %get3A_21 = arith.constant 0 : index
    %get3A_22 = vector.load %arg5[%get3A_21] : memref<64xf32, #tpu.memory_space<vmem>>, vector<64xf32>
    %broadcast_in_dim3A_23 = vector.shape_cast %get3A_22 : vector<64xf32> to vector<1x64xf32>
    %add3A_24 = vector.broadcast %broadcast_in_dim3A_23 : vector<1x64xf32> to vector<1024x64xf32>
    %add3A_25 = arith.addf %dot_general3A_20, %add3A_24 : vector<1024x64xf32>
    %swap3A = arith.constant 0 : index
    %swap3A_26 = arith.constant 0 : index
    %swap3A_27 = vector.load %arg6[%swap3A, %swap3A_26] : memref<1024x64xf32, #tpu.memory_space<vmem>>, vector<1024x64xf32>
    tpu.vector_store %arg6[%swap3A, %swap3A_26], %add3A_25 {strides = array<i32>} : memref<1024x64xf32, #tpu.memory_space<vmem>>, vector<1024x64xf32>,
    return
  }
  func.func @transform_0(%arg0: i32) -> (i32, i32) {
    %c0_i32 = arith.constant 0 : i32
    %c0_i32_0 = arith.constant 0 : i32
    return %c0_i32, %arg0 : i32, i32
  }
  func.func @transform_1(%arg0: i32) -> (i32, i32) {
    %c0_i32 = arith.constant 0 : i32
    %c0_i32_0 = arith.constant 0 : i32
    %c0_i32_1 = arith.constant 0 : i32
    return %c0_i32, %c0_i32_0 : i32, i32
  }
  func.func @transform_2(%arg0: i32) -> i32 {
    %c0_i32 = arith.constant 0 : i32
    %c0_i32_0 = arith.constant 0 : i32
    return %c0_i32 : i32
  }
  func.func @transform_3(%arg0: i32) -> (i32, i32) {
    %c0_i32 = arith.constant 0 : i32
    %c0_i32_0 = arith.constant 0 : i32
    %c0_i32_1 = arith.constant 0 : i32
    return %c0_i32, %c0_i32_0 : i32, i32
  }
  func.func @transform_4(%arg0: i32) -> i32 {
    %c0_i32 = arith.constant 0 : i32
    %c0_i32_0 = arith.constant 0 : i32
    return %c0_i32 : i32
  }
  func.func @transform_5(%arg0: i32) -> (i32, i32) {
    %c0_i32 = arith.constant 0 : i32
    %c0_i32_0 = arith.constant 0 : i32
    return %arg0, %c0_i32 : i32, i32
  }
}

module attributes {stable_mosaic.version = 14 : i64} {
  func.func @_tc_onehot(%arg0: i32, %arg1: memref<1024x8xi32, #tpu.memory_space<vmem>>, %arg2: memref<128x64xf32, #tpu.memory_space<vmem>>, %arg3: memref<128x64xf32, #tpu.memory_space<vmem>>, %arg4: memref<64xf32, #tpu.memory_space<vmem>>, %arg5: memref<64x64xf32, #tpu.memory_space<vmem>>, %arg6: memref<64xf32, #tpu.memory_space<vmem>>, %arg7: memref<1024x64xf32, #tpu.memory_space<vmem>>) attributes {dimension_semantics = [#tpu.dimension_semantics<arbitrary>], iteration_bounds = array<i64: 3>, scalar_prefetch = 0 : i64, scratch_operands = 0 : i64, tpu.core_type = #tpu.core_type<tc>, window_params = [{transform_indices = @transform_0, window_bounds = array<i64: 1024, 8>}, {pipeline_mode = #tpu.pipeline_mode<synchronous>, transform_indices = @transform_1, window_bounds = array<i64: 128, 64>}, {pipeline_mode = #tpu.pipeline_mode<synchronous>, transform_indices = @transform_2, window_bounds = array<i64: 128, 64>}, {pipeline_mode = #tpu.pipeline_mode<synchronous>, transform_indices = @transform_3, window_bounds = array<i64: 64>}, {pipeline_mode = #tpu.pipeline_mode<synchronous>, transform_indices = @transform_4, window_bounds = array<i64: 64, 64>}, {pipeline_mode = #tpu.pipeline_mode<synchronous>, transform_indices = @transform_5, window_bounds = array<i64: 64>}, {transform_indices = @transform_6, window_bounds = array<i64: 1024, 64>}]} {
    %get3A = arith.constant 0 : index
    %get3A_0 = arith.constant 0 : index
    %get3A_1 = vector.load %arg1[%get3A, %get3A_0] : memref<1024x8xi32, #tpu.memory_space<vmem>>, vector<1024x8xi32>
    %iota3A = tpu.iota {dimensions = array<i32: 1>} : vector<1024x128xi32>
    %slice3A = vector.extract_strided_slice %get3A_1 {offsets = [0, 0], sizes = [1024, 1], strides = [1, 1]} : vector<1024x8xi32> to vector<1024x1xi32>
    %eq3A = vector.broadcast %slice3A : vector<1024x1xi32> to vector<1024x128xi32>
    %eq3A_2 = arith.cmpi eq, %eq3A, %iota3A : vector<1024x128xi32>
    %convert_element_type3A = arith.extui %eq3A_2 : vector<1024x128xi1> to vector<1024x128xi32>
    %convert_element_type3A_3 = arith.sitofp %convert_element_type3A : vector<1024x128xi32> to vector<1024x128xf32>
    %slice3A_4 = vector.extract_strided_slice %get3A_1 {offsets = [0, 1], sizes = [1024, 1], strides = [1, 1]} : vector<1024x8xi32> to vector<1024x1xi32>
    %eq3A_5 = vector.broadcast %slice3A_4 : vector<1024x1xi32> to vector<1024x128xi32>
    %eq3A_6 = arith.cmpi eq, %eq3A_5, %iota3A : vector<1024x128xi32>
    %convert_element_type3A_7 = arith.extui %eq3A_6 : vector<1024x128xi1> to vector<1024x128xi32>
    %convert_element_type3A_8 = arith.sitofp %convert_element_type3A_7 : vector<1024x128xi32> to vector<1024x128xf32>
    %slice3A_9 = vector.extract_strided_slice %get3A_1 {offsets = [0, 2], sizes = [1024, 1], strides = [1, 1]} : vector<1024x8xi32> to vector<1024x1xi32>
    %eq3A_10 = vector.broadcast %slice3A_9 : vector<1024x1xi32> to vector<1024x128xi32>
    %eq3A_11 = arith.cmpi eq, %eq3A_10, %iota3A : vector<1024x128xi32>
    %convert_element_type3A_12 = arith.extui %eq3A_11 : vector<1024x128xi1> to vector<1024x128xi32>
    %convert_element_type3A_13 = arith.sitofp %convert_element_type3A_12 : vector<1024x128xi32> to vector<1024x128xf32>
    %add3A = arith.addf %convert_element_type3A_8, %convert_element_type3A_13 : vector<1024x128xf32>
    %slice3A_14 = vector.extract_strided_slice %get3A_1 {offsets = [0, 3], sizes = [1024, 1], strides = [1, 1]} : vector<1024x8xi32> to vector<1024x1xi32>
    %eq3A_15 = vector.broadcast %slice3A_14 : vector<1024x1xi32> to vector<1024x128xi32>
    %eq3A_16 = arith.cmpi eq, %eq3A_15, %iota3A : vector<1024x128xi32>
    %convert_element_type3A_17 = arith.extui %eq3A_16 : vector<1024x128xi1> to vector<1024x128xi32>
    %convert_element_type3A_18 = arith.sitofp %convert_element_type3A_17 : vector<1024x128xi32> to vector<1024x128xf32>
    %add3A_19 = arith.addf %add3A, %convert_element_type3A_18 : vector<1024x128xf32>
    %slice3A_20 = vector.extract_strided_slice %get3A_1 {offsets = [0, 4], sizes = [1024, 1], strides = [1, 1]} : vector<1024x8xi32> to vector<1024x1xi32>
    %eq3A_21 = vector.broadcast %slice3A_20 : vector<1024x1xi32> to vector<1024x128xi32>
    %eq3A_22 = arith.cmpi eq, %eq3A_21, %iota3A : vector<1024x128xi32>
    %convert_element_type3A_23 = arith.extui %eq3A_22 : vector<1024x128xi1> to vector<1024x128xi32>
    %convert_element_type3A_24 = arith.sitofp %convert_element_type3A_23 : vector<1024x128xi32> to vector<1024x128xf32>
    %add3A_25 = arith.addf %add3A_19, %convert_element_type3A_24 : vector<1024x128xf32>
    %get3A_26 = arith.constant 0 : index
    %get3A_27 = arith.constant 0 : index
    %get3A_28 = vector.load %arg2[%get3A_26, %get3A_27] : memref<128x64xf32, #tpu.memory_space<vmem>>, vector<128x64xf32>
    %get3A_29 = arith.constant 0 : index
    %get3A_30 = arith.constant 0 : index
    %get3A_31 = vector.load %arg3[%get3A_29, %get3A_30] : memref<128x64xf32, #tpu.memory_space<vmem>>, vector<64x64xf32>
    %dot_general3A = arith.constant dense<0.000000e+00> : vector<128x64xf32>
    %dot_general3A_32 = tpu.matmul %get3A_28, %get3A_31, %dot_general3A {dimension_numbers = #tpu.dot_dimension_numbers<[1], [0], [0], [1], [0, 0, 1, 1], [], []>, transpose_lhs_hint = false} : vector<128x64xf32>, vector<64x64xf32>, vector<128x64xf32> -> vector<128x64xf32>
    %get3A_33 = arith.constant 64 : index
    %get3A_34 = arith.constant 0 : index
    %get3A_35 = vector.load %arg3[%get3A_33, %get3A_34] : memref<128x64xf32, #tpu.memory_space<vmem>>, vector<64x64xf32>
    %dot_general3A_36 = arith.constant dense<0.000000e+00> : vector<128x64xf32>
    %dot_general3A_37 = tpu.matmul %get3A_28, %get3A_35, %dot_general3A_36 {dimension_numbers = #tpu.dot_dimension_numbers<[1], [0], [0], [1], [0, 0, 1, 1], [], []>, transpose_lhs_hint = false} : vector<128x64xf32>, vector<64x64xf32>, vector<128x64xf32> -> vector<128x64xf32>
    %mul3A = arith.constant 2.500000e-01 : f32
    %mul3A_38 = vector.broadcast %mul3A : f32 to vector<128x64xf32>
    %mul3A_39 = arith.mulf %dot_general3A_37, %mul3A_38 : vector<128x64xf32>
    %dot_general3A_40 = arith.constant dense<0.000000e+00> : vector<1024x64xf32>
    %dot_general3A_41 = tpu.matmul %convert_element_type3A_3, %dot_general3A_32, %dot_general3A_40 {dimension_numbers = #tpu.dot_dimension_numbers<[1], [0], [0], [1], [0, 0, 1, 1], [], []>, transpose_lhs_hint = false} : vector<1024x128xf32>, vector<128x64xf32>, vector<1024x64xf32> -> vector<1024x64xf32>
    %dot_general3A_42 = arith.constant dense<0.000000e+00> : vector<1024x64xf32>
    %dot_general3A_43 = tpu.matmul %add3A_25, %mul3A_39, %dot_general3A_42 {dimension_numbers = #tpu.dot_dimension_numbers<[1], [0], [0], [1], [0, 0, 1, 1], [], []>, transpose_lhs_hint = false} : vector<1024x128xf32>, vector<128x64xf32>, vector<1024x64xf32> -> vector<1024x64xf32>
    %add3A_44 = arith.addf %dot_general3A_41, %dot_general3A_43 : vector<1024x64xf32>
    %get3A_45 = arith.constant 0 : index
    %get3A_46 = vector.load %arg4[%get3A_45] : memref<64xf32, #tpu.memory_space<vmem>>, vector<64xf32>
    %broadcast_in_dim3A = vector.shape_cast %get3A_46 : vector<64xf32> to vector<1x64xf32>
    %add3A_47 = vector.broadcast %broadcast_in_dim3A : vector<1x64xf32> to vector<1024x64xf32>
    %add3A_48 = arith.addf %add3A_44, %add3A_47 : vector<1024x64xf32>
    %max3A = arith.constant 0.000000e+00 : f32
    %max3A_49 = vector.broadcast %max3A : f32 to vector<1024x64xf32>
    %max3A_50 = arith.maximumf %add3A_48, %max3A_49 : vector<1024x64xf32>
    %get3A_51 = arith.constant 0 : index
    %get3A_52 = arith.constant 0 : index
    %get3A_53 = vector.load %arg5[%get3A_51, %get3A_52] : memref<64x64xf32, #tpu.memory_space<vmem>>, vector<64x64xf32>
    %dot_general3A_54 = arith.constant dense<0.000000e+00> : vector<1024x64xf32>
    %dot_general3A_55 = tpu.matmul %max3A_50, %get3A_53, %dot_general3A_54 {dimension_numbers = #tpu.dot_dimension_numbers<[1], [0], [0], [1], [0, 0, 1, 1], [], []>, transpose_lhs_hint = false} : vector<1024x64xf32>, vector<64x64xf32>, vector<1024x64xf32> -> vector<1024x64xf32>
    %get3A_56 = arith.constant 0 : index
    %get3A_57 = vector.load %arg6[%get3A_56] : memref<64xf32, #tpu.memory_space<vmem>>, vector<64xf32>
    %broadcast_in_dim3A_58 = vector.shape_cast %get3A_57 : vector<64xf32> to vector<1x64xf32>
    %add3A_59 = vector.broadcast %broadcast_in_dim3A_58 : vector<1x64xf32> to vector<1024x64xf32>
    %add3A_60 = arith.addf %dot_general3A_55, %add3A_59 : vector<1024x64xf32>
    %swap3A = arith.constant 0 : index
    %swap3A_61 = arith.constant 0 : index
    %swap3A_62 = vector.load %arg7[%swap3A, %swap3A_61] : memref<1024x64xf32, #tpu.memory_space<vmem>>, vector<1024x64xf32>
    tpu.vector_store %arg7[%swap3A, %swap3A_61], %add3A_60 {strides = array<i32>} : memref<1024x64xf32, #tpu.memory_space<vmem>>, vector<1024x64xf32>,
    return
  }
  func.func @transform_0(%arg0: i32) -> (i32, i32) {
    %c0_i32 = arith.constant 0 : i32
    %c0_i32_0 = arith.constant 0 : i32
    return %arg0, %c0_i32 : i32, i32
  }
  func.func @transform_1(%arg0: i32) -> (i32, i32) {
    %c0_i32 = arith.constant 0 : i32
    %c0_i32_0 = arith.constant 0 : i32
    %c0_i32_1 = arith.constant 0 : i32
    return %c0_i32, %c0_i32_0 : i32, i32
  }
  func.func @transform_2(%arg0: i32) -> (i32, i32) {
    %c0_i32 = arith.constant 0 : i32
    %c0_i32_0 = arith.constant 0 : i32
    %c0_i32_1 = arith.constant 0 : i32
    return %c0_i32, %c0_i32_0 : i32, i32
  }
  func.func @transform_3(%arg0: i32) -> i32 {
    %c0_i32 = arith.constant 0 : i32
    %c0_i32_0 = arith.constant 0 : i32
    return %c0_i32 : i32
  }
  func.func @transform_4(%arg0: i32) -> (i32, i32) {
    %c0_i32 = arith.constant 0 : i32
    %c0_i32_0 = arith.constant 0 : i32
    %c0_i32_1 = arith.constant 0 : i32
    return %c0_i32, %c0_i32_0 : i32, i32
  }
  func.func @transform_5(%arg0: i32) -> i32 {
    %c0_i32 = arith.constant 0 : i32
    %c0_i32_0 = arith.constant 0 : i32
    return %c0_i32 : i32
  }
  func.func @transform_6(%arg0: i32) -> (i32, i32) {
    %c0_i32 = arith.constant 0 : i32
    %c0_i32_0 = arith.constant 0 : i32
    return %arg0, %c0_i32 : i32, i32
  }
}

</mosaic_0001>

<sc_bundles>
// kernel: kernel.5.cloned.1.call-start
scs
__scs_entry_jumppad:
0x0: {  	(pc) =	sbr.rel $0x88, $3  }
0x1: {  	(tag) =	ssettag $0x0;
	lr =	simm.s32 $0x1  }
0x2: {  	[smem:$0x3F9A] =	sst lr;
	_ =	strace $0xD0000000  }
0x3: {  	_ = 	snop  }
0x4: {  	_ = 	snop  }
0x5: {  	_ = 	snop  }
0x6: {  	_ = 	snop  }
0x7: {  	_ = 	snop  }
__scs_overlays_trampoline_lowered:
0x8: {  	[smem:$0x3FA9] =	sst s0  }
0x9: {  	[smem:$0x3FAA] =	sst s1  }
0xa: {  	[smem:$0x3FAB] =	sst s2  }
0xb: {  	[smem:$0x3FAC] =	sst s3  }
0xc: {  	[smem:$0x3FAD] =	sst s4  }
0xd: {  	[smem:$0x3FAE] =	sst s5  }
0xe: {  	[smem:$0x3FAF] =	sst s6  }
0xf: {  	[smem:$0x3FB0] =	sst s7  }
0x10: {  	[smem:$0x3FB1] =	sst s8  }
0x11: {  	[smem:$0x3FB2] =	sst s9;
	s0 =	simm.s32 @!p0 $0x0  }
0x12: {  	s1 =	sld [smem:$0x3F98];
	s0 =	simm.s32 @p0 $0x1  }
0x13: {  	[smem:$0x3FB3] =	sst s0;
	s0 =	simm.s32 @!p1 $0x0  }
0x14: {  	s2 =	sld [smem:$0x3F97];
	s0 =	simm.s32 @p1 $0x1  }
0x15: {  	[smem:$0x3FB4] =	sst s0;
	s0 =	simm.s32 @!p2 $0x0  }
0x16: {  	s3 =	sld [smem:$0x3FDB];
	s0 =	simm.s32 @p2 $0x1  }
0x17: {  	s4 =	simm.s32 $0x1BF5;
	[smem:$0x3FB6] =	sst s0  }
0x18: {  	s0 =	sld [smem:$0x3F99];
	_ =	swait.ge [sflag:s4], $0x0  }
0x19: {  	s7 =	sld [smem:$0x3F9A]  }
0x1a: {  	s8 =	sadd.s32 $0xFFFFE003, lr  }
0x1b: {  	s9 =	sadd.s32 $0xFFFFFEF7, lr;
	s5 =	simm.s32 $0xFFFFFFFF;
	p2 =	slt.u32 s8, $0xFFFFF086  }
0x1c: {  	p1 =	slt.u32 s9, $0xF7A;
	s5 =	simm.s32 @!p2 $0x0  }
0x1d: {  	s5 =	simm.s32 @p1 $0x1;
	p0 =	seq.s32 s7, s2  }
0x1e: {  	s7 =	smul.u32 @!p0 $0xF7A, s2;
	p2 =	seq.s32 @!p0 s5, $0x0  }
0x1f: {  	s9 =	smul.u32 $0xF7A, s1;
	s8 =	simm.s32 @!p0 $0x1BF5;
	p2 =	por !p2, p0  }
0x20: {  	[sflag:s8] =	ssyncset.s32 @!p0 $0xFFFFF086;
	s6 =	sadd.s32 @!p0 s3, s7;
	s7 =	simm.s32 @!p0 $0x108  }
0x21: {  	s3 =	sadd.s32 s3, s9;
	s6 =	sadd.s32 @!p0 $0x88, s6;
	s7 =	simm.s32 @p2 $0x1082  }
0x22: {  	[simem:s7], [sflag:s8] =	dma.local @!p0 [hbm:s6], $0xF7A  }
0x23: {  	s9 =	sor.u32 $0xD0000000, s2;
	s6 =	simm.s32 $0x108;
	_ =	swait.ge @!p0 [sflag:s8], $0x0  }
0x24: {  	s3 =	sadd.s32 $0x88, s3;
	s6 =	simm.s32 @!p1 $0x1082;
	[sflag:s4] =	ssyncset.s32 $0xFFFFF086  }
0x25: {  	[simem:s6], [sflag:s4] =	dma.local [hbm:s3], $0xF7A  }
0x26: {  	[smem:$0x3F9A] =	sst s1;
	(tag) =	ssettag s2;
	_ =	strace s9  }
0x27: {  	s1 =	sld [smem:$0x3FAA]  }
0x28: {  	s2 =	sld [smem:$0x3FAB]  }
0x29: {  	s4 =	sld [smem:$0x3FAD]  }
0x2a: {  	p0 =	seq.s32 s5, $0x0;
	s5 =	sld [smem:$0x3FAE]  }
0x2b: {  	s6 =	sld [smem:$0x3FAF]  }
0x2c: {  	s7 =	sld [smem:$0x3FB0]  }
0x2d: {  	s3 =	simm.s32 $0x108;
	s8 =	sld [smem:$0x3FB1]  }
0x2e: {  	s3 =	simm.s32 @!p0 $0x1082;
	s9 =	sld [smem:$0x3FB2]  }
0x2f: {  	lr =	sadd.s32 s0, s3;
	s0 =	sld [smem:$0x3FA9]  }
0x30: {  	s3 =	sld [smem:$0x3FAC]  }
0x31: {  	[smem:$0x3FB5] =	sst s10  }
0x32: {  	s10 =	sld [smem:$0x3FB3];
	_ =	sdelay $0x3  }
0x33: {  	p0 =	seq.s32 s10, $0x1;
	s10 =	sld [smem:$0x3FB5];
	_ =	sdelay $0x3  }
0x34: {  	[smem:$0x3FB5] =	sst s10  }
0x35: {  	s10 =	sld [smem:$0x3FB4];
	_ =	sdelay $0x3  }
0x36: {  	p1 =	seq.s32 s10, $0x1;
	s10 =	sld [smem:$0x3FB5];
	_ =	sdelay $0x3  }
0x37: {  	[smem:$0x3FB5] =	sst s10  }
0x38: {  	s10 =	sld [smem:$0x3FB6]  }
0x39: {  	_ = 	snop;
	(pc) =	sbr.ind lr, $3  }
0x3a: {  	_ = 	snop  }
0x3b: {  	_ = 	snop  }
0x3c: {  	p2 =	seq.s32 s10, $0x1;
	s10 =	sld [smem:$0x3FB5]  }
0x3d: {  	_ =	shalt  }
0x3e: {  	_ =	shalt  }
0x3f: {  	_ =	shalt  }
0x40: {  	_ =	shalt  }
0x41: {  	_ =	shalt  }
0x42: {  	_ =	shalt  }
0x43: {  	_ =	shalt  }
0x44: {  	_ =	shalt  }
0x45: {  	_ =	shalt  }
0x46: {  	_ =	shalt  }
0x47: {  	_ =	shalt  }
0x48: {  	_ =	shalt  }
0x49: {  	_ =	shalt  }
0x4a: {  	_ =	shalt  }
0x4b: {  	_ =	shalt  }
0x4c: {  	_ =	shalt  }
0x4d: {  	_ =	shalt  }
0x4e: {  	_ =	shalt  }
0x4f: {  	_ =	shalt  }
0x50: {  	_ =	shalt  }
0x51: {  	_ =	shalt  }
0x52: {  	_ =	shalt  }
0x53: {  	_ =	shalt  }
0x54: {  	_ =	shalt  }
0x55: {  	_ =	shalt  }
0x56: {  	_ =	shalt  }
0x57: {  	_ =	shalt  }
0x58: {  	_ =	shalt  }
0x59: {  	_ =	shalt  }
0x5a: {  	_ =	shalt  }
0x5b: {  	_ =	shalt  }
0x5c: {  	_ =	shalt  }
0x5d: {  	_ =	shalt  }
0x5e: {  	_ =	shalt  }
0x5f: {  	_ =	shalt  }
0x60: {  	_ =	shalt  }
0x61: {  	_ =	shalt  }
0x62: {  	_ =	shalt  }
0x63: {  	_ =	shalt  }
0x64: {  	_ =	shalt  }
0x65: {  	_ =	shalt  }
0x66: {  	_ =	shalt  }
0x67: {  	_ =	shalt  }
0x68: {  	_ =	shalt  }
0x69: {  	_ =	shalt  }
0x6a: {  	_ =	shalt  }
0x6b: {  	_ =	shalt  }
0x6c: {  	_ =	shalt  }
0x6d: {  	_ =	shalt  }
0x6e: {  	_ =	shalt  }
0x6f: {  	_ =	shalt  }
0x70: {  	_ =	shalt  }
0x71: {  	_ =	shalt  }
0x72: {  	_ =	shalt  }
0x73: {  	_ =	shalt  }
0x74: {  	_ =	shalt  }
0x75: {  	_ =	shalt  }
0x76: {  	_ =	shalt  }
0x77: {  	_ =	shalt  }
0x78: {  	_ =	shalt  }
0x79: {  	_ =	shalt  }
0x7a: {  	_ =	shalt  }
0x7b: {  	_ =	shalt  }
0x7c: {  	_ =	shalt  }
0x7d: {  	_ =	shalt  }
0x7e: {  	_ =	shalt  }
0x7f: {  	_ =	shalt  }
0x80: {  	_ =	shalt  }
0x81: {  	_ =	shalt  }
0x82: {  	_ =	shalt  }
0x83: {  	_ =	shalt  }
0x84: {  	_ =	shalt  }
0x85: {  	_ =	shalt  }
0x86: {  	_ =	shalt  }
0x87: {  	_ =	shalt  }
.Lfunc_end0:
.L_simem_size_0:
called_computation_lowered:
.L_overlay_start_0:
0x88: {  	s2 =	sld [smem:$0x3FD9]  }
0x89: {  	s3 =	sld [smem:$0x3FFE];
	_ =	sdelay $0x1  }
0x8a: {  	s1 =	srdreg.scid  }
0x8b: {  	s0 =	sand.u32 $0x1, s1  }
0x8c: {  	s17 =	sshll.u32 s0, $0xA;
	s2 =	sadd.s32 s3, s2  }
0x8d: {  	s2 =	sadd.s32 s2, s17  }
0x8e: {  	[smem:$0x3FC1] =	sst s2  }
0x8f: {  	_ = 	snop  }
0x90: {  	s2 =	sld [smem:$0x3FD0];
	(tm) =	ssettm $0x1  }
0x91: {  	s18 =	sld [smem:$0x3FFB];
	_ =	sdelay $0x3  }
0x92: {  	_ =	strace s18  }
0x93: {  	s3 =	sld [smem:$0x3FFC];
	_ =	sdelay $0x3  }
0x94: {  	_ =	strace s3  }
0x95: {  	s3 =	sld [smem:$0x3FFD];
	_ =	sdelay $0x3  }
0x96: {  	_ =	strace s3  }
0x97: {  	_ =	strace $0x8FFFFFFF  }
0x98: {  	s19 =	sld [smem:$0x3FDB];
	_ =	sdelay $0x1  }
0x99: {  	s4 =	simm.s32 $_scs_section_size  }
0x9a: {  	s5 =	simm.s32 $_size__tile_overlayer_lowered;
	s6 =	simm.s32 $_tile_overlayer_lowered  }
0x9b: {  	s22 =	simm.s32 $0x1BFF;
	s21 =	sshll.u32 s6, $0x1;
	s3 =	sadd.s32 s4, s19  }
0x9c: {  	s7 =	simm.s32 $0x0;
	s20 =	sshll.u32 s5, $0x1;
	s5 =	sadd.s32 s21, s3  }
0x9d: {  	[timem:s7], [sflag:s22] =	dma.local [hbm:s5], s20  }
0x9e: {  	_ =	swait.ge [sflag:s22], s20  }
0x9f: {  	s4 =	ssub.s32 $0x0, s20;
	[sflag:s22] =	ssyncset.done $0x0  }
0xa0: {  	[sflag:s22] =	ssyncadd.s32 s4;
	_ =	sdelay $0x1  }
0xa1: {  	s23 =	simm.s32 $0x1B8B  }
0xa2: {  	_ =	swait.ge [sflag:s23], $0x1  }
0xa3: {  	[sflag:s23] =	ssyncset.done $0x0  }
0xa4: {  	s25 =	simm.s32 $0x1B8E;
	s24 =	sld [smem:$0x3FFE];
	[sflag:s23] =	ssyncadd.s32 $0xFFFFFFFF  }
0xa5: {  	s26 =	simm.s32 $execute0_lowered;
	[smem:$0x3FD2] =	sst s25  }
0xa6: {  	s5 =	sshll.u32 s26, $0x1;
	_ =	strace $0x80000046;
	[dreg:$0x1] =	wrdreg $0xFFFFFFFF  }
0xa7: {  	s28 =	simm.s32 $_size_execute0_lowered;
	s3 =	sadd.s32 s3, s5;
	[dreg:$0x0] =	wrdreg $0x0  }
0xa8: {  	s5 =	sshll.u32 s28, $0x1;
	[dreg:$0x2] =	wrdreg s3  }
0xa9: {  	[dreg:$0x3] =	wrdreg s5  }
0xaa: {  	[dreg:$0x4] =	wrdreg $0xC0  }
0xab: {  	_ =	task [dreg:s7], $0x5FFFF  }
0xac: {  	[dreg:$0x1] =	wrdreg $0xFFFFFFFF  }
0xad: {  	[dreg:$0x0] =	wrdreg $0x60  }
0xae: {  	[dreg:$0x2] =	wrdreg s24  }
0xaf: {  	[dreg:$0x3] =	wrdreg s2  }
0xb0: {  	[dreg:$0x4] =	wrdreg $0x9  }
0xb1: {  	_ =	task.clear_ibuf [dreg:s7], $0x5FFFF;
	_ =	strace $0x90000046  }
0xb2: {  	s29 =	simm.s32 $0x9;
	_ =	strace $0x80000048  }
0xb3: {  	_ =	swait.ge [sflag:s29], $0x1  }
0xb4: {  	[sflag:s29] =	ssyncadd.s32 $0xFFFFFFFF  }
0xb5: {  	_ =	strace $0x90000048  }
0xb6: {  	_ =	sfence  }
0xb7: {  	s30 =	sld [smem:$0x0];
	_ =	sdelay $0x2  }
0xb8: {  	s31 =	sshll.u32 s1, $0xD;
	s1 =	sshrl.u32 s1, $0x2  }
0xb9: {  	s3 =	sand.u32 $0x4000, s31;
	s1 =	sadd.s32 s1, s30  }
0xba: {  	s0 =	sor.u32 s3, s0;
	s1 =	sshll.u32 s1, $0x11  }
0xbb: {  	s0 =	sor.u32 s1, s0  }
0xbc: {  	s0 =	sadd.s32 $0x8F2B, s0  }
0xbd: {  	[sflag:s0] =	ssyncadd.remote.s32 $0x1  }
0xbe: {  	_ =	sfence.sel $0xFFFF  }
0xbf: {  	[dreg:$0x0] =	wrdreg $0xFFFFFFFF;
	(pc) =	sbr.abs _section_cstart, $3  }
0xc0: {  	[dreg:$0x1] =	wrdreg $0xFFFFFFFF  }
0xc1: {  	_ =	task.clear_ibuf [dreg:s7], $0x2FFFF;
	_ =	strace $0x9FFFFFFF  }
0xc2: {  	(tm) =	ssettm $0x7FFFFFFF  }
0xc3: {  	_ =	shalt  }
tec
execute0_lowered:
.L_overlay_start_1:
0x0: {  	(tag) =	ssettag $0x1  }
0x1: {  	s1 =	stileid.u32  }
0x2: {  	p0 =	sgt.u32 s1, $0x3  }
.Ltmp0:
0x3: {  	_ = 	snop;
	(pc) =	sbr.rel @p0 .LBB2_19-.Ltmp0, $4  }
0x4: {  	s4 =	rddreg [dreg:$0x0]  }
0x5: {  	s5 =	rddreg [dreg:$0x1];
	s2 =	simm.s32 $0x0  }
0x6: {  	[smem:$0x7FF] =	sst s2  }
0x7: {  	s0 =	rddreg [dreg:$0x2];
	_ =	strace $0x80000047  }
0x8: {  	s3 =	srdreg.scid;
	s6 =	sshll.u32 s1, $0x8  }
0x9: {  	s9 =	sadd.s32 $0x1800, s4;
	s10 =	simm.s32 $0x1;
	s3 =	sand.u32 $0x1, s3  }
0xa: {  	s11 =	simm.s32 $0x1500;
	s12 =	simm.s32 $0x2;
	s7 =	sshll.u32 s3, $0x7  }
0xb: {  	s13 =	simm.s32 $0x0;
	s8 =	ssub.s32 $0x2, s3;
	s6 =	sor.u32 s7, s6  }
0xc: {  	s3 =	sadd.s32 $0x1400, s4;
	s31 =	sshrl.u32 s8, $0x1;
	s4 =	sadd.s32 s5, s6  }
0xd: {  	s7 =	ssub.s32 s8, s31;
	s5 =	sadd.s32 s9, s6;
	s8 =	simm.s32 $0x2000  }
0xe: {  	s9 =	simm.s32 $0x1100;
	s6 =	smax.u32 s7, $0x1;
	s7 =	simm.s32 $0x400  }
.LBB2_2:
0xf: {  	s15 =	simm.s32 $0x0  }
0x10: {  	[tilespmem:s15], [sflag:$0x1] =	stream.linear.gather [hbm4b:s3+s15], $0x1100, $0x38;
	[tilespmem:$0x5500] =	vst v63  }
0x11: {  	_ = 	snop  }
0x12: {  	[tilespmem:s9], [sflag:$0x1] =	stream.strided.gather [hbm4b:s5+s7], $0x0, s8, s7, $0x38;
	[tilespmem:$0x5500] =	vst v63  }
0x13: {  	_ = 	snop  }
0x14: {  	[tilespmem:s9], [sflag:$0x1] =	stream.linear.gather [hbm4b:s5+s15], $0x280, $0x38;
	[tilespmem:$0x5500] =	vst v63  }
0x15: {  	_ =	swait.ge [sflag:s10], $0x1100  }
0x16: {  	[sflag:s10] =	ssyncset.done $0x0  }
0x17: {  	[sflag:s10] =	ssyncadd.s32 $0xFFFFEF00  }
0x18: {  	_ =	swait.ge [sflag:s10], $0x280  }
0x19: {  	[sflag:s10] =	ssyncset.done $0x0  }
0x1a: {  	[sflag:s10] =	ssyncadd.s32 $0xFFFFFD80  }
0x1b: {  	v0 =	vld [tilespmem:$0x1280]  }
0x1c: {  	v2 =	vld [tilespmem:$0x1180]  }
0x1d: {  	v4 =	vld [tilespmem:$0x1200]  }
0x1e: {  	v5 =	vld [tilespmem:$0x1300];
	_ =	sdelay $0x1  }
0x1f: {  	v1 =	vmul.u32 $0x41, v0  }
0x20: {  	v3 =	vmul.u32 $0x41, v2  }
0x21: {  	v2 =	vmul.u32 $0x41, v4;
	v4 =	vadd.s32 s15, v1  }
0x22: {  	v0 =	vmul.u32 $0x41, v5;
	v5 =	vadd.s32 s15, v3  }
0x23: {  	s14 =	simm.s32 $0x1;
	v6 =	vadd.s32 s15, v2  }
0x24: {  	s16 =	simm.s32 $0x2;
	v7 =	vadd.s32 s14, v0  }
0x25: {  	s18 =	simm.s32 $0x4;
	v8 =	vld [tilespmem:$0x1100];
	v9 =	vadd.s32 s16, v0  }
0x26: {  	v10 =	vadd.s32 s18, v0;
	v11 =	vld.idx.msk [tilespmem:v4+s2+$0x0], $0xffff  }
0x27: {  	v12 =	vadd.s32 s14, v1;
	v5 =	vld.idx.msk [tilespmem:v5+s2+$0x0], $0xffff  }
0x28: {  	v13 =	vadd.s32 s16, v1;
	v6 =	vld.idx.msk [tilespmem:v6+s2+$0x0], $0xffff  }
0x29: {  	v14 =	vadd.s32 s14, v3;
	v7 =	vld.idx.msk [tilespmem:v7+s2+$0x0], $0xffff  }
0x2a: {  	s17 =	simm.s32 $0x3;
	v15 =	vadd.s32 s14, v2;
	v9 =	vld.idx.msk [tilespmem:v9+s2+$0x0], $0xffff  }
0x2b: {  	v4 =	vadd.s32 s17, v0;
	v10 =	vld.idx.msk [tilespmem:v10+s2+$0x0], $0xffff  }
0x2c: {  	v17 =	vadd.s32 s16, v2;
	v12 =	vld.idx.msk [tilespmem:v12+s2+$0x0], $0xffff  }
0x2d: {  	v18 =	vadd.s32 s17, v3;
	v13 =	vld.idx.msk [tilespmem:v13+s2+$0x0], $0xffff  }
0x2e: {  	v19 =	vadd.s32 s17, v2;
	v14 =	vld.idx.msk [tilespmem:v14+s2+$0x0], $0xffff  }
0x2f: {  	v20 =	vadd.s32 s18, v3;
	v15 =	vld.idx.msk [tilespmem:v15+s2+$0x0], $0xffff  }
0x30: {  	s19 =	simm.s32 $0x5;
	v16 =	vld.idx.msk [tilespmem:v4+s2+$0x0], $0xffff;
	v4 =	vadd.s32 s16, v3  }
0x31: {  	v22 =	vadd.s32 s19, v3;
	v17 =	vld.idx.msk [tilespmem:v17+s2+$0x0], $0xffff  }
0x32: {  	s20 =	simm.s32 $0x7;
	v23 =	vadd.s32 s19, v2;
	v18 =	vld.idx.msk [tilespmem:v18+s2+$0x0], $0xffff  }
0x33: {  	v24 =	vadd.s32 s20, v3;
	v19 =	vld.idx.msk [tilespmem:v19+s2+$0x0], $0xffff  }
0x34: {  	v25 =	vadd.s32 s20, v2;
	v20 =	vld.idx.msk [tilespmem:v20+s2+$0x0], $0xffff  }
0x35: {  	v21 =	vld.idx.msk [tilespmem:v4+s2+$0x0], $0xffff;
	v4 =	vadd.s32 s18, v2  }
0x36: {  	s21 =	simm.s32 $0x6;
	v27 =	vadd.s32 s20, v1;
	v22 =	vld.idx.msk [tilespmem:v22+s2+$0x0], $0xffff  }
0x37: {  	v28 =	vadd.s32 s21, v2;
	v23 =	vld.idx.msk [tilespmem:v23+s2+$0x0], $0xffff  }
0x38: {  	v29 =	vadd.s32 s20, v0;
	v24 =	vld.idx.msk [tilespmem:v24+s2+$0x0], $0xffff  }
0x39: {  	v31 =	vadd.s32 s18, v1;
	v25 =	vld.idx.msk [tilespmem:v25+s2+$0x0], $0xffff  }
0x3a: {  	v26 =	vld.idx.msk [tilespmem:v4+s2+$0x0], $0xffff;
	v4 =	vadd.s32 s21, v3  }
0x3b: {  	v33 =	vadd.s32 s19, v1;
	v27 =	vld.idx.msk [tilespmem:v27+s2+$0x0], $0xffff  }
0x3c: {  	v34 =	vadd.s32 s21, v1;
	v28 =	vld.idx.msk [tilespmem:v28+s2+$0x0], $0xffff  }
0x3d: {  	v35 =	vadd.s32 s19, v0;
	v29 =	vld.idx.msk [tilespmem:v29+s2+$0x0], $0xffff  }
0x3e: {  	v36 =	vadd.s32 s15, v0;
	v31 =	vld.idx.msk [tilespmem:v31+s2+$0x0], $0xffff  }
0x3f: {  	v30 =	vadd.s32 s17, v1;
	v32 =	vld.idx.msk [tilespmem:v4+s2+$0x0], $0xffff;
	v4 =	vmul.u32 $0x41, v8  }
0x40: {  	v61 =	vadd.s32 s21, v0;
	v33 =	vld.idx.msk [tilespmem:v33+s2+$0x0], $0xffff  }
0x41: {  	v34 =	vld.idx.msk [tilespmem:v34+s2+$0x0], $0xffff;
	v37 =	vadd.s32 s20, v4  }
0x42: {  	v35 =	vld.idx.msk [tilespmem:v35+s2+$0x0], $0xffff;
	v38 =	vadd.s32 s14, v4  }
0x43: {  	v36 =	vld.idx.msk [tilespmem:v36+s2+$0x0], $0xffff;
	v39 =	vadd.s32 s16, v4  }
0x44: {  	v6 =	vadd.f32 v6, v5;
	v8 =	vld.idx.msk [tilespmem:v30+s2+$0x0], $0xffff;
	v40 =	vadd.s32 s17, v4  }
0x45: {  	v5 =	vadd.f32 v15, v14;
	v18 =	vadd.f32 v19, v18;
	v30 =	vld.idx.msk [tilespmem:v61+s2+$0x0], $0xffff;
	v41 =	vadd.s32 s18, v4  }
0x46: {  	v15 =	vadd.f32 v17, v21;
	v17 =	vadd.f32 v25, v24;
	v14 =	vadd.s32 s19, v4;
	v37 =	vld.idx.msk [tilespmem:v37+s2+$0x0], $0xffff  }
0x47: {  	v22 =	vadd.f32 v23, v22;
	v5 =	vadd.f32 v12, v5;
	v24 =	vadd.s32 s21, v4;
	v21 =	vld.idx.msk [tilespmem:v38+s2+$0x0], $0xffff  }
0x48: {  	v17 =	vadd.f32 v27, v17;
	v19 =	vadd.f32 v26, v20;
	s14 =	simm.s32 $0x8;
	v20 =	vadd.s32 s15, v4;
	v25 =	vld.idx.msk [tilespmem:v39+s2+$0x0], $0xffff  }
0x49: {  	v6 =	vadd.f32 v11, v6;
	v13 =	vadd.f32 v13, v15;
	v23 =	vadd.s32 s14, v1;
	v26 =	vld.idx.msk [tilespmem:v40+s2+$0x0], $0xffff  }
0x4a: {  	v5 =	vadd.f32 v7, v5;
	v15 =	vadd.f32 v29, v17;
	v27 =	vadd.s32 s14, v3;
	v62 =	vld.idx.msk [tilespmem:v41+s2+$0x0], $0xffff  }
0x4b: {  	v9 =	vadd.f32 v9, v13;
	s16 =	simm.s32 $0x9;
	v13 =	vadd.f32 v31, v19;
	v17 =	vadd.s32 s14, v2;
	v63 =	vld.idx.msk [tilespmem:v14+s2+$0x0], $0xffff  }
0x4c: {  	s15 =	simm.s32 $0x3500;
	v12 =	vadd.f32 v28, v32;
	v7 =	vadd.f32 v8, v18;
	v8 =	vadd.s32 s16, v0;
	v18 =	vld.idx.msk [tilespmem:v24+s2+$0x0], $0xffff  }
0x4d: {  	v6 =	vadd.f32 v36, v6;
	s17 =	simm.s32 $0xA;
	v11 =	vadd.s32 s16, v1;
	v19 =	vld.idx.msk [tilespmem:v20+s2+$0x0], $0xffff;
	[tilespmem:s15+$0x80] =	vst v5  }
0x4e: {  	s19 =	simm.s32 $0xC;
	v14 =	vadd.s32 s17, v0;
	[tilespmem:s15+$0x100] =	vst v9;
	v9 =	vadd.f32 v10, v13;
	v13 =	vadd.f32 v34, v12;
	v5 =	vld.idx.msk [tilespmem:v23+s2+$0x0], $0xffff  }
0x4f: {  	s18 =	simm.s32 $0xB;
	[tilespmem:s15+$0x380] =	vst v15;
	v7 =	vadd.f32 v16, v7;
	v20 =	vadd.s32 s19, v0;
	v10 =	vld.idx.msk [tilespmem:v27+s2+$0x0], $0xffff  }
0x50: {  	v15 =	vadd.f32 v33, v22;
	v16 =	vadd.s32 s18, v0;
	[tilespmem:s15+$0x0] =	vst v6;
	v12 =	vld.idx.msk [tilespmem:v17+s2+$0x0], $0xffff;
	v13 =	vadd.f32 v30, v13  }
0x51: {  	v22 =	vadd.s32 s16, v2;
	[tilespmem:s15+$0x180] =	vst v7;
	v8 =	vld.idx.msk [tilespmem:v8+s2+$0x0], $0xffff  }
0x52: {  	v17 =	vadd.s32 s16, v3;
	v7 =	vadd.f32 v35, v15;
	[tilespmem:s15+$0x300] =	vst v13;
	v13 =	vld.idx.msk [tilespmem:v11+s2+$0x0], $0xffff  }
0x53: {  	[tilespmem:s15+$0x200] =	vst v9;
	v15 =	vadd.s32 s17, v1;
	v9 =	vld.idx.msk [tilespmem:v14+s2+$0x0], $0xffff  }
0x54: {  	[tilespmem:s15+$0x280] =	vst v7;
	v6 =	vld.idx.msk [tilespmem:v20+s2+$0x0], $0xffff;
	v20 =	vadd.s32 s17, v2  }
0x55: {  	v23 =	vadd.s32 s17, v3;
	v7 =	vld.idx.msk [tilespmem:v16+s2+$0x0], $0xffff;
	[tilespmem:s15+$0xFFFFE080] =	vst v21  }
0x56: {  	v24 =	vadd.s32 s18, v3;
	[tilespmem:s15+$0xFFFFE100] =	vst v25;
	v16 =	vld.idx.msk [tilespmem:v22+s2+$0x0], $0xffff  }
0x57: {  	[tilespmem:s15+$0xFFFFE180] =	vst v26;
	v25 =	vadd.s32 s18, v2;
	v14 =	vld.idx.msk [tilespmem:v17+s2+$0x0], $0xffff  }
0x58: {  	[tilespmem:s15+$0xFFFFE200] =	vst v62;
	v21 =	vadd.s32 s19, v3;
	v11 =	vld.idx.msk [tilespmem:v15+s2+$0x0], $0xffff  }
0x59: {  	s21 =	simm.s32 $0xD;
	[tilespmem:s15+$0xFFFFE280] =	vst v63;
	v17 =	vld.idx.msk [tilespmem:v20+s2+$0x0], $0xffff;
	v20 =	vadd.s32 s19, v2  }
0x5a: {  	[tilespmem:s15+$0xFFFFE300] =	vst v18;
	v15 =	vld.idx.msk [tilespmem:v23+s2+$0x0], $0xffff;
	v23 =	vadd.s32 s21, v3  }
0x5b: {  	s22 =	simm.s32 $0xF;
	[tilespmem:s15+$0xFFFFE380] =	vst v37;
	v18 =	vld.idx.msk [tilespmem:v24+s2+$0x0], $0xffff;
	v22 =	vadd.s32 s21, v2  }
0x5c: {  	s20 =	simm.s32 $0x10;
	[tilespmem:s15+$0xFFFFE000] =	vst v19;
	v24 =	vadd.s32 s22, v3;
	v19 =	vld.idx.msk [tilespmem:v25+s2+$0x0], $0xffff  }
.LBB2_3:
0x5d: {  	p0 =	slt.u32 s20, $0x38;
	v21 =	vld.idx.msk [tilespmem:v21+s2+$0x0], $0xffff;
	s23 =	sadd.s32 $0x6, s14;
	v25 =	vadd.s32 s22, v2  }
0x5e: {  	v20 =	vld.idx.msk [tilespmem:v20+s2+$0x0], $0xffff;
	v26 =	vadd.s32 s23, v3  }
0x5f: {  	v27 =	vadd.s32 s22, v1;
	v23 =	vld.idx.msk [tilespmem:v23+s2+$0x0], $0xffff  }
0x60: {  	v28 =	vadd.s32 s23, v2;
	v22 =	vld.idx.msk [tilespmem:v22+s2+$0x0], $0xffff  }
0x61: {  	v29 =	vadd.s32 s22, v0;
	v24 =	vld.idx.msk [tilespmem:v24+s2+$0x0], $0xffff  }
0x62: {  	v30 =	vadd.s32 s18, v1;
	v25 =	vld.idx.msk [tilespmem:v25+s2+$0x0], $0xffff  }
0x63: {  	v31 =	vadd.s32 s19, v1;
	v26 =	vld.idx.msk [tilespmem:v26+s2+$0x0], $0xffff  }
0x64: {  	v32 =	vadd.s32 s21, v1;
	v27 =	vld.idx.msk [tilespmem:v27+s2+$0x0], $0xffff  }
0x65: {  	v33 =	vadd.s32 s23, v1;
	v28 =	vld.idx.msk [tilespmem:v28+s2+$0x0], $0xffff  }
0x66: {  	v34 =	vadd.s32 s21, v0;
	v29 =	vld.idx.msk [tilespmem:v29+s2+$0x0], $0xffff  }
0x67: {  	v10 =	vadd.f32 v12, v10;
	v12 =	vadd.f32 v16, v14;
	v16 =	vadd.s32 s23, v0;
	v14 =	vld.idx.msk [tilespmem:v30+s2+$0x0], $0xffff  }
0x68: {  	v15 =	vadd.f32 v17, v15;
	v30 =	vadd.s32 s14, v0;
	v24 =	vadd.f32 v25, v24;
	v17 =	vld.idx.msk [tilespmem:v31+s2+$0x0], $0xffff  }
0x69: {  	v18 =	vadd.f32 v19, v18;
	v19 =	vadd.f32 v20, v21;
	v21 =	vadd.s32 s22, v4;
	v20 =	vld.idx.msk [tilespmem:v32+s2+$0x0], $0xffff  }
0x6a: {  	v22 =	vadd.f32 v22, v23;
	v25 =	vadd.s32 s16, v4;
	v24 =	vadd.f32 v27, v24;
	v23 =	vld.idx.msk [tilespmem:v33+s2+$0x0], $0xffff  }
0x6b: {  	v12 =	vadd.f32 v13, v12;
	v13 =	vadd.s32 s17, v4;
	v26 =	vadd.f32 v28, v26;
	v27 =	vld.idx.msk [tilespmem:v34+s2+$0x0], $0xffff  }
0x6c: {  	v11 =	vadd.f32 v11, v15;
	v15 =	vadd.s32 s18, v4;
	v24 =	vadd.f32 v29, v24;
	v16 =	vld.idx.msk [tilespmem:v16+s2+$0x0], $0xffff  }
0x6d: {  	s15 =	sadd.s32 $0x400, s15;
	v8 =	vadd.f32 v8, v12;
	v12 =	vadd.f32 v14, v18;
	v14 =	vadd.s32 s19, v4;
	v28 =	vld.idx.msk [tilespmem:v30+s2+$0x0], $0xffff  }
0x6e: {  	v9 =	vadd.f32 v9, v11;
	v11 =	vadd.f32 v17, v19;
	v17 =	vadd.s32 s21, v4;
	v18 =	vld.idx.msk [tilespmem:v21+s2+$0x0], $0xffff;
	[tilespmem:s15+$0x380] =	vst v24  }
0x6f: {  	v7 =	vadd.f32 v7, v12;
	v12 =	vadd.s32 s23, v4;
	v19 =	vld.idx.msk [tilespmem:v25+s2+$0x0], $0xffff;
	[tilespmem:s15+$0x80] =	vst v8;
	v8 =	vadd.f32 v20, v22  }
0x70: {  	v20 =	vadd.s32 s14, v4;
	v6 =	vadd.f32 v6, v11;
	s14 =	smov.u32 s20;
	v13 =	vld.idx.msk [tilespmem:v13+s2+$0x0], $0xffff;
	[tilespmem:s15+$0x100] =	vst v9;
	v9 =	vadd.f32 v23, v26  }
0x71: {  	v5 =	vadd.f32 v5, v10;
	v11 =	vadd.s32 s20, v1;
	v15 =	vld.idx.msk [tilespmem:v15+s2+$0x0], $0xffff;
	[tilespmem:s15+$0x180] =	vst v7;
	v7 =	vadd.f32 v27, v8  }
0x72: {  	v8 =	vadd.s32 s20, v3;
	v14 =	vld.idx.msk [tilespmem:v14+s2+$0x0], $0xffff;
	[tilespmem:s15+$0x200] =	vst v6;
	v6 =	vadd.f32 v16, v9  }
0x73: {  	s16 =	sadd.s32 $0x1, s20;
	v9 =	vadd.s32 s20, v2;
	v5 =	vadd.f32 v28, v5;
	v16 =	vld.idx.msk [tilespmem:v17+s2+$0x0], $0xffff;
	[tilespmem:s15+$0x280] =	vst v7  }
0x74: {  	s17 =	sadd.s32 $0x2, s20;
	v7 =	vadd.s32 s16, v0;
	v17 =	vld.idx.msk [tilespmem:v12+s2+$0x0], $0xffff;
	[tilespmem:s15+$0x300] =	vst v6  }
0x75: {  	s18 =	sadd.s32 $0x3, s20;
	v6 =	vadd.s32 s17, v0;
	v20 =	vld.idx.msk [tilespmem:v20+s2+$0x0], $0xffff;
	[tilespmem:s15+$0x0] =	vst v5  }
0x76: {  	s19 =	sadd.s32 $0x4, s20;
	v5 =	vld.idx.msk [tilespmem:v11+s2+$0x0], $0xffff;
	v11 =	vadd.s32 s18, v0;
	[tilespmem:s15+$0xFFFFE080] =	vst v19  }
0x77: {  	v19 =	vadd.s32 s19, v0;
	v10 =	vld.idx.msk [tilespmem:v8+s2+$0x0], $0xffff;
	[tilespmem:s15+$0xFFFFE100] =	vst v13  }
0x78: {  	v13 =	vadd.s32 s16, v1;
	v12 =	vld.idx.msk [tilespmem:v9+s2+$0x0], $0xffff;
	[tilespmem:s15+$0xFFFFE180] =	vst v15  }
0x79: {  	v15 =	vadd.s32 s17, v1;
	v8 =	vld.idx.msk [tilespmem:v7+s2+$0x0], $0xffff;
	[tilespmem:s15+$0xFFFFE200] =	vst v14  }
0x7a: {  	v14 =	vadd.s32 s16, v3;
	v9 =	vld.idx.msk [tilespmem:v6+s2+$0x0], $0xffff;
	[tilespmem:s15+$0xFFFFE280] =	vst v16  }
0x7b: {  	v16 =	vadd.s32 s16, v2;
	v7 =	vld.idx.msk [tilespmem:v11+s2+$0x0], $0xffff;
	[tilespmem:s15+$0xFFFFE300] =	vst v17  }
0x7c: {  	v17 =	vadd.s32 s17, v3;
	v6 =	vld.idx.msk [tilespmem:v19+s2+$0x0], $0xffff;
	[tilespmem:s15+$0xFFFFE380] =	vst v18  }
0x7d: {  	v18 =	vadd.s32 s17, v2;
	v13 =	vld.idx.msk [tilespmem:v13+s2+$0x0], $0xffff;
	[tilespmem:s15+$0xFFFFE000] =	vst v20  }
0x7e: {  	v19 =	vadd.s32 s18, v3;
	v11 =	vld.idx.msk [tilespmem:v15+s2+$0x0], $0xffff  }
0x7f: {  	v24 =	vadd.s32 s18, v2;
	v14 =	vld.idx.msk [tilespmem:v14+s2+$0x0], $0xffff  }
.Ltmp1:
0x80: {  	v21 =	vadd.s32 s19, v3;
	v16 =	vld.idx.msk [tilespmem:v16+s2+$0x0], $0xffff;
	(pc) =	sbr.rel @p0 .LBB2_3-.Ltmp1, $4  }
0x81: {  	s21 =	sadd.s32 $0x5, s20;
	v20 =	vadd.s32 s19, v2;
	v15 =	vld.idx.msk [tilespmem:v17+s2+$0x0], $0xffff  }
0x82: {  	v23 =	vadd.s32 s21, v3;
	v17 =	vld.idx.msk [tilespmem:v18+s2+$0x0], $0xffff  }
0x83: {  	s22 =	sadd.s32 $0x7, s20;
	v22 =	vadd.s32 s21, v2;
	v18 =	vld.idx.msk [tilespmem:v19+s2+$0x0], $0xffff  }
0x84: {  	s20 =	sadd.s32 $0x8, s20;
	v19 =	vld.idx.msk [tilespmem:v24+s2+$0x0], $0xffff;
	v24 =	vadd.s32 s22, v3  }
0x85: {  	_ =	sdelay $0x3  }
0x86: {  	v21 =	vld.idx.msk [tilespmem:v21+s2+$0x0], $0xffff;
	v25 =	vadd.s32 s22, v2  }
0x87: {  	v20 =	vld.idx.msk [tilespmem:v20+s2+$0x0], $0xffff;
	v26 =	vadd.s32 s22, v1  }
0x88: {  	v23 =	vld.idx.msk [tilespmem:v23+s2+$0x0], $0xffff;
	v28 =	vadd.s32 s18, v1  }
0x89: {  	s20 =	sadd.s32 $0x6, s14;
	v22 =	vld.idx.msk [tilespmem:v22+s2+$0x0], $0xffff;
	v29 =	vadd.s32 s19, v1  }
0x8a: {  	v24 =	vld.idx.msk [tilespmem:v24+s2+$0x0], $0xffff;
	v3 =	vadd.s32 s20, v3  }
0x8b: {  	v2 =	vadd.s32 s20, v2;
	v25 =	vld.idx.msk [tilespmem:v25+s2+$0x0], $0xffff  }
0x8c: {  	v27 =	vadd.s32 s22, v0;
	v10 =	vadd.f32 v12, v10;
	v26 =	vld.idx.msk [tilespmem:v26+s2+$0x0], $0xffff  }
0x8d: {  	v30 =	vadd.s32 s21, v1;
	v12 =	vadd.f32 v16, v14;
	v15 =	vadd.f32 v17, v15;
	v28 =	vld.idx.msk [tilespmem:v28+s2+$0x0], $0xffff  }
0x8e: {  	v18 =	vadd.f32 v19, v18;
	v14 =	vld.idx.msk [tilespmem:v29+s2+$0x0], $0xffff;
	v19 =	vadd.f32 v20, v21;
	v20 =	vadd.s32 s16, v4  }
0x8f: {  	v31 =	vadd.s32 s21, v0;
	v3 =	vld.idx.msk [tilespmem:v3+s2+$0x0], $0xffff  }
0x90: {  	v1 =	vadd.s32 s20, v1;
	v11 =	vadd.f32 v11, v15;
	v2 =	vld.idx.msk [tilespmem:v2+s2+$0x0], $0xffff  }
0x91: {  	v27 =	vld.idx.msk [tilespmem:v27+s2+$0x0], $0xffff;
	v21 =	vadd.f32 v22, v23;
	v22 =	vadd.s32 s17, v4  }
0x92: {  	v32 =	vadd.s32 s20, v0;
	v12 =	vadd.f32 v13, v12;
	v17 =	vld.idx.msk [tilespmem:v30+s2+$0x0], $0xffff;
	v9 =	vadd.f32 v9, v11  }
0x93: {  	v0 =	vadd.s32 s14, v0;
	v16 =	vadd.f32 v25, v24;
	v11 =	vadd.f32 v14, v19;
	v14 =	vld.idx.msk [tilespmem:v20+s2+$0x0], $0xffff  }
0x94: {  	v8 =	vadd.f32 v8, v12;
	v23 =	vld.idx.msk [tilespmem:v31+s2+$0x0], $0xffff;
	v24 =	vadd.s32 s22, v4;
	v12 =	vadd.f32 v28, v18  }
0x95: {  	s15 =	sadd.s32 $0x400, s15;
	v1 =	vld.idx.msk [tilespmem:v1+s2+$0x0], $0xffff;
	v2 =	vadd.f32 v2, v3;
	v3 =	vadd.s32 s18, v4;
	v16 =	vadd.f32 v26, v16  }
0x96: {  	[tilespmem:s15+$0x80] =	vst v8;
	v7 =	vadd.f32 v7, v12;
	v12 =	vld.idx.msk [tilespmem:v22+s2+$0x0], $0xffff  }
0x97: {  	v13 =	vld.idx.msk [tilespmem:v32+s2+$0x0], $0xffff;
	[tilespmem:s15+$0x100] =	vst v9;
	v15 =	vadd.f32 v27, v16;
	v16 =	vadd.s32 s19, v4  }
0x98: {  	v0 =	vld.idx.msk [tilespmem:v0+s2+$0x0], $0xffff;
	v18 =	vadd.s32 s21, v4;
	[tilespmem:s15+$0xFFFFE080] =	vst v14  }
0x99: {  	v8 =	vadd.f32 v17, v21;
	v24 =	vld.idx.msk [tilespmem:v24+s2+$0x0], $0xffff;
	[tilespmem:s15+$0x380] =	vst v15  }
0x9a: {  	v6 =	vadd.f32 v6, v11;
	v1 =	vadd.f32 v1, v2;
	v15 =	vadd.s32 s20, v4;
	v2 =	vld.idx.msk [tilespmem:v3+s2+$0x0], $0xffff;
	[tilespmem:s15+$0x180] =	vst v7  }
0x9b: {  	v4 =	vadd.s32 s14, v4;
	v3 =	vadd.f32 v5, v10;
	v5 =	vadd.f32 v23, v8;
	[tilespmem:s15+$0xFFFFE100] =	vst v12  }
0x9c: {  	v7 =	vld.idx.msk [tilespmem:v16+s2+$0x0], $0xffff;
	[tilespmem:s15+$0x200] =	vst v6  }
0x9d: {  	v1 =	vadd.f32 v13, v1;
	v6 =	vld.idx.msk [tilespmem:v18+s2+$0x0], $0xffff;
	[tilespmem:s15+$0x280] =	vst v5  }
0x9e: {  	v0 =	vadd.f32 v0, v3;
	[tilespmem:s15+$0xFFFFE380] =	vst v24  }
0x9f: {  	v3 =	vld.idx.msk [tilespmem:v15+s2+$0x0], $0xffff;
	[tilespmem:s15+$0x300] =	vst v1  }
0xa0: {  	v1 =	vld.idx.msk [tilespmem:v4+s2+$0x0], $0xffff;
	[tilespmem:s15+$0x0] =	vst v0  }
0xa1: {  	[tilespmem:s15+$0xFFFFE180] =	vst v2  }
0xa2: {  	[tilespmem:s15+$0xFFFFE200] =	vst v7  }
0xa3: {  	[tilespmem:s15+$0xFFFFE280] =	vst v6  }
0xa4: {  	[tilespmem:s15+$0xFFFFE300] =	vst v3  }
0xa5: {  	[tilespmem:s15+$0xFFFFE000] =	vst v1  }
0xa6: {  	v0 =	vld [tilespmem:$0x1290]  }
0xa7: {  	v2 =	vld [tilespmem:$0x1190]  }
0xa8: {  	v4 =	vld [tilespmem:$0x1210]  }
0xa9: {  	v5 =	vld [tilespmem:$0x1310];
	_ =	sdelay $0x1  }
0xaa: {  	v1 =	vmul.u32 $0x41, v0  }
0xab: {  	s23 =	simm.s32 $0x0;
	v3 =	vmul.u32 $0x41, v2  }
0xac: {  	v2 =	vmul.u32 $0x41, v4;
	v4 =	vadd.s32 s23, v1  }
0xad: {  	v0 =	vmul.u32 $0x41, v5;
	v5 =	vadd.s32 s23, v3  }
0xae: {  	s24 =	simm.s32 $0x1;
	v6 =	vadd.s32 s23, v2  }
0xaf: {  	s25 =	simm.s32 $0x2;
	v7 =	vadd.s32 s24, v0  }
0xb0: {  	s28 =	simm.s32 $0x4;
	v8 =	vld [tilespmem:$0x1110];
	v9 =	vadd.s32 s25, v0  }
0xb1: {  	v10 =	vadd.s32 s28, v0;
	v11 =	vld.idx.msk [tilespmem:v4+s2+$0x0], $0xffff  }
0xb2: {  	v12 =	vadd.s32 s24, v1;
	v5 =	vld.idx.msk [tilespmem:v5+s2+$0x0], $0xffff  }
0xb3: {  	v13 =	vadd.s32 s25, v1;
	v6 =	vld.idx.msk [tilespmem:v6+s2+$0x0], $0xffff  }
0xb4: {  	v14 =	vadd.s32 s24, v3;
	v7 =	vld.idx.msk [tilespmem:v7+s2+$0x0], $0xffff  }
0xb5: {  	s26 =	simm.s32 $0x3;
	v15 =	vadd.s32 s24, v2;
	v9 =	vld.idx.msk [tilespmem:v9+s2+$0x0], $0xffff  }
0xb6: {  	v4 =	vadd.s32 s26, v0;
	v10 =	vld.idx.msk [tilespmem:v10+s2+$0x0], $0xffff  }
0xb7: {  	v17 =	vadd.s32 s25, v2;
	v12 =	vld.idx.msk [tilespmem:v12+s2+$0x0], $0xffff  }
0xb8: {  	v18 =	vadd.s32 s26, v3;
	v13 =	vld.idx.msk [tilespmem:v13+s2+$0x0], $0xffff  }
0xb9: {  	v19 =	vadd.s32 s26, v2;
	v14 =	vld.idx.msk [tilespmem:v14+s2+$0x0], $0xffff  }
0xba: {  	v20 =	vadd.s32 s28, v3;
	v15 =	vld.idx.msk [tilespmem:v15+s2+$0x0], $0xffff  }
0xbb: {  	s29 =	simm.s32 $0x5;
	v16 =	vld.idx.msk [tilespmem:v4+s2+$0x0], $0xffff;
	v4 =	vadd.s32 s25, v3  }
0xbc: {  	v22 =	vadd.s32 s29, v3;
	v17 =	vld.idx.msk [tilespmem:v17+s2+$0x0], $0xffff  }
0xbd: {  	s30 =	simm.s32 $0x7;
	v23 =	vadd.s32 s29, v2;
	v18 =	vld.idx.msk [tilespmem:v18+s2+$0x0], $0xffff  }
0xbe: {  	v24 =	vadd.s32 s30, v3;
	v19 =	vld.idx.msk [tilespmem:v19+s2+$0x0], $0xffff  }
0xbf: {  	v25 =	vadd.s32 s30, v2;
	v20 =	vld.idx.msk [tilespmem:v20+s2+$0x0], $0xffff  }
0xc0: {  	v21 =	vld.idx.msk [tilespmem:v4+s2+$0x0], $0xffff;
	v4 =	vadd.s32 s28, v2  }
0xc1: {  	s31 =	simm.s32 $0x6;
	v27 =	vadd.s32 s30, v1;
	v22 =	vld.idx.msk [tilespmem:v22+s2+$0x0], $0xffff  }
0xc2: {  	v56 =	vadd.s32 s31, v2;
	v23 =	vld.idx.msk [tilespmem:v23+s2+$0x0], $0xffff  }
0xc3: {  	v57 =	vadd.s32 s30, v0;
	v24 =	vld.idx.msk [tilespmem:v24+s2+$0x0], $0xffff  }
0xc4: {  	v59 =	vadd.s32 s28, v1;
	v25 =	vld.idx.msk [tilespmem:v25+s2+$0x0], $0xffff  }
0xc5: {  	v26 =	vld.idx.msk [tilespmem:v4+s2+$0x0], $0xffff;
	v4 =	vadd.s32 s31, v3  }
0xc6: {  	v33 =	vadd.s32 s29, v1;
	v27 =	vld.idx.msk [tilespmem:v27+s2+$0x0], $0xffff  }
0xc7: {  	v34 =	vadd.s32 s31, v1;
	v28 =	vld.idx.msk [tilespmem:v56+s2+$0x0], $0xffff  }
0xc8: {  	v35 =	vadd.s32 s29, v0;
	v29 =	vld.idx.msk [tilespmem:v57+s2+$0x0], $0xffff  }
0xc9: {  	v61 =	vadd.s32 s31, v0;
	v31 =	vld.idx.msk [tilespmem:v59+s2+$0x0], $0xffff  }
0xca: {  	v36 =	vadd.s32 s23, v0;
	v60 =	vld.idx.msk [tilespmem:v4+s2+$0x0], $0xffff;
	v4 =	vmul.u32 $0x41, v8  }
0xcb: {  	v58 =	vadd.s32 s26, v1;
	v33 =	vld.idx.msk [tilespmem:v33+s2+$0x0], $0xffff  }
0xcc: {  	v34 =	vld.idx.msk [tilespmem:v34+s2+$0x0], $0xffff;
	v37 =	vadd.s32 s30, v4  }
0xcd: {  	v35 =	vld.idx.msk [tilespmem:v35+s2+$0x0], $0xffff;
	v38 =	vadd.s32 s24, v4  }
0xce: {  	v30 =	vld.idx.msk [tilespmem:v61+s2+$0x0], $0xffff;
	v39 =	vadd.s32 s25, v4  }
0xcf: {  	v36 =	vld.idx.msk [tilespmem:v36+s2+$0x0], $0xffff;
	v6 =	vadd.f32 v6, v5;
	v40 =	vadd.s32 s26, v4  }
0xd0: {  	v5 =	vadd.f32 v15, v14;
	v18 =	vadd.f32 v19, v18;
	v8 =	vld.idx.msk [tilespmem:v58+s2+$0x0], $0xffff;
	v41 =	vadd.s32 s28, v4  }
0xd1: {  	v15 =	vadd.f32 v17, v21;
	v17 =	vadd.f32 v25, v24;
	v14 =	vadd.s32 s29, v4;
	v37 =	vld.idx.msk [tilespmem:v37+s2+$0x0], $0xffff  }
0xd2: {  	v22 =	vadd.f32 v23, v22;
	v5 =	vadd.f32 v12, v5;
	v24 =	vadd.s32 s31, v4;
	v21 =	vld.idx.msk [tilespmem:v38+s2+$0x0], $0xffff  }
0xd3: {  	s14 =	simm.s32 $0x8;
	v17 =	vadd.f32 v27, v17;
	v19 =	vadd.f32 v26, v20;
	v20 =	vadd.s32 s23, v4;
	v25 =	vld.idx.msk [tilespmem:v39+s2+$0x0], $0xffff  }
0xd4: {  	v23 =	vadd.s32 s14, v1;
	v6 =	vadd.f32 v11, v6;
	v13 =	vadd.f32 v13, v15;
	v26 =	vld.idx.msk [tilespmem:v40+s2+$0x0], $0xffff  }
0xd5: {  	v5 =	vadd.f32 v7, v5;
	v27 =	vadd.s32 s14, v3;
	v15 =	vadd.f32 v29, v17;
	v62 =	vld.idx.msk [tilespmem:v41+s2+$0x0], $0xffff  }
0xd6: {  	s16 =	simm.s32 $0x9;
	v17 =	vadd.s32 s14, v2;
	v9 =	vadd.f32 v9, v13;
	v13 =	vadd.f32 v31, v19;
	v63 =	vld.idx.msk [tilespmem:v14+s2+$0x0], $0xffff  }
0xd7: {  	s15 =	simm.s32 $0x3510;
	v12 =	vadd.f32 v28, v60;
	v7 =	vadd.f32 v8, v18;
	v8 =	vadd.s32 s16, v0;
	v18 =	vld.idx.msk [tilespmem:v24+s2+$0x0], $0xffff  }
0xd8: {  	s17 =	simm.s32 $0xA;
	v11 =	vadd.s32 s16, v1;
	v6 =	vadd.f32 v36, v6;
	v19 =	vld.idx.msk [tilespmem:v20+s2+$0x0], $0xffff;
	[tilespmem:s15+$0x80] =	vst v5  }
0xd9: {  	s19 =	simm.s32 $0xC;
	v14 =	vadd.s32 s17, v0;
	v5 =	vld.idx.msk [tilespmem:v23+s2+$0x0], $0xffff;
	[tilespmem:s15+$0x100] =	vst v9;
	v9 =	vadd.f32 v10, v13;
	v13 =	vadd.f32 v34, v12  }
0xda: {  	s18 =	simm.s32 $0xB;
	[tilespmem:s15+$0x380] =	vst v15;
	v7 =	vadd.f32 v16, v7;
	v10 =	vld.idx.msk [tilespmem:v27+s2+$0x0], $0xffff;
	v20 =	vadd.s32 s19, v0  }
0xdb: {  	v15 =	vadd.f32 v33, v22;
	v16 =	vadd.s32 s18, v0;
	v12 =	vld.idx.msk [tilespmem:v17+s2+$0x0], $0xffff;
	[tilespmem:s15+$0x0] =	vst v6;
	v13 =	vadd.f32 v30, v13  }
0xdc: {  	v17 =	vadd.s32 s16, v3;
	[tilespmem:s15+$0x180] =	vst v7;
	v8 =	vld.idx.msk [tilespmem:v8+s2+$0x0], $0xffff  }
0xdd: {  	v22 =	vadd.s32 s16, v2;
	v7 =	vadd.f32 v35, v15;
	[tilespmem:s15+$0x300] =	vst v13;
	v13 =	vld.idx.msk [tilespmem:v11+s2+$0x0], $0xffff  }
0xde: {  	[tilespmem:s15+$0x200] =	vst v9;
	v15 =	vadd.s32 s17, v1;
	v9 =	vld.idx.msk [tilespmem:v14+s2+$0x0], $0xffff  }
0xdf: {  	[tilespmem:s15+$0x280] =	vst v7;
	v6 =	vld.idx.msk [tilespmem:v20+s2+$0x0], $0xffff;
	v20 =	vadd.s32 s17, v2  }
0xe0: {  	v23 =	vadd.s32 s17, v3;
	v7 =	vld.idx.msk [tilespmem:v16+s2+$0x0], $0xffff;
	[tilespmem:s15+$0xFFFFE080] =	vst v21  }
0xe1: {  	v24 =	vadd.s32 s18, v3;
	[tilespmem:s15+$0xFFFFE100] =	vst v25;
	v14 =	vld.idx.msk [tilespmem:v17+s2+$0x0], $0xffff  }
0xe2: {  	[tilespmem:s15+$0xFFFFE180] =	vst v26;
	v25 =	vadd.s32 s18, v2;
	v16 =	vld.idx.msk [tilespmem:v22+s2+$0x0], $0xffff  }
0xe3: {  	[tilespmem:s15+$0xFFFFE200] =	vst v62;
	v21 =	vadd.s32 s19, v3;
	v11 =	vld.idx.msk [tilespmem:v15+s2+$0x0], $0xffff  }
0xe4: {  	s21 =	simm.s32 $0xD;
	[tilespmem:s15+$0xFFFFE280] =	vst v63;
	v17 =	vld.idx.msk [tilespmem:v20+s2+$0x0], $0xffff;
	v20 =	vadd.s32 s19, v2  }
0xe5: {  	[tilespmem:s15+$0xFFFFE300] =	vst v18;
	v15 =	vld.idx.msk [tilespmem:v23+s2+$0x0], $0xffff;
	v23 =	vadd.s32 s21, v3  }
0xe6: {  	s22 =	simm.s32 $0xF;
	[tilespmem:s15+$0xFFFFE380] =	vst v37;
	v18 =	vld.idx.msk [tilespmem:v24+s2+$0x0], $0xffff;
	v22 =	vadd.s32 s21, v2  }
0xe7: {  	s20 =	simm.s32 $0x10;
	[tilespmem:s15+$0xFFFFE000] =	vst v19;
	v24 =	vadd.s32 s22, v3;
	v19 =	vld.idx.msk [tilespmem:v25+s2+$0x0], $0xffff  }
.LBB2_5:
0xe8: {  	p0 =	slt.u32 s20, $0x38;
	v21 =	vld.idx.msk [tilespmem:v21+s2+$0x0], $0xffff;
	s23 =	sadd.s32 $0x6, s14;
	v25 =	vadd.s32 s22, v2  }
0xe9: {  	v20 =	vld.idx.msk [tilespmem:v20+s2+$0x0], $0xffff;
	v26 =	vadd.s32 s23, v3  }
0xea: {  	v27 =	vadd.s32 s22, v1;
	v23 =	vld.idx.msk [tilespmem:v23+s2+$0x0], $0xffff  }
0xeb: {  	v28 =	vadd.s32 s23, v2;
	v22 =	vld.idx.msk [tilespmem:v22+s2+$0x0], $0xffff  }
0xec: {  	v29 =	vadd.s32 s22, v0;
	v24 =	vld.idx.msk [tilespmem:v24+s2+$0x0], $0xffff  }
0xed: {  	v30 =	vadd.s32 s18, v1;
	v25 =	vld.idx.msk [tilespmem:v25+s2+$0x0], $0xffff  }
0xee: {  	v31 =	vadd.s32 s19, v1;
	v26 =	vld.idx.msk [tilespmem:v26+s2+$0x0], $0xffff  }
0xef: {  	v32 =	vadd.s32 s21, v1;
	v27 =	vld.idx.msk [tilespmem:v27+s2+$0x0], $0xffff  }
0xf0: {  	v33 =	vadd.s32 s23, v1;
	v28 =	vld.idx.msk [tilespmem:v28+s2+$0x0], $0xffff  }
0xf1: {  	v34 =	vadd.s32 s21, v0;
	v29 =	vld.idx.msk [tilespmem:v29+s2+$0x0], $0xffff  }
0xf2: {  	v10 =	vadd.f32 v12, v10;
	v12 =	vadd.f32 v16, v14;
	v16 =	vadd.s32 s23, v0;
	v14 =	vld.idx.msk [tilespmem:v30+s2+$0x0], $0xffff  }
0xf3: {  	v15 =	vadd.f32 v17, v15;
	v30 =	vadd.s32 s14, v0;
	v24 =	vadd.f32 v25, v24;
	v17 =	vld.idx.msk [tilespmem:v31+s2+$0x0], $0xffff  }
0xf4: {  	v18 =	vadd.f32 v19, v18;
	v19 =	vadd.f32 v20, v21;
	v21 =	vadd.s32 s22, v4;
	v20 =	vld.idx.msk [tilespmem:v32+s2+$0x0], $0xffff  }
0xf5: {  	v22 =	vadd.f32 v22, v23;
	v25 =	vadd.s32 s16, v4;
	v24 =	vadd.f32 v27, v24;
	v23 =	vld.idx.msk [tilespmem:v33+s2+$0x0], $0xffff  }
0xf6: {  	v12 =	vadd.f32 v13, v12;
	v13 =	vadd.s32 s17, v4;
	v26 =	vadd.f32 v28, v26;
	v27 =	vld.idx.msk [tilespmem:v34+s2+$0x0], $0xffff  }
0xf7: {  	v11 =	vadd.f32 v11, v15;
	v15 =	vadd.s32 s18, v4;
	v24 =	vadd.f32 v29, v24;
	v16 =	vld.idx.msk [tilespmem:v16+s2+$0x0], $0xffff  }
0xf8: {  	s15 =	sadd.s32 $0x400, s15;
	v8 =	vadd.f32 v8, v12;
	v12 =	vadd.f32 v14, v18;
	v14 =	vadd.s32 s19, v4;
	v28 =	vld.idx.msk [tilespmem:v30+s2+$0x0], $0xffff  }
0xf9: {  	v9 =	vadd.f32 v9, v11;
	v11 =	vadd.f32 v17, v19;
	v17 =	vadd.s32 s21, v4;
	v18 =	vld.idx.msk [tilespmem:v21+s2+$0x0], $0xffff;
	[tilespmem:s15+$0x380] =	vst v24  }
0xfa: {  	v7 =	vadd.f32 v7, v12;
	v12 =	vadd.s32 s23, v4;
	v19 =	vld.idx.msk [tilespmem:v25+s2+$0x0], $0xffff;
	[tilespmem:s15+$0x80] =	vst v8;
	v8 =	vadd.f32 v20, v22  }
0xfb: {  	v20 =	vadd.s32 s14, v4;
	v6 =	vadd.f32 v6, v11;
	s14 =	smov.u32 s20;
	v13 =	vld.idx.msk [tilespmem:v13+s2+$0x0], $0xffff;
	[tilespmem:s15+$0x100] =	vst v9;
	v9 =	vadd.f32 v23, v26  }
0xfc: {  	v5 =	vadd.f32 v5, v10;
	v11 =	vadd.s32 s20, v1;
	v15 =	vld.idx.msk [tilespmem:v15+s2+$0x0], $0xffff;
	[tilespmem:s15+$0x180] =	vst v7;
	v7 =	vadd.f32 v27, v8  }
0xfd: {  	v8 =	vadd.s32 s20, v3;
	v14 =	vld.idx.msk [tilespmem:v14+s2+$0x0], $0xffff;
	[tilespmem:s15+$0x200] =	vst v6;
	v6 =	vadd.f32 v16, v9  }
0xfe: {  	s16 =	sadd.s32 $0x1, s20;
	v9 =	vadd.s32 s20, v2;
	v5 =	vadd.f32 v28, v5;
	v16 =	vld.idx.msk [tilespmem:v17+s2+$0x0], $0xffff;
	[tilespmem:s15+$0x280] =	vst v7  }
0xff: {  	s17 =	sadd.s32 $0x2, s20;
	v7 =	vadd.s32 s16, v0;
	v17 =	vld.idx.msk [tilespmem:v12+s2+$0x0], $0xffff;
	[tilespmem:s15+$0x300] =	vst v6  }
0x100: {  	s18 =	sadd.s32 $0x3, s20;
	v6 =	vadd.s32 s17, v0;
	v20 =	vld.idx.msk [tilespmem:v20+s2+$0x0], $0xffff;
	[tilespmem:s15+$0x0] =	vst v5  }
0x101: {  	s19 =	sadd.s32 $0x4, s20;
	v5 =	vld.idx.msk [tilespmem:v11+s2+$0x0], $0xffff;
	v11 =	vadd.s32 s18, v0;
	[tilespmem:s15+$0xFFFFE080] =	vst v19  }
0x102: {  	v19 =	vadd.s32 s19, v0;
	v10 =	vld.idx.msk [tilespmem:v8+s2+$0x0], $0xffff;
	[tilespmem:s15+$0xFFFFE100] =	vst v13  }
0x103: {  	v13 =	vadd.s32 s16, v1;
	v12 =	vld.idx.msk [tilespmem:v9+s2+$0x0], $0xffff;
	[tilespmem:s15+$0xFFFFE180] =	vst v15  }
0x104: {  	v15 =	vadd.s32 s17, v1;
	v8 =	vld.idx.msk [tilespmem:v7+s2+$0x0], $0xffff;
	[tilespmem:s15+$0xFFFFE200] =	vst v14  }
0x105: {  	v14 =	vadd.s32 s16, v3;
	v9 =	vld.idx.msk [tilespmem:v6+s2+$0x0], $0xffff;
	[tilespmem:s15+$0xFFFFE280] =	vst v16  }
0x106: {  	v16 =	vadd.s32 s16, v2;
	v7 =	vld.idx.msk [tilespmem:v11+s2+$0x0], $0xffff;
	[tilespmem:s15+$0xFFFFE300] =	vst v17  }
0x107: {  	v17 =	vadd.s32 s17, v3;
	v6 =	vld.idx.msk [tilespmem:v19+s2+$0x0], $0xffff;
	[tilespmem:s15+$0xFFFFE380] =	vst v18  }
0x108: {  	v18 =	vadd.s32 s17, v2;
	v13 =	vld.idx.msk [tilespmem:v13+s2+$0x0], $0xffff;
	[tilespmem:s15+$0xFFFFE000] =	vst v20  }
0x109: {  	v19 =	vadd.s32 s18, v3;
	v11 =	vld.idx.msk [tilespmem:v15+s2+$0x0], $0xffff  }
0x10a: {  	v24 =	vadd.s32 s18, v2;
	v14 =	vld.idx.msk [tilespmem:v14+s2+$0x0], $0xffff  }
.Ltmp2:
0x10b: {  	v21 =	vadd.s32 s19, v3;
	v16 =	vld.idx.msk [tilespmem:v16+s2+$0x0], $0xffff;
	(pc) =	sbr.rel @p0 .LBB2_5-.Ltmp2, $4  }
0x10c: {  	s21 =	sadd.s32 $0x5, s20;
	v20 =	vadd.s32 s19, v2;
	v15 =	vld.idx.msk [tilespmem:v17+s2+$0x0], $0xffff  }
0x10d: {  	v23 =	vadd.s32 s21, v3;
	v17 =	vld.idx.msk [tilespmem:v18+s2+$0x0], $0xffff  }
0x10e: {  	s22 =	sadd.s32 $0x7, s20;
	v22 =	vadd.s32 s21, v2;
	v18 =	vld.idx.msk [tilespmem:v19+s2+$0x0], $0xffff  }
0x10f: {  	s20 =	sadd.s32 $0x8, s20;
	v19 =	vld.idx.msk [tilespmem:v24+s2+$0x0], $0xffff;
	v24 =	vadd.s32 s22, v3  }
0x110: {  	_ =	sdelay $0x3  }
0x111: {  	v21 =	vld.idx.msk [tilespmem:v21+s2+$0x0], $0xffff;
	v25 =	vadd.s32 s22, v2  }
0x112: {  	v20 =	vld.idx.msk [tilespmem:v20+s2+$0x0], $0xffff;
	v26 =	vadd.s32 s22, v1  }
0x113: {  	v23 =	vld.idx.msk [tilespmem:v23+s2+$0x0], $0xffff;
	v28 =	vadd.s32 s18, v1  }
0x114: {  	s20 =	sadd.s32 $0x6, s14;
	v22 =	vld.idx.msk [tilespmem:v22+s2+$0x0], $0xffff;
	v29 =	vadd.s32 s19, v1  }
0x115: {  	v24 =	vld.idx.msk [tilespmem:v24+s2+$0x0], $0xffff;
	v3 =	vadd.s32 s20, v3  }
0x116: {  	v2 =	vadd.s32 s20, v2;
	v25 =	vld.idx.msk [tilespmem:v25+s2+$0x0], $0xffff  }
0x117: {  	v27 =	vadd.s32 s22, v0;
	v10 =	vadd.f32 v12, v10;
	v26 =	vld.idx.msk [tilespmem:v26+s2+$0x0], $0xffff  }
0x118: {  	v30 =	vadd.s32 s21, v1;
	v12 =	vadd.f32 v16, v14;
	v15 =	vadd.f32 v17, v15;
	v28 =	vld.idx.msk [tilespmem:v28+s2+$0x0], $0xffff  }
0x119: {  	v18 =	vadd.f32 v19, v18;
	v14 =	vld.idx.msk [tilespmem:v29+s2+$0x0], $0xffff;
	v19 =	vadd.f32 v20, v21;
	v20 =	vadd.s32 s16, v4  }
0x11a: {  	v31 =	vadd.s32 s21, v0;
	v3 =	vld.idx.msk [tilespmem:v3+s2+$0x0], $0xffff  }
0x11b: {  	v1 =	vadd.s32 s20, v1;
	v11 =	vadd.f32 v11, v15;
	v2 =	vld.idx.msk [tilespmem:v2+s2+$0x0], $0xffff  }
0x11c: {  	v27 =	vld.idx.msk [tilespmem:v27+s2+$0x0], $0xffff;
	v21 =	vadd.f32 v22, v23;
	v22 =	vadd.s32 s17, v4  }
0x11d: {  	v32 =	vadd.s32 s20, v0;
	v12 =	vadd.f32 v13, v12;
	v17 =	vld.idx.msk [tilespmem:v30+s2+$0x0], $0xffff;
	v9 =	vadd.f32 v9, v11  }
0x11e: {  	v0 =	vadd.s32 s14, v0;
	v16 =	vadd.f32 v25, v24;
	v11 =	vadd.f32 v14, v19;
	v14 =	vld.idx.msk [tilespmem:v20+s2+$0x0], $0xffff  }
0x11f: {  	v8 =	vadd.f32 v8, v12;
	v23 =	vld.idx.msk [tilespmem:v31+s2+$0x0], $0xffff;
	v24 =	vadd.s32 s22, v4;
	v12 =	vadd.f32 v28, v18  }
0x120: {  	s15 =	sadd.s32 $0x400, s15;
	v1 =	vld.idx.msk [tilespmem:v1+s2+$0x0], $0xffff;
	v2 =	vadd.f32 v2, v3;
	v3 =	vadd.s32 s18, v4;
	v16 =	vadd.f32 v26, v16  }
0x121: {  	[tilespmem:s15+$0x80] =	vst v8;
	v7 =	vadd.f32 v7, v12;
	v12 =	vld.idx.msk [tilespmem:v22+s2+$0x0], $0xffff  }
0x122: {  	v13 =	vld.idx.msk [tilespmem:v32+s2+$0x0], $0xffff;
	[tilespmem:s15+$0x100] =	vst v9;
	v15 =	vadd.f32 v27, v16;
	v16 =	vadd.s32 s19, v4  }
0x123: {  	v0 =	vld.idx.msk [tilespmem:v0+s2+$0x0], $0xffff;
	v18 =	vadd.s32 s21, v4;
	[tilespmem:s15+$0xFFFFE080] =	vst v14  }
0x124: {  	v8 =	vadd.f32 v17, v21;
	v24 =	vld.idx.msk [tilespmem:v24+s2+$0x0], $0xffff;
	[tilespmem:s15+$0x380] =	vst v15  }
0x125: {  	v6 =	vadd.f32 v6, v11;
	v1 =	vadd.f32 v1, v2;
	v15 =	vadd.s32 s20, v4;
	v2 =	vld.idx.msk [tilespmem:v3+s2+$0x0], $0xffff;
	[tilespmem:s15+$0x180] =	vst v7  }
0x126: {  	v4 =	vadd.s32 s14, v4;
	v3 =	vadd.f32 v5, v10;
	v5 =	vadd.f32 v23, v8;
	[tilespmem:s15+$0xFFFFE100] =	vst v12  }
0x127: {  	v7 =	vld.idx.msk [tilespmem:v16+s2+$0x0], $0xffff;
	[tilespmem:s15+$0x200] =	vst v6  }
0x128: {  	v1 =	vadd.f32 v13, v1;
	v6 =	vld.idx.msk [tilespmem:v18+s2+$0x0], $0xffff;
	[tilespmem:s15+$0x280] =	vst v5  }
0x129: {  	v0 =	vadd.f32 v0, v3;
	[tilespmem:s15+$0xFFFFE380] =	vst v24  }
0x12a: {  	v3 =	vld.idx.msk [tilespmem:v15+s2+$0x0], $0xffff;
	[tilespmem:s15+$0x300] =	vst v1  }
0x12b: {  	v1 =	vld.idx.msk [tilespmem:v4+s2+$0x0], $0xffff;
	[tilespmem:s15+$0x0] =	vst v0  }
0x12c: {  	[tilespmem:s15+$0xFFFFE180] =	vst v2  }
0x12d: {  	[tilespmem:s15+$0xFFFFE200] =	vst v7  }
0x12e: {  	[tilespmem:s15+$0xFFFFE280] =	vst v6  }
0x12f: {  	[tilespmem:s15+$0xFFFFE300] =	vst v3  }
0x130: {  	[tilespmem:s15+$0xFFFFE000] =	vst v1  }
0x131: {  	v0 =	vld [tilespmem:$0x12A0]  }
0x132: {  	v2 =	vld [tilespmem:$0x11A0]  }
0x133: {  	v4 =	vld [tilespmem:$0x1220]  }
0x134: {  	v5 =	vld [tilespmem:$0x1320];
	_ =	sdelay $0x1  }
0x135: {  	v1 =	vmul.u32 $0x41, v0  }
0x136: {  	s23 =	simm.s32 $0x0;
	v3 =	vmul.u32 $0x41, v2  }
0x137: {  	v2 =	vmul.u32 $0x41, v4;
	v4 =	vadd.s32 s23, v1  }
0x138: {  	v0 =	vmul.u32 $0x41, v5;
	v5 =	vadd.s32 s23, v3  }
0x139: {  	s24 =	simm.s32 $0x1;
	v6 =	vadd.s32 s23, v2  }
0x13a: {  	s25 =	simm.s32 $0x2;
	v7 =	vadd.s32 s24, v0  }
0x13b: {  	s28 =	simm.s32 $0x4;
	v8 =	vld [tilespmem:$0x1120];
	v9 =	vadd.s32 s25, v0  }
0x13c: {  	v10 =	vadd.s32 s28, v0;
	v11 =	vld.idx.msk [tilespmem:v4+s2+$0x0], $0xffff  }
0x13d: {  	v12 =	vadd.s32 s24, v1;
	v5 =	vld.idx.msk [tilespmem:v5+s2+$0x0], $0xffff  }
0x13e: {  	v13 =	vadd.s32 s25, v1;
	v6 =	vld.idx.msk [tilespmem:v6+s2+$0x0], $0xffff  }
0x13f: {  	v14 =	vadd.s32 s24, v3;
	v7 =	vld.idx.msk [tilespmem:v7+s2+$0x0], $0xffff  }
0x140: {  	s26 =	simm.s32 $0x3;
	v15 =	vadd.s32 s24, v2;
	v9 =	vld.idx.msk [tilespmem:v9+s2+$0x0], $0xffff  }
0x141: {  	v4 =	vadd.s32 s26, v0;
	v10 =	vld.idx.msk [tilespmem:v10+s2+$0x0], $0xffff  }
0x142: {  	v17 =	vadd.s32 s25, v2;
	v12 =	vld.idx.msk [tilespmem:v12+s2+$0x0], $0xffff  }
0x143: {  	v18 =	vadd.s32 s26, v3;
	v13 =	vld.idx.msk [tilespmem:v13+s2+$0x0], $0xffff  }
0x144: {  	v19 =	vadd.s32 s26, v2;
	v14 =	vld.idx.msk [tilespmem:v14+s2+$0x0], $0xffff  }
0x145: {  	v20 =	vadd.s32 s28, v3;
	v15 =	vld.idx.msk [tilespmem:v15+s2+$0x0], $0xffff  }
0x146: {  	s29 =	simm.s32 $0x5;
	v16 =	vld.idx.msk [tilespmem:v4+s2+$0x0], $0xffff;
	v4 =	vadd.s32 s25, v3  }
0x147: {  	v22 =	vadd.s32 s29, v3;
	v17 =	vld.idx.msk [tilespmem:v17+s2+$0x0], $0xffff  }
0x148: {  	s30 =	simm.s32 $0x7;
	v23 =	vadd.s32 s29, v2;
	v18 =	vld.idx.msk [tilespmem:v18+s2+$0x0], $0xffff  }
0x149: {  	v24 =	vadd.s32 s30, v3;
	v19 =	vld.idx.msk [tilespmem:v19+s2+$0x0], $0xffff  }
0x14a: {  	v25 =	vadd.s32 s30, v2;
	v20 =	vld.idx.msk [tilespmem:v20+s2+$0x0], $0xffff  }
0x14b: {  	v21 =	vld.idx.msk [tilespmem:v4+s2+$0x0], $0xffff;
	v4 =	vadd.s32 s28, v2  }
0x14c: {  	s31 =	simm.s32 $0x6;
	v27 =	vadd.s32 s30, v1;
	v22 =	vld.idx.msk [tilespmem:v22+s2+$0x0], $0xffff  }
0x14d: {  	v56 =	vadd.s32 s31, v2;
	v23 =	vld.idx.msk [tilespmem:v23+s2+$0x0], $0xffff  }
0x14e: {  	v57 =	vadd.s32 s30, v0;
	v24 =	vld.idx.msk [tilespmem:v24+s2+$0x0], $0xffff  }
0x14f: {  	v59 =	vadd.s32 s28, v1;
	v25 =	vld.idx.msk [tilespmem:v25+s2+$0x0], $0xffff  }
0x150: {  	v26 =	vld.idx.msk [tilespmem:v4+s2+$0x0], $0xffff;
	v4 =	vadd.s32 s31, v3  }
0x151: {  	v33 =	vadd.s32 s29, v1;
	v27 =	vld.idx.msk [tilespmem:v27+s2+$0x0], $0xffff  }
0x152: {  	v34 =	vadd.s32 s31, v1;
	v28 =	vld.idx.msk [tilespmem:v56+s2+$0x0], $0xffff  }
0x153: {  	v35 =	vadd.s32 s29, v0;
	v29 =	vld.idx.msk [tilespmem:v57+s2+$0x0], $0xffff  }
0x154: {  	v61 =	vadd.s32 s31, v0;
	v31 =	vld.idx.msk [tilespmem:v59+s2+$0x0], $0xffff  }
0x155: {  	v36 =	vadd.s32 s23, v0;
	v60 =	vld.idx.msk [tilespmem:v4+s2+$0x0], $0xffff;
	v4 =	vmul.u32 $0x41, v8  }
0x156: {  	v58 =	vadd.s32 s26, v1;
	v33 =	vld.idx.msk [tilespmem:v33+s2+$0x0], $0xffff  }
0x157: {  	v34 =	vld.idx.msk [tilespmem:v34+s2+$0x0], $0xffff;
	v37 =	vadd.s32 s30, v4  }
0x158: {  	v35 =	vld.idx.msk [tilespmem:v35+s2+$0x0], $0xffff;
	v38 =	vadd.s32 s24, v4  }
0x159: {  	v30 =	vld.idx.msk [tilespmem:v61+s2+$0x0], $0xffff;
	v39 =	vadd.s32 s25, v4  }
0x15a: {  	v36 =	vld.idx.msk [tilespmem:v36+s2+$0x0], $0xffff;
	v6 =	vadd.f32 v6, v5;
	v40 =	vadd.s32 s26, v4  }
0x15b: {  	v5 =	vadd.f32 v15, v14;
	v18 =	vadd.f32 v19, v18;
	v8 =	vld.idx.msk [tilespmem:v58+s2+$0x0], $0xffff;
	v41 =	vadd.s32 s28, v4  }
0x15c: {  	v15 =	vadd.f32 v17, v21;
	v17 =	vadd.f32 v25, v24;
	v14 =	vadd.s32 s29, v4;
	v37 =	vld.idx.msk [tilespmem:v37+s2+$0x0], $0xffff  }
0x15d: {  	v22 =	vadd.f32 v23, v22;
	v5 =	vadd.f32 v12, v5;
	v24 =	vadd.s32 s31, v4;
	v21 =	vld.idx.msk [tilespmem:v38+s2+$0x0], $0xffff  }
0x15e: {  	s14 =	simm.s32 $0x8;
	v17 =	vadd.f32 v27, v17;
	v19 =	vadd.f32 v26, v20;
	v20 =	vadd.s32 s23, v4;
	v25 =	vld.idx.msk [tilespmem:v39+s2+$0x0], $0xffff  }
0x15f: {  	v23 =	vadd.s32 s14, v1;
	v6 =	vadd.f32 v11, v6;
	v13 =	vadd.f32 v13, v15;
	v26 =	vld.idx.msk [tilespmem:v40+s2+$0x0], $0xffff  }
0x160: {  	v5 =	vadd.f32 v7, v5;
	v27 =	vadd.s32 s14, v3;
	v15 =	vadd.f32 v29, v17;
	v62 =	vld.idx.msk [tilespmem:v41+s2+$0x0], $0xffff  }
0x161: {  	s16 =	simm.s32 $0x9;
	v17 =	vadd.s32 s14, v2;
	v9 =	vadd.f32 v9, v13;
	v13 =	vadd.f32 v31, v19;
	v63 =	vld.idx.msk [tilespmem:v14+s2+$0x0], $0xffff  }
0x162: {  	s15 =	simm.s32 $0x3520;
	v12 =	vadd.f32 v28, v60;
	v7 =	vadd.f32 v8, v18;
	v8 =	vadd.s32 s16, v0;
	v18 =	vld.idx.msk [tilespmem:v24+s2+$0x0], $0xffff  }
0x163: {  	s17 =	simm.s32 $0xA;
	v11 =	vadd.s32 s16, v1;
	v6 =	vadd.f32 v36, v6;
	v19 =	vld.idx.msk [tilespmem:v20+s2+$0x0], $0xffff;
	[tilespmem:s15+$0x80] =	vst v5  }
0x164: {  	s19 =	simm.s32 $0xC;
	v14 =	vadd.s32 s17, v0;
	v5 =	vld.idx.msk [tilespmem:v23+s2+$0x0], $0xffff;
	[tilespmem:s15+$0x100] =	vst v9;
	v9 =	vadd.f32 v10, v13;
	v13 =	vadd.f32 v34, v12  }
0x165: {  	s18 =	simm.s32 $0xB;
	[tilespmem:s15+$0x380] =	vst v15;
	v7 =	vadd.f32 v16, v7;
	v10 =	vld.idx.msk [tilespmem:v27+s2+$0x0], $0xffff;
	v20 =	vadd.s32 s19, v0  }
0x166: {  	v15 =	vadd.f32 v33, v22;
	v16 =	vadd.s32 s18, v0;
	v12 =	vld.idx.msk [tilespmem:v17+s2+$0x0], $0xffff;
	[tilespmem:s15+$0x0] =	vst v6;
	v13 =	vadd.f32 v30, v13  }
0x167: {  	v17 =	vadd.s32 s16, v3;
	[tilespmem:s15+$0x180] =	vst v7;
	v8 =	vld.idx.msk [tilespmem:v8+s2+$0x0], $0xffff  }
0x168: {  	v22 =	vadd.s32 s16, v2;
	v7 =	vadd.f32 v35, v15;
	[tilespmem:s15+$0x300] =	vst v13;
	v13 =	vld.idx.msk [tilespmem:v11+s2+$0x0], $0xffff  }
0x169: {  	[tilespmem:s15+$0x200] =	vst v9;
	v15 =	vadd.s32 s17, v1;
	v9 =	vld.idx.msk [tilespmem:v14+s2+$0x0], $0xffff  }
0x16a: {  	[tilespmem:s15+$0x280] =	vst v7;
	v6 =	vld.idx.msk [tilespmem:v20+s2+$0x0], $0xffff;
	v20 =	vadd.s32 s17, v2  }
0x16b: {  	v23 =	vadd.s32 s17, v3;
	v7 =	vld.idx.msk [tilespmem:v16+s2+$0x0], $0xffff;
	[tilespmem:s15+$0xFFFFE080] =	vst v21  }
0x16c: {  	v24 =	vadd.s32 s18, v3;
	[tilespmem:s15+$0xFFFFE100] =	vst v25;
	v14 =	vld.idx.msk [tilespmem:v17+s2+$0x0], $0xffff  }
0x16d: {  	[tilespmem:s15+$0xFFFFE180] =	vst v26;
	v25 =	vadd.s32 s18, v2;
	v16 =	vld.idx.msk [tilespmem:v22+s2+$0x0], $0xffff  }
0x16e: {  	[tilespmem:s15+$0xFFFFE200] =	vst v62;
	v21 =	vadd.s32 s19, v3;
	v11 =	vld.idx.msk [tilespmem:v15+s2+$0x0], $0xffff  }
0x16f: {  	s21 =	simm.s32 $0xD;
	[tilespmem:s15+$0xFFFFE280] =	vst v63;
	v17 =	vld.idx.msk [tilespmem:v20+s2+$0x0], $0xffff;
	v20 =	vadd.s32 s19, v2  }
0x170: {  	[tilespmem:s15+$0xFFFFE300] =	vst v18;
	v15 =	vld.idx.msk [tilespmem:v23+s2+$0x0], $0xffff;
	v23 =	vadd.s32 s21, v3  }
0x171: {  	s22 =	simm.s32 $0xF;
	[tilespmem:s15+$0xFFFFE380] =	vst v37;
	v18 =	vld.idx.msk [tilespmem:v24+s2+$0x0], $0xffff;
	v22 =	vadd.s32 s21, v2  }
0x172: {  	s20 =	simm.s32 $0x10;
	[tilespmem:s15+$0xFFFFE000] =	vst v19;
	v24 =	vadd.s32 s22, v3;
	v19 =	vld.idx.msk [tilespmem:v25+s2+$0x0], $0xffff  }
.LBB2_7:
0x173: {  	p0 =	slt.u32 s20, $0x38;
	v21 =	vld.idx.msk [tilespmem:v21+s2+$0x0], $0xffff;
	s23 =	sadd.s32 $0x6, s14;
	v25 =	vadd.s32 s22, v2  }
0x174: {  	v20 =	vld.idx.msk [tilespmem:v20+s2+$0x0], $0xffff;
	v26 =	vadd.s32 s23, v3  }
0x175: {  	v27 =	vadd.s32 s22, v1;
	v23 =	vld.idx.msk [tilespmem:v23+s2+$0x0], $0xffff  }
0x176: {  	v28 =	vadd.s32 s23, v2;
	v22 =	vld.idx.msk [tilespmem:v22+s2+$0x0], $0xffff  }
0x177: {  	v29 =	vadd.s32 s22, v0;
	v24 =	vld.idx.msk [tilespmem:v24+s2+$0x0], $0xffff  }
0x178: {  	v30 =	vadd.s32 s18, v1;
	v25 =	vld.idx.msk [tilespmem:v25+s2+$0x0], $0xffff  }
0x179: {  	v31 =	vadd.s32 s19, v1;
	v26 =	vld.idx.msk [tilespmem:v26+s2+$0x0], $0xffff  }
0x17a: {  	v32 =	vadd.s32 s21, v1;
	v27 =	vld.idx.msk [tilespmem:v27+s2+$0x0], $0xffff  }
0x17b: {  	v33 =	vadd.s32 s23, v1;
	v28 =	vld.idx.msk [tilespmem:v28+s2+$0x0], $0xffff  }
0x17c: {  	v34 =	vadd.s32 s21, v0;
	v29 =	vld.idx.msk [tilespmem:v29+s2+$0x0], $0xffff  }
0x17d: {  	v10 =	vadd.f32 v12, v10;
	v12 =	vadd.f32 v16, v14;
	v16 =	vadd.s32 s23, v0;
	v14 =	vld.idx.msk [tilespmem:v30+s2+$0x0], $0xffff  }
0x17e: {  	v15 =	vadd.f32 v17, v15;
	v30 =	vadd.s32 s14, v0;
	v24 =	vadd.f32 v25, v24;
	v17 =	vld.idx.msk [tilespmem:v31+s2+$0x0], $0xffff  }
0x17f: {  	v18 =	vadd.f32 v19, v18;
	v19 =	vadd.f32 v20, v21;
	v21 =	vadd.s32 s22, v4;
	v20 =	vld.idx.msk [tilespmem:v32+s2+$0x0], $0xffff  }
0x180: {  	v22 =	vadd.f32 v22, v23;
	v25 =	vadd.s32 s16, v4;
	v24 =	vadd.f32 v27, v24;
	v23 =	vld.idx.msk [tilespmem:v33+s2+$0x0], $0xffff  }
0x181: {  	v12 =	vadd.f32 v13, v12;
	v13 =	vadd.s32 s17, v4;
	v26 =	vadd.f32 v28, v26;
	v27 =	vld.idx.msk [tilespmem:v34+s2+$0x0], $0xffff  }
0x182: {  	v11 =	vadd.f32 v11, v15;
	v15 =	vadd.s32 s18, v4;
	v24 =	vadd.f32 v29, v24;
	v16 =	vld.idx.msk [tilespmem:v16+s2+$0x0], $0xffff  }
0x183: {  	s15 =	sadd.s32 $0x400, s15;
	v8 =	vadd.f32 v8, v12;
	v12 =	vadd.f32 v14, v18;
	v14 =	vadd.s32 s19, v4;
	v28 =	vld.idx.msk [tilespmem:v30+s2+$0x0], $0xffff  }
0x184: {  	v9 =	vadd.f32 v9, v11;
	v11 =	vadd.f32 v17, v19;
	v17 =	vadd.s32 s21, v4;
	v18 =	vld.idx.msk [tilespmem:v21+s2+$0x0], $0xffff;
	[tilespmem:s15+$0x380] =	vst v24  }
0x185: {  	v7 =	vadd.f32 v7, v12;
	v12 =	vadd.s32 s23, v4;
	v19 =	vld.idx.msk [tilespmem:v25+s2+$0x0], $0xffff;
	[tilespmem:s15+$0x80] =	vst v8;
	v8 =	vadd.f32 v20, v22  }
0x186: {  	v20 =	vadd.s32 s14, v4;
	v6 =	vadd.f32 v6, v11;
	s14 =	smov.u32 s20;
	v13 =	vld.idx.msk [tilespmem:v13+s2+$0x0], $0xffff;
	[tilespmem:s15+$0x100] =	vst v9;
	v9 =	vadd.f32 v23, v26  }
0x187: {  	v5 =	vadd.f32 v5, v10;
	v11 =	vadd.s32 s20, v1;
	v15 =	vld.idx.msk [tilespmem:v15+s2+$0x0], $0xffff;
	[tilespmem:s15+$0x180] =	vst v7;
	v7 =	vadd.f32 v27, v8  }
0x188: {  	v8 =	vadd.s32 s20, v3;
	v14 =	vld.idx.msk [tilespmem:v14+s2+$0x0], $0xffff;
	[tilespmem:s15+$0x200] =	vst v6;
	v6 =	vadd.f32 v16, v9  }
0x189: {  	s16 =	sadd.s32 $0x1, s20;
	v9 =	vadd.s32 s20, v2;
	v5 =	vadd.f32 v28, v5;
	v16 =	vld.idx.msk [tilespmem:v17+s2+$0x0], $0xffff;
	[tilespmem:s15+$0x280] =	vst v7  }
0x18a: {  	s17 =	sadd.s32 $0x2, s20;
	v7 =	vadd.s32 s16, v0;
	v17 =	vld.idx.msk [tilespmem:v12+s2+$0x0], $0xffff;
	[tilespmem:s15+$0x300] =	vst v6  }
0x18b: {  	s18 =	sadd.s32 $0x3, s20;
	v6 =	vadd.s32 s17, v0;
	v20 =	vld.idx.msk [tilespmem:v20+s2+$0x0], $0xffff;
	[tilespmem:s15+$0x0] =	vst v5  }
0x18c: {  	s19 =	sadd.s32 $0x4, s20;
	v5 =	vld.idx.msk [tilespmem:v11+s2+$0x0], $0xffff;
	v11 =	vadd.s32 s18, v0;
	[tilespmem:s15+$0xFFFFE080] =	vst v19  }
0x18d: {  	v19 =	vadd.s32 s19, v0;
	v10 =	vld.idx.msk [tilespmem:v8+s2+$0x0], $0xffff;
	[tilespmem:s15+$0xFFFFE100] =	vst v13  }
0x18e: {  	v13 =	vadd.s32 s16, v1;
	v12 =	vld.idx.msk [tilespmem:v9+s2+$0x0], $0xffff;
	[tilespmem:s15+$0xFFFFE180] =	vst v15  }
0x18f: {  	v15 =	vadd.s32 s17, v1;
	v8 =	vld.idx.msk [tilespmem:v7+s2+$0x0], $0xffff;
	[tilespmem:s15+$0xFFFFE200] =	vst v14  }
0x190: {  	v14 =	vadd.s32 s16, v3;
	v9 =	vld.idx.msk [tilespmem:v6+s2+$0x0], $0xffff;
	[tilespmem:s15+$0xFFFFE280] =	vst v16  }
0x191: {  	v16 =	vadd.s32 s16, v2;
	v7 =	vld.idx.msk [tilespmem:v11+s2+$0x0], $0xffff;
	[tilespmem:s15+$0xFFFFE300] =	vst v17  }
0x192: {  	v17 =	vadd.s32 s17, v3;
	v6 =	vld.idx.msk [tilespmem:v19+s2+$0x0], $0xffff;
	[tilespmem:s15+$0xFFFFE380] =	vst v18  }
0x193: {  	v18 =	vadd.s32 s17, v2;
	v13 =	vld.idx.msk [tilespmem:v13+s2+$0x0], $0xffff;
	[tilespmem:s15+$0xFFFFE000] =	vst v20  }
0x194: {  	v19 =	vadd.s32 s18, v3;
	v11 =	vld.idx.msk [tilespmem:v15+s2+$0x0], $0xffff  }
0x195: {  	v24 =	vadd.s32 s18, v2;
	v14 =	vld.idx.msk [tilespmem:v14+s2+$0x0], $0xffff  }
.Ltmp3:
0x196: {  	v21 =	vadd.s32 s19, v3;
	v16 =	vld.idx.msk [tilespmem:v16+s2+$0x0], $0xffff;
	(pc) =	sbr.rel @p0 .LBB2_7-.Ltmp3, $4  }
0x197: {  	s21 =	sadd.s32 $0x5, s20;
	v20 =	vadd.s32 s19, v2;
	v15 =	vld.idx.msk [tilespmem:v17+s2+$0x0], $0xffff  }
0x198: {  	v23 =	vadd.s32 s21, v3;
	v17 =	vld.idx.msk [tilespmem:v18+s2+$0x0], $0xffff  }
0x199: {  	s22 =	sadd.s32 $0x7, s20;
	v22 =	vadd.s32 s21, v2;
	v18 =	vld.idx.msk [tilespmem:v19+s2+$0x0], $0xffff  }
0x19a: {  	s20 =	sadd.s32 $0x8, s20;
	v19 =	vld.idx.msk [tilespmem:v24+s2+$0x0], $0xffff;
	v24 =	vadd.s32 s22, v3  }
0x19b: {  	_ =	sdelay $0x3  }
0x19c: {  	v21 =	vld.idx.msk [tilespmem:v21+s2+$0x0], $0xffff;
	v25 =	vadd.s32 s22, v2  }
0x19d: {  	v20 =	vld.idx.msk [tilespmem:v20+s2+$0x0], $0xffff;
	v26 =	vadd.s32 s22, v1  }
0x19e: {  	v23 =	vld.idx.msk [tilespmem:v23+s2+$0x0], $0xffff;
	v28 =	vadd.s32 s18, v1  }
0x19f: {  	s20 =	sadd.s32 $0x6, s14;
	v22 =	vld.idx.msk [tilespmem:v22+s2+$0x0], $0xffff;
	v29 =	vadd.s32 s19, v1  }
0x1a0: {  	v24 =	vld.idx.msk [tilespmem:v24+s2+$0x0], $0xffff;
	v3 =	vadd.s32 s20, v3  }
0x1a1: {  	v2 =	vadd.s32 s20, v2;
	v25 =	vld.idx.msk [tilespmem:v25+s2+$0x0], $0xffff  }
0x1a2: {  	v27 =	vadd.s32 s22, v0;
	v10 =	vadd.f32 v12, v10;
	v26 =	vld.idx.msk [tilespmem:v26+s2+$0x0], $0xffff  }
0x1a3: {  	v30 =	vadd.s32 s21, v1;
	v12 =	vadd.f32 v16, v14;
	v15 =	vadd.f32 v17, v15;
	v28 =	vld.idx.msk [tilespmem:v28+s2+$0x0], $0xffff  }
0x1a4: {  	v18 =	vadd.f32 v19, v18;
	v14 =	vld.idx.msk [tilespmem:v29+s2+$0x0], $0xffff;
	v19 =	vadd.f32 v20, v21;
	v20 =	vadd.s32 s16, v4  }
0x1a5: {  	v31 =	vadd.s32 s21, v0;
	v3 =	vld.idx.msk [tilespmem:v3+s2+$0x0], $0xffff  }
0x1a6: {  	v1 =	vadd.s32 s20, v1;
	v11 =	vadd.f32 v11, v15;
	v2 =	vld.idx.msk [tilespmem:v2+s2+$0x0], $0xffff  }
0x1a7: {  	v27 =	vld.idx.msk [tilespmem:v27+s2+$0x0], $0xffff;
	v21 =	vadd.f32 v22, v23;
	v22 =	vadd.s32 s17, v4  }
0x1a8: {  	v32 =	vadd.s32 s20, v0;
	v12 =	vadd.f32 v13, v12;
	v17 =	vld.idx.msk [tilespmem:v30+s2+$0x0], $0xffff;
	v9 =	vadd.f32 v9, v11  }
0x1a9: {  	v0 =	vadd.s32 s14, v0;
	v16 =	vadd.f32 v25, v24;
	v11 =	vadd.f32 v14, v19;
	v14 =	vld.idx.msk [tilespmem:v20+s2+$0x0], $0xffff  }
0x1aa: {  	v8 =	vadd.f32 v8, v12;
	v23 =	vld.idx.msk [tilespmem:v31+s2+$0x0], $0xffff;
	v24 =	vadd.s32 s22, v4;
	v12 =	vadd.f32 v28, v18  }
0x1ab: {  	s15 =	sadd.s32 $0x400, s15;
	v1 =	vld.idx.msk [tilespmem:v1+s2+$0x0], $0xffff;
	v2 =	vadd.f32 v2, v3;
	v3 =	vadd.s32 s18, v4;
	v16 =	vadd.f32 v26, v16  }
0x1ac: {  	[tilespmem:s15+$0x80] =	vst v8;
	v7 =	vadd.f32 v7, v12;
	v12 =	vld.idx.msk [tilespmem:v22+s2+$0x0], $0xffff  }
0x1ad: {  	v13 =	vld.idx.msk [tilespmem:v32+s2+$0x0], $0xffff;
	[tilespmem:s15+$0x100] =	vst v9;
	v15 =	vadd.f32 v27, v16;
	v16 =	vadd.s32 s19, v4  }
0x1ae: {  	v0 =	vld.idx.msk [tilespmem:v0+s2+$0x0], $0xffff;
	v18 =	vadd.s32 s21, v4;
	[tilespmem:s15+$0xFFFFE080] =	vst v14  }
0x1af: {  	v8 =	vadd.f32 v17, v21;
	v24 =	vld.idx.msk [tilespmem:v24+s2+$0x0], $0xffff;
	[tilespmem:s15+$0x380] =	vst v15  }
0x1b0: {  	v6 =	vadd.f32 v6, v11;
	v1 =	vadd.f32 v1, v2;
	v15 =	vadd.s32 s20, v4;
	v2 =	vld.idx.msk [tilespmem:v3+s2+$0x0], $0xffff;
	[tilespmem:s15+$0x180] =	vst v7  }
0x1b1: {  	v4 =	vadd.s32 s14, v4;
	v3 =	vadd.f32 v5, v10;
	v5 =	vadd.f32 v23, v8;
	[tilespmem:s15+$0xFFFFE100] =	vst v12  }
0x1b2: {  	v7 =	vld.idx.msk [tilespmem:v16+s2+$0x0], $0xffff;
	[tilespmem:s15+$0x200] =	vst v6  }
0x1b3: {  	v1 =	vadd.f32 v13, v1;
	v6 =	vld.idx.msk [tilespmem:v18+s2+$0x0], $0xffff;
	[tilespmem:s15+$0x280] =	vst v5  }
0x1b4: {  	v0 =	vadd.f32 v0, v3;
	[tilespmem:s15+$0xFFFFE380] =	vst v24  }
0x1b5: {  	v3 =	vld.idx.msk [tilespmem:v15+s2+$0x0], $0xffff;
	[tilespmem:s15+$0x300] =	vst v1  }
0x1b6: {  	v1 =	vld.idx.msk [tilespmem:v4+s2+$0x0], $0xffff;
	[tilespmem:s15+$0x0] =	vst v0  }
0x1b7: {  	[tilespmem:s15+$0xFFFFE180] =	vst v2  }
0x1b8: {  	[tilespmem:s15+$0xFFFFE200] =	vst v7  }
0x1b9: {  	[tilespmem:s15+$0xFFFFE280] =	vst v6  }
0x1ba: {  	[tilespmem:s15+$0xFFFFE300] =	vst v3  }
0x1bb: {  	[tilespmem:s15+$0xFFFFE000] =	vst v1  }
0x1bc: {  	v0 =	vld [tilespmem:$0x12B0]  }
0x1bd: {  	v2 =	vld [tilespmem:$0x11B0]  }
0x1be: {  	v4 =	vld [tilespmem:$0x1230]  }
0x1bf: {  	v5 =	vld [tilespmem:$0x1330];
	_ =	sdelay $0x1  }
0x1c0: {  	v1 =	vmul.u32 $0x41, v0  }
0x1c1: {  	s23 =	simm.s32 $0x0;
	v3 =	vmul.u32 $0x41, v2  }
0x1c2: {  	v2 =	vmul.u32 $0x41, v4;
	v4 =	vadd.s32 s23, v1  }
0x1c3: {  	v0 =	vmul.u32 $0x41, v5;
	v5 =	vadd.s32 s23, v3  }
0x1c4: {  	s24 =	simm.s32 $0x1;
	v6 =	vadd.s32 s23, v2  }
0x1c5: {  	s25 =	simm.s32 $0x2;
	v7 =	vadd.s32 s24, v0  }
0x1c6: {  	s28 =	simm.s32 $0x4;
	v8 =	vld [tilespmem:$0x1130];
	v9 =	vadd.s32 s25, v0  }
0x1c7: {  	v10 =	vadd.s32 s28, v0;
	v11 =	vld.idx.msk [tilespmem:v4+s2+$0x0], $0xffff  }
0x1c8: {  	v12 =	vadd.s32 s24, v1;
	v5 =	vld.idx.msk [tilespmem:v5+s2+$0x0], $0xffff  }
0x1c9: {  	v13 =	vadd.s32 s25, v1;
	v6 =	vld.idx.msk [tilespmem:v6+s2+$0x0], $0xffff  }
0x1ca: {  	v14 =	vadd.s32 s24, v3;
	v7 =	vld.idx.msk [tilespmem:v7+s2+$0x0], $0xffff  }
0x1cb: {  	s26 =	simm.s32 $0x3;
	v15 =	vadd.s32 s24, v2;
	v9 =	vld.idx.msk [tilespmem:v9+s2+$0x0], $0xffff  }
0x1cc: {  	v4 =	vadd.s32 s26, v0;
	v10 =	vld.idx.msk [tilespmem:v10+s2+$0x0], $0xffff  }
0x1cd: {  	v17 =	vadd.s32 s25, v2;
	v12 =	vld.idx.msk [tilespmem:v12+s2+$0x0], $0xffff  }
0x1ce: {  	v18 =	vadd.s32 s26, v3;
	v13 =	vld.idx.msk [tilespmem:v13+s2+$0x0], $0xffff  }
0x1cf: {  	v19 =	vadd.s32 s26, v2;
	v14 =	vld.idx.msk [tilespmem:v14+s2+$0x0], $0xffff  }
0x1d0: {  	v20 =	vadd.s32 s28, v3;
	v15 =	vld.idx.msk [tilespmem:v15+s2+$0x0], $0xffff  }
0x1d1: {  	s29 =	simm.s32 $0x5;
	v16 =	vld.idx.msk [tilespmem:v4+s2+$0x0], $0xffff;
	v4 =	vadd.s32 s25, v3  }
0x1d2: {  	v22 =	vadd.s32 s29, v3;
	v17 =	vld.idx.msk [tilespmem:v17+s2+$0x0], $0xffff  }
0x1d3: {  	s30 =	simm.s32 $0x7;
	v23 =	vadd.s32 s29, v2;
	v18 =	vld.idx.msk [tilespmem:v18+s2+$0x0], $0xffff  }
0x1d4: {  	v24 =	vadd.s32 s30, v3;
	v19 =	vld.idx.msk [tilespmem:v19+s2+$0x0], $0xffff  }
0x1d5: {  	v25 =	vadd.s32 s30, v2;
	v20 =	vld.idx.msk [tilespmem:v20+s2+$0x0], $0xffff  }
0x1d6: {  	v21 =	vld.idx.msk [tilespmem:v4+s2+$0x0], $0xffff;
	v4 =	vadd.s32 s28, v2  }
0x1d7: {  	s31 =	simm.s32 $0x6;
	v27 =	vadd.s32 s30, v1;
	v22 =	vld.idx.msk [tilespmem:v22+s2+$0x0], $0xffff  }
0x1d8: {  	v56 =	vadd.s32 s31, v2;
	v23 =	vld.idx.msk [tilespmem:v23+s2+$0x0], $0xffff  }
0x1d9: {  	v57 =	vadd.s32 s30, v0;
	v24 =	vld.idx.msk [tilespmem:v24+s2+$0x0], $0xffff  }
0x1da: {  	v59 =	vadd.s32 s28, v1;
	v25 =	vld.idx.msk [tilespmem:v25+s2+$0x0], $0xffff  }
0x1db: {  	v26 =	vld.idx.msk [tilespmem:v4+s2+$0x0], $0xffff;
	v4 =	vadd.s32 s31, v3  }
0x1dc: {  	v33 =	vadd.s32 s29, v1;
	v27 =	vld.idx.msk [tilespmem:v27+s2+$0x0], $0xffff  }
0x1dd: {  	v34 =	vadd.s32 s31, v1;
	v28 =	vld.idx.msk [tilespmem:v56+s2+$0x0], $0xffff  }
0x1de: {  	v35 =	vadd.s32 s29, v0;
	v29 =	vld.idx.msk [tilespmem:v57+s2+$0x0], $0xffff  }
0x1df: {  	v61 =	vadd.s32 s31, v0;
	v31 =	vld.idx.msk [tilespmem:v59+s2+$0x0], $0xffff  }
0x1e0: {  	v36 =	vadd.s32 s23, v0;
	v60 =	vld.idx.msk [tilespmem:v4+s2+$0x0], $0xffff;
	v4 =	vmul.u32 $0x41, v8  }
0x1e1: {  	v58 =	vadd.s32 s26, v1;
	v33 =	vld.idx.msk [tilespmem:v33+s2+$0x0], $0xffff  }
0x1e2: {  	v34 =	vld.idx.msk [tilespmem:v34+s2+$0x0], $0xffff;
	v37 =	vadd.s32 s30, v4  }
0x1e3: {  	v35 =	vld.idx.msk [tilespmem:v35+s2+$0x0], $0xffff;
	v38 =	vadd.s32 s24, v4  }
0x1e4: {  	v30 =	vld.idx.msk [tilespmem:v61+s2+$0x0], $0xffff;
	v39 =	vadd.s32 s25, v4  }
0x1e5: {  	v36 =	vld.idx.msk [tilespmem:v36+s2+$0x0], $0xffff;
	v6 =	vadd.f32 v6, v5;
	v40 =	vadd.s32 s26, v4  }
0x1e6: {  	v5 =	vadd.f32 v15, v14;
	v18 =	vadd.f32 v19, v18;
	v8 =	vld.idx.msk [tilespmem:v58+s2+$0x0], $0xffff;
	v41 =	vadd.s32 s28, v4  }
0x1e7: {  	v15 =	vadd.f32 v17, v21;
	v17 =	vadd.f32 v25, v24;
	v14 =	vadd.s32 s29, v4;
	v37 =	vld.idx.msk [tilespmem:v37+s2+$0x0], $0xffff  }
0x1e8: {  	v22 =	vadd.f32 v23, v22;
	v5 =	vadd.f32 v12, v5;
	v24 =	vadd.s32 s31, v4;
	v21 =	vld.idx.msk [tilespmem:v38+s2+$0x0], $0xffff  }
0x1e9: {  	s14 =	simm.s32 $0x8;
	v17 =	vadd.f32 v27, v17;
	v19 =	vadd.f32 v26, v20;
	v20 =	vadd.s32 s23, v4;
	v25 =	vld.idx.msk [tilespmem:v39+s2+$0x0], $0xffff  }
0x1ea: {  	v23 =	vadd.s32 s14, v1;
	v6 =	vadd.f32 v11, v6;
	v13 =	vadd.f32 v13, v15;
	v26 =	vld.idx.msk [tilespmem:v40+s2+$0x0], $0xffff  }
0x1eb: {  	v5 =	vadd.f32 v7, v5;
	v27 =	vadd.s32 s14, v3;
	v15 =	vadd.f32 v29, v17;
	v62 =	vld.idx.msk [tilespmem:v41+s2+$0x0], $0xffff  }
0x1ec: {  	s16 =	simm.s32 $0x9;
	v17 =	vadd.s32 s14, v2;
	v9 =	vadd.f32 v9, v13;
	v13 =	vadd.f32 v31, v19;
	v63 =	vld.idx.msk [tilespmem:v14+s2+$0x0], $0xffff  }
0x1ed: {  	s15 =	simm.s32 $0x3530;
	v12 =	vadd.f32 v28, v60;
	v7 =	vadd.f32 v8, v18;
	v8 =	vadd.s32 s16, v0;
	v18 =	vld.idx.msk [tilespmem:v24+s2+$0x0], $0xffff  }
0x1ee: {  	s17 =	simm.s32 $0xA;
	v11 =	vadd.s32 s16, v1;
	v6 =	vadd.f32 v36, v6;
	v19 =	vld.idx.msk [tilespmem:v20+s2+$0x0], $0xffff;
	[tilespmem:s15+$0x80] =	vst v5  }
0x1ef: {  	s19 =	simm.s32 $0xC;
	v14 =	vadd.s32 s17, v0;
	v5 =	vld.idx.msk [tilespmem:v23+s2+$0x0], $0xffff;
	[tilespmem:s15+$0x100] =	vst v9;
	v9 =	vadd.f32 v10, v13;
	v13 =	vadd.f32 v34, v12  }
0x1f0: {  	s18 =	simm.s32 $0xB;
	[tilespmem:s15+$0x380] =	vst v15;
	v7 =	vadd.f32 v16, v7;
	v10 =	vld.idx.msk [tilespmem:v27+s2+$0x0], $0xffff;
	v20 =	vadd.s32 s19, v0  }
0x1f1: {  	v15 =	vadd.f32 v33, v22;
	v16 =	vadd.s32 s18, v0;
	v12 =	vld.idx.msk [tilespmem:v17+s2+$0x0], $0xffff;
	[tilespmem:s15+$0x0] =	vst v6;
	v13 =	vadd.f32 v30, v13  }
0x1f2: {  	v17 =	vadd.s32 s16, v3;
	[tilespmem:s15+$0x180] =	vst v7;
	v8 =	vld.idx.msk [tilespmem:v8+s2+$0x0], $0xffff  }
0x1f3: {  	v22 =	vadd.s32 s16, v2;
	v7 =	vadd.f32 v35, v15;
	[tilespmem:s15+$0x300] =	vst v13;
	v13 =	vld.idx.msk [tilespmem:v11+s2+$0x0], $0xffff  }
0x1f4: {  	[tilespmem:s15+$0x200] =	vst v9;
	v15 =	vadd.s32 s17, v1;
	v9 =	vld.idx.msk [tilespmem:v14+s2+$0x0], $0xffff  }
0x1f5: {  	[tilespmem:s15+$0x280] =	vst v7;
	v6 =	vld.idx.msk [tilespmem:v20+s2+$0x0], $0xffff;
	v20 =	vadd.s32 s17, v2  }
0x1f6: {  	v23 =	vadd.s32 s17, v3;
	v7 =	vld.idx.msk [tilespmem:v16+s2+$0x0], $0xffff;
	[tilespmem:s15+$0xFFFFE080] =	vst v21  }
0x1f7: {  	v24 =	vadd.s32 s18, v3;
	[tilespmem:s15+$0xFFFFE100] =	vst v25;
	v14 =	vld.idx.msk [tilespmem:v17+s2+$0x0], $0xffff  }
0x1f8: {  	[tilespmem:s15+$0xFFFFE180] =	vst v26;
	v25 =	vadd.s32 s18, v2;
	v16 =	vld.idx.msk [tilespmem:v22+s2+$0x0], $0xffff  }
0x1f9: {  	[tilespmem:s15+$0xFFFFE200] =	vst v62;
	v21 =	vadd.s32 s19, v3;
	v11 =	vld.idx.msk [tilespmem:v15+s2+$0x0], $0xffff  }
0x1fa: {  	s21 =	simm.s32 $0xD;
	[tilespmem:s15+$0xFFFFE280] =	vst v63;
	v17 =	vld.idx.msk [tilespmem:v20+s2+$0x0], $0xffff;
	v20 =	vadd.s32 s19, v2  }
0x1fb: {  	[tilespmem:s15+$0xFFFFE300] =	vst v18;
	v15 =	vld.idx.msk [tilespmem:v23+s2+$0x0], $0xffff;
	v23 =	vadd.s32 s21, v3  }
0x1fc: {  	s22 =	simm.s32 $0xF;
	[tilespmem:s15+$0xFFFFE380] =	vst v37;
	v18 =	vld.idx.msk [tilespmem:v24+s2+$0x0], $0xffff;
	v22 =	vadd.s32 s21, v2  }
0x1fd: {  	s20 =	simm.s32 $0x10;
	[tilespmem:s15+$0xFFFFE000] =	vst v19;
	v24 =	vadd.s32 s22, v3;
	v19 =	vld.idx.msk [tilespmem:v25+s2+$0x0], $0xffff  }
.LBB2_9:
0x1fe: {  	p0 =	slt.u32 s20, $0x38;
	v21 =	vld.idx.msk [tilespmem:v21+s2+$0x0], $0xffff;
	s23 =	sadd.s32 $0x6, s14;
	v25 =	vadd.s32 s22, v2  }
0x1ff: {  	v20 =	vld.idx.msk [tilespmem:v20+s2+$0x0], $0xffff;
	v26 =	vadd.s32 s23, v3  }
0x200: {  	v27 =	vadd.s32 s22, v1;
	v23 =	vld.idx.msk [tilespmem:v23+s2+$0x0], $0xffff  }
0x201: {  	v28 =	vadd.s32 s23, v2;
	v22 =	vld.idx.msk [tilespmem:v22+s2+$0x0], $0xffff  }
0x202: {  	v29 =	vadd.s32 s22, v0;
	v24 =	vld.idx.msk [tilespmem:v24+s2+$0x0], $0xffff  }
0x203: {  	v30 =	vadd.s32 s18, v1;
	v25 =	vld.idx.msk [tilespmem:v25+s2+$0x0], $0xffff  }
0x204: {  	v31 =	vadd.s32 s19, v1;
	v26 =	vld.idx.msk [tilespmem:v26+s2+$0x0], $0xffff  }
0x205: {  	v32 =	vadd.s32 s21, v1;
	v27 =	vld.idx.msk [tilespmem:v27+s2+$0x0], $0xffff  }
0x206: {  	v33 =	vadd.s32 s23, v1;
	v28 =	vld.idx.msk [tilespmem:v28+s2+$0x0], $0xffff  }
0x207: {  	v34 =	vadd.s32 s21, v0;
	v29 =	vld.idx.msk [tilespmem:v29+s2+$0x0], $0xffff  }
0x208: {  	v10 =	vadd.f32 v12, v10;
	v12 =	vadd.f32 v16, v14;
	v16 =	vadd.s32 s23, v0;
	v14 =	vld.idx.msk [tilespmem:v30+s2+$0x0], $0xffff  }
0x209: {  	v15 =	vadd.f32 v17, v15;
	v30 =	vadd.s32 s14, v0;
	v24 =	vadd.f32 v25, v24;
	v17 =	vld.idx.msk [tilespmem:v31+s2+$0x0], $0xffff  }
0x20a: {  	v18 =	vadd.f32 v19, v18;
	v19 =	vadd.f32 v20, v21;
	v21 =	vadd.s32 s22, v4;
	v20 =	vld.idx.msk [tilespmem:v32+s2+$0x0], $0xffff  }
0x20b: {  	v22 =	vadd.f32 v22, v23;
	v25 =	vadd.s32 s16, v4;
	v24 =	vadd.f32 v27, v24;
	v23 =	vld.idx.msk [tilespmem:v33+s2+$0x0], $0xffff  }
0x20c: {  	v12 =	vadd.f32 v13, v12;
	v13 =	vadd.s32 s17, v4;
	v26 =	vadd.f32 v28, v26;
	v27 =	vld.idx.msk [tilespmem:v34+s2+$0x0], $0xffff  }
0x20d: {  	v11 =	vadd.f32 v11, v15;
	v15 =	vadd.s32 s18, v4;
	v24 =	vadd.f32 v29, v24;
	v16 =	vld.idx.msk [tilespmem:v16+s2+$0x0], $0xffff  }
0x20e: {  	s15 =	sadd.s32 $0x400, s15;
	v8 =	vadd.f32 v8, v12;
	v12 =	vadd.f32 v14, v18;
	v14 =	vadd.s32 s19, v4;
	v28 =	vld.idx.msk [tilespmem:v30+s2+$0x0], $0xffff  }
0x20f: {  	v9 =	vadd.f32 v9, v11;
	v11 =	vadd.f32 v17, v19;
	v17 =	vadd.s32 s21, v4;
	v18 =	vld.idx.msk [tilespmem:v21+s2+$0x0], $0xffff;
	[tilespmem:s15+$0x380] =	vst v24  }
0x210: {  	v7 =	vadd.f32 v7, v12;
	v12 =	vadd.s32 s23, v4;
	v19 =	vld.idx.msk [tilespmem:v25+s2+$0x0], $0xffff;
	[tilespmem:s15+$0x80] =	vst v8;
	v8 =	vadd.f32 v20, v22  }
0x211: {  	v20 =	vadd.s32 s14, v4;
	v6 =	vadd.f32 v6, v11;
	s14 =	smov.u32 s20;
	v13 =	vld.idx.msk [tilespmem:v13+s2+$0x0], $0xffff;
	[tilespmem:s15+$0x100] =	vst v9;
	v9 =	vadd.f32 v23, v26  }
0x212: {  	v5 =	vadd.f32 v5, v10;
	v11 =	vadd.s32 s20, v1;
	v15 =	vld.idx.msk [tilespmem:v15+s2+$0x0], $0xffff;
	[tilespmem:s15+$0x180] =	vst v7;
	v7 =	vadd.f32 v27, v8  }
0x213: {  	v8 =	vadd.s32 s20, v3;
	v14 =	vld.idx.msk [tilespmem:v14+s2+$0x0], $0xffff;
	[tilespmem:s15+$0x200] =	vst v6;
	v6 =	vadd.f32 v16, v9  }
0x214: {  	s16 =	sadd.s32 $0x1, s20;
	v9 =	vadd.s32 s20, v2;
	v5 =	vadd.f32 v28, v5;
	v16 =	vld.idx.msk [tilespmem:v17+s2+$0x0], $0xffff;
	[tilespmem:s15+$0x280] =	vst v7  }
0x215: {  	s17 =	sadd.s32 $0x2, s20;
	v7 =	vadd.s32 s16, v0;
	v17 =	vld.idx.msk [tilespmem:v12+s2+$0x0], $0xffff;
	[tilespmem:s15+$0x300] =	vst v6  }
0x216: {  	s18 =	sadd.s32 $0x3, s20;
	v6 =	vadd.s32 s17, v0;
	v20 =	vld.idx.msk [tilespmem:v20+s2+$0x0], $0xffff;
	[tilespmem:s15+$0x0] =	vst v5  }
0x217: {  	s19 =	sadd.s32 $0x4, s20;
	v5 =	vld.idx.msk [tilespmem:v11+s2+$0x0], $0xffff;
	v11 =	vadd.s32 s18, v0;
	[tilespmem:s15+$0xFFFFE080] =	vst v19  }
0x218: {  	v19 =	vadd.s32 s19, v0;
	v10 =	vld.idx.msk [tilespmem:v8+s2+$0x0], $0xffff;
	[tilespmem:s15+$0xFFFFE100] =	vst v13  }
0x219: {  	v13 =	vadd.s32 s16, v1;
	v12 =	vld.idx.msk [tilespmem:v9+s2+$0x0], $0xffff;
	[tilespmem:s15+$0xFFFFE180] =	vst v15  }
0x21a: {  	v15 =	vadd.s32 s17, v1;
	v8 =	vld.idx.msk [tilespmem:v7+s2+$0x0], $0xffff;
	[tilespmem:s15+$0xFFFFE200] =	vst v14  }
0x21b: {  	v14 =	vadd.s32 s16, v3;
	v9 =	vld.idx.msk [tilespmem:v6+s2+$0x0], $0xffff;
	[tilespmem:s15+$0xFFFFE280] =	vst v16  }
0x21c: {  	v16 =	vadd.s32 s16, v2;
	v7 =	vld.idx.msk [tilespmem:v11+s2+$0x0], $0xffff;
	[tilespmem:s15+$0xFFFFE300] =	vst v17  }
0x21d: {  	v17 =	vadd.s32 s17, v3;
	v6 =	vld.idx.msk [tilespmem:v19+s2+$0x0], $0xffff;
	[tilespmem:s15+$0xFFFFE380] =	vst v18  }
0x21e: {  	v18 =	vadd.s32 s17, v2;
	v13 =	vld.idx.msk [tilespmem:v13+s2+$0x0], $0xffff;
	[tilespmem:s15+$0xFFFFE000] =	vst v20  }
0x21f: {  	v19 =	vadd.s32 s18, v3;
	v11 =	vld.idx.msk [tilespmem:v15+s2+$0x0], $0xffff  }
0x220: {  	v24 =	vadd.s32 s18, v2;
	v14 =	vld.idx.msk [tilespmem:v14+s2+$0x0], $0xffff  }
.Ltmp4:
0x221: {  	v21 =	vadd.s32 s19, v3;
	v16 =	vld.idx.msk [tilespmem:v16+s2+$0x0], $0xffff;
	(pc) =	sbr.rel @p0 .LBB2_9-.Ltmp4, $4  }
0x222: {  	s21 =	sadd.s32 $0x5, s20;
	v20 =	vadd.s32 s19, v2;
	v15 =	vld.idx.msk [tilespmem:v17+s2+$0x0], $0xffff  }
0x223: {  	v23 =	vadd.s32 s21, v3;
	v17 =	vld.idx.msk [tilespmem:v18+s2+$0x0], $0xffff  }
0x224: {  	s22 =	sadd.s32 $0x7, s20;
	v22 =	vadd.s32 s21, v2;
	v18 =	vld.idx.msk [tilespmem:v19+s2+$0x0], $0xffff  }
0x225: {  	s20 =	sadd.s32 $0x8, s20;
	v19 =	vld.idx.msk [tilespmem:v24+s2+$0x0], $0xffff;
	v24 =	vadd.s32 s22, v3  }
0x226: {  	_ =	sdelay $0x3  }
0x227: {  	v21 =	vld.idx.msk [tilespmem:v21+s2+$0x0], $0xffff;
	v25 =	vadd.s32 s22, v2  }
0x228: {  	v20 =	vld.idx.msk [tilespmem:v20+s2+$0x0], $0xffff;
	v26 =	vadd.s32 s22, v1  }
0x229: {  	v23 =	vld.idx.msk [tilespmem:v23+s2+$0x0], $0xffff;
	v28 =	vadd.s32 s18, v1  }
0x22a: {  	s20 =	sadd.s32 $0x6, s14;
	v22 =	vld.idx.msk [tilespmem:v22+s2+$0x0], $0xffff;
	v29 =	vadd.s32 s19, v1  }
0x22b: {  	v24 =	vld.idx.msk [tilespmem:v24+s2+$0x0], $0xffff;
	v3 =	vadd.s32 s20, v3  }
0x22c: {  	v2 =	vadd.s32 s20, v2;
	v25 =	vld.idx.msk [tilespmem:v25+s2+$0x0], $0xffff  }
0x22d: {  	v27 =	vadd.s32 s22, v0;
	v10 =	vadd.f32 v12, v10;
	v26 =	vld.idx.msk [tilespmem:v26+s2+$0x0], $0xffff  }
0x22e: {  	v30 =	vadd.s32 s21, v1;
	v12 =	vadd.f32 v16, v14;
	v15 =	vadd.f32 v17, v15;
	v28 =	vld.idx.msk [tilespmem:v28+s2+$0x0], $0xffff  }
0x22f: {  	v18 =	vadd.f32 v19, v18;
	v14 =	vld.idx.msk [tilespmem:v29+s2+$0x0], $0xffff;
	v19 =	vadd.f32 v20, v21;
	v20 =	vadd.s32 s16, v4  }
0x230: {  	v31 =	vadd.s32 s21, v0;
	v3 =	vld.idx.msk [tilespmem:v3+s2+$0x0], $0xffff  }
0x231: {  	v1 =	vadd.s32 s20, v1;
	v11 =	vadd.f32 v11, v15;
	v2 =	vld.idx.msk [tilespmem:v2+s2+$0x0], $0xffff  }
0x232: {  	v27 =	vld.idx.msk [tilespmem:v27+s2+$0x0], $0xffff;
	v21 =	vadd.f32 v22, v23;
	v22 =	vadd.s32 s17, v4  }
0x233: {  	v32 =	vadd.s32 s20, v0;
	v12 =	vadd.f32 v13, v12;
	v17 =	vld.idx.msk [tilespmem:v30+s2+$0x0], $0xffff;
	v9 =	vadd.f32 v9, v11  }
0x234: {  	v0 =	vadd.s32 s14, v0;
	v16 =	vadd.f32 v25, v24;
	v11 =	vadd.f32 v14, v19;
	v14 =	vld.idx.msk [tilespmem:v20+s2+$0x0], $0xffff  }
0x235: {  	v8 =	vadd.f32 v8, v12;
	v23 =	vld.idx.msk [tilespmem:v31+s2+$0x0], $0xffff;
	v24 =	vadd.s32 s22, v4;
	v12 =	vadd.f32 v28, v18  }
0x236: {  	s15 =	sadd.s32 $0x400, s15;
	v1 =	vld.idx.msk [tilespmem:v1+s2+$0x0], $0xffff;
	v2 =	vadd.f32 v2, v3;
	v3 =	vadd.s32 s18, v4;
	v16 =	vadd.f32 v26, v16  }
0x237: {  	[tilespmem:s15+$0x80] =	vst v8;
	v7 =	vadd.f32 v7, v12;
	v12 =	vld.idx.msk [tilespmem:v22+s2+$0x0], $0xffff  }
0x238: {  	v13 =	vld.idx.msk [tilespmem:v32+s2+$0x0], $0xffff;
	[tilespmem:s15+$0x100] =	vst v9;
	v15 =	vadd.f32 v27, v16;
	v16 =	vadd.s32 s19, v4  }
0x239: {  	v0 =	vld.idx.msk [tilespmem:v0+s2+$0x0], $0xffff;
	v18 =	vadd.s32 s21, v4;
	[tilespmem:s15+$0xFFFFE080] =	vst v14  }
0x23a: {  	v8 =	vadd.f32 v17, v21;
	v24 =	vld.idx.msk [tilespmem:v24+s2+$0x0], $0xffff;
	[tilespmem:s15+$0x380] =	vst v15  }
0x23b: {  	v6 =	vadd.f32 v6, v11;
	v1 =	vadd.f32 v1, v2;
	v15 =	vadd.s32 s20, v4;
	v2 =	vld.idx.msk [tilespmem:v3+s2+$0x0], $0xffff;
	[tilespmem:s15+$0x180] =	vst v7  }
0x23c: {  	v4 =	vadd.s32 s14, v4;
	v3 =	vadd.f32 v5, v10;
	v5 =	vadd.f32 v23, v8;
	[tilespmem:s15+$0xFFFFE100] =	vst v12  }
0x23d: {  	v7 =	vld.idx.msk [tilespmem:v16+s2+$0x0], $0xffff;
	[tilespmem:s15+$0x200] =	vst v6  }
0x23e: {  	v1 =	vadd.f32 v13, v1;
	v6 =	vld.idx.msk [tilespmem:v18+s2+$0x0], $0xffff;
	[tilespmem:s15+$0x280] =	vst v5  }
0x23f: {  	v0 =	vadd.f32 v0, v3;
	[tilespmem:s15+$0xFFFFE380] =	vst v24  }
0x240: {  	v3 =	vld.idx.msk [tilespmem:v15+s2+$0x0], $0xffff;
	[tilespmem:s15+$0x300] =	vst v1  }
0x241: {  	v1 =	vld.idx.msk [tilespmem:v4+s2+$0x0], $0xffff;
	[tilespmem:s15+$0x0] =	vst v0  }
0x242: {  	[tilespmem:s15+$0xFFFFE180] =	vst v2  }
0x243: {  	[tilespmem:s15+$0xFFFFE200] =	vst v7  }
0x244: {  	[tilespmem:s15+$0xFFFFE280] =	vst v6  }
0x245: {  	[tilespmem:s15+$0xFFFFE300] =	vst v3  }
0x246: {  	[tilespmem:s15+$0xFFFFE000] =	vst v1  }
0x247: {  	v0 =	vld [tilespmem:$0x12C0]  }
0x248: {  	v2 =	vld [tilespmem:$0x11C0]  }
0x249: {  	v4 =	vld [tilespmem:$0x1240]  }
0x24a: {  	v5 =	vld [tilespmem:$0x1340];
	_ =	sdelay $0x1  }
0x24b: {  	v1 =	vmul.u32 $0x41, v0  }
0x24c: {  	s23 =	simm.s32 $0x0;
	v3 =	vmul.u32 $0x41, v2  }
0x24d: {  	v2 =	vmul.u32 $0x41, v4;
	v4 =	vadd.s32 s23, v1  }
0x24e: {  	v0 =	vmul.u32 $0x41, v5;
	v5 =	vadd.s32 s23, v3  }
0x24f: {  	s24 =	simm.s32 $0x1;
	v6 =	vadd.s32 s23, v2  }
0x250: {  	s25 =	simm.s32 $0x2;
	v7 =	vadd.s32 s24, v0  }
0x251: {  	s28 =	simm.s32 $0x4;
	v8 =	vld [tilespmem:$0x1140];
	v9 =	vadd.s32 s25, v0  }
0x252: {  	v10 =	vadd.s32 s28, v0;
	v11 =	vld.idx.msk [tilespmem:v4+s2+$0x0], $0xffff  }
0x253: {  	v12 =	vadd.s32 s24, v1;
	v5 =	vld.idx.msk [tilespmem:v5+s2+$0x0], $0xffff  }
0x254: {  	v13 =	vadd.s32 s25, v1;
	v6 =	vld.idx.msk [tilespmem:v6+s2+$0x0], $0xffff  }
0x255: {  	v14 =	vadd.s32 s24, v3;
	v7 =	vld.idx.msk [tilespmem:v7+s2+$0x0], $0xffff  }
0x256: {  	s26 =	simm.s32 $0x3;
	v15 =	vadd.s32 s24, v2;
	v9 =	vld.idx.msk [tilespmem:v9+s2+$0x0], $0xffff  }
0x257: {  	v4 =	vadd.s32 s26, v0;
	v10 =	vld.idx.msk [tilespmem:v10+s2+$0x0], $0xffff  }
0x258: {  	v17 =	vadd.s32 s25, v2;
	v12 =	vld.idx.msk [tilespmem:v12+s2+$0x0], $0xffff  }
0x259: {  	v18 =	vadd.s32 s26, v3;
	v13 =	vld.idx.msk [tilespmem:v13+s2+$0x0], $0xffff  }
0x25a: {  	v19 =	vadd.s32 s26, v2;
	v14 =	vld.idx.msk [tilespmem:v14+s2+$0x0], $0xffff  }
0x25b: {  	v20 =	vadd.s32 s28, v3;
	v15 =	vld.idx.msk [tilespmem:v15+s2+$0x0], $0xffff  }
0x25c: {  	s29 =	simm.s32 $0x5;
	v16 =	vld.idx.msk [tilespmem:v4+s2+$0x0], $0xffff;
	v4 =	vadd.s32 s25, v3  }
0x25d: {  	v22 =	vadd.s32 s29, v3;
	v17 =	vld.idx.msk [tilespmem:v17+s2+$0x0], $0xffff  }
0x25e: {  	s30 =	simm.s32 $0x7;
	v23 =	vadd.s32 s29, v2;
	v18 =	vld.idx.msk [tilespmem:v18+s2+$0x0], $0xffff  }
0x25f: {  	v24 =	vadd.s32 s30, v3;
	v19 =	vld.idx.msk [tilespmem:v19+s2+$0x0], $0xffff  }
0x260: {  	v25 =	vadd.s32 s30, v2;
	v20 =	vld.idx.msk [tilespmem:v20+s2+$0x0], $0xffff  }
0x261: {  	v21 =	vld.idx.msk [tilespmem:v4+s2+$0x0], $0xffff;
	v4 =	vadd.s32 s28, v2  }
0x262: {  	s31 =	simm.s32 $0x6;
	v27 =	vadd.s32 s30, v1;
	v22 =	vld.idx.msk [tilespmem:v22+s2+$0x0], $0xffff  }
0x263: {  	v56 =	vadd.s32 s31, v2;
	v23 =	vld.idx.msk [tilespmem:v23+s2+$0x0], $0xffff  }
0x264: {  	v57 =	vadd.s32 s30, v0;
	v24 =	vld.idx.msk [tilespmem:v24+s2+$0x0], $0xffff  }
0x265: {  	v59 =	vadd.s32 s28, v1;
	v25 =	vld.idx.msk [tilespmem:v25+s2+$0x0], $0xffff  }
0x266: {  	v26 =	vld.idx.msk [tilespmem:v4+s2+$0x0], $0xffff;
	v4 =	vadd.s32 s31, v3  }
0x267: {  	v33 =	vadd.s32 s29, v1;
	v27 =	vld.idx.msk [tilespmem:v27+s2+$0x0], $0xffff  }
0x268: {  	v34 =	vadd.s32 s31, v1;
	v28 =	vld.idx.msk [tilespmem:v56+s2+$0x0], $0xffff  }
0x269: {  	v35 =	vadd.s32 s29, v0;
	v29 =	vld.idx.msk [tilespmem:v57+s2+$0x0], $0xffff  }
0x26a: {  	v61 =	vadd.s32 s31, v0;
	v31 =	vld.idx.msk [tilespmem:v59+s2+$0x0], $0xffff  }
0x26b: {  	v36 =	vadd.s32 s23, v0;
	v60 =	vld.idx.msk [tilespmem:v4+s2+$0x0], $0xffff;
	v4 =	vmul.u32 $0x41, v8  }
0x26c: {  	v58 =	vadd.s32 s26, v1;
	v33 =	vld.idx.msk [tilespmem:v33+s2+$0x0], $0xffff  }
0x26d: {  	v34 =	vld.idx.msk [tilespmem:v34+s2+$0x0], $0xffff;
	v37 =	vadd.s32 s30, v4  }
0x26e: {  	v35 =	vld.idx.msk [tilespmem:v35+s2+$0x0], $0xffff;
	v38 =	vadd.s32 s24, v4  }
0x26f: {  	v30 =	vld.idx.msk [tilespmem:v61+s2+$0x0], $0xffff;
	v39 =	vadd.s32 s25, v4  }
0x270: {  	v36 =	vld.idx.msk [tilespmem:v36+s2+$0x0], $0xffff;
	v6 =	vadd.f32 v6, v5;
	v40 =	vadd.s32 s26, v4  }
0x271: {  	v5 =	vadd.f32 v15, v14;
	v18 =	vadd.f32 v19, v18;
	v8 =	vld.idx.msk [tilespmem:v58+s2+$0x0], $0xffff;
	v41 =	vadd.s32 s28, v4  }
0x272: {  	v15 =	vadd.f32 v17, v21;
	v17 =	vadd.f32 v25, v24;
	v14 =	vadd.s32 s29, v4;
	v37 =	vld.idx.msk [tilespmem:v37+s2+$0x0], $0xffff  }
0x273: {  	v22 =	vadd.f32 v23, v22;
	v5 =	vadd.f32 v12, v5;
	v24 =	vadd.s32 s31, v4;
	v21 =	vld.idx.msk [tilespmem:v38+s2+$0x0], $0xffff  }
0x274: {  	s14 =	simm.s32 $0x8;
	v17 =	vadd.f32 v27, v17;
	v19 =	vadd.f32 v26, v20;
	v20 =	vadd.s32 s23, v4;
	v25 =	vld.idx.msk [tilespmem:v39+s2+$0x0], $0xffff  }
0x275: {  	v23 =	vadd.s32 s14, v1;
	v6 =	vadd.f32 v11, v6;
	v13 =	vadd.f32 v13, v15;
	v26 =	vld.idx.msk [tilespmem:v40+s2+$0x0], $0xffff  }
0x276: {  	v5 =	vadd.f32 v7, v5;
	v27 =	vadd.s32 s14, v3;
	v15 =	vadd.f32 v29, v17;
	v62 =	vld.idx.msk [tilespmem:v41+s2+$0x0], $0xffff  }
0x277: {  	s16 =	simm.s32 $0x9;
	v17 =	vadd.s32 s14, v2;
	v9 =	vadd.f32 v9, v13;
	v13 =	vadd.f32 v31, v19;
	v63 =	vld.idx.msk [tilespmem:v14+s2+$0x0], $0xffff  }
0x278: {  	s15 =	simm.s32 $0x3540;
	v12 =	vadd.f32 v28, v60;
	v7 =	vadd.f32 v8, v18;
	v8 =	vadd.s32 s16, v0;
	v18 =	vld.idx.msk [tilespmem:v24+s2+$0x0], $0xffff  }
0x279: {  	s17 =	simm.s32 $0xA;
	v11 =	vadd.s32 s16, v1;
	v6 =	vadd.f32 v36, v6;
	v19 =	vld.idx.msk [tilespmem:v20+s2+$0x0], $0xffff;
	[tilespmem:s15+$0x80] =	vst v5  }
0x27a: {  	s19 =	simm.s32 $0xC;
	v14 =	vadd.s32 s17, v0;
	v5 =	vld.idx.msk [tilespmem:v23+s2+$0x0], $0xffff;
	[tilespmem:s15+$0x100] =	vst v9;
	v9 =	vadd.f32 v10, v13;
	v13 =	vadd.f32 v34, v12  }
0x27b: {  	s18 =	simm.s32 $0xB;
	[tilespmem:s15+$0x380] =	vst v15;
	v7 =	vadd.f32 v16, v7;
	v10 =	vld.idx.msk [tilespmem:v27+s2+$0x0], $0xffff;
	v20 =	vadd.s32 s19, v0  }
0x27c: {  	v15 =	vadd.f32 v33, v22;
	v16 =	vadd.s32 s18, v0;
	v12 =	vld.idx.msk [tilespmem:v17+s2+$0x0], $0xffff;
	[tilespmem:s15+$0x0] =	vst v6;
	v13 =	vadd.f32 v30, v13  }
0x27d: {  	v17 =	vadd.s32 s16, v3;
	[tilespmem:s15+$0x180] =	vst v7;
	v8 =	vld.idx.msk [tilespmem:v8+s2+$0x0], $0xffff  }
0x27e: {  	v22 =	vadd.s32 s16, v2;
	v7 =	vadd.f32 v35, v15;
	[tilespmem:s15+$0x300] =	vst v13;
	v13 =	vld.idx.msk [tilespmem:v11+s2+$0x0], $0xffff  }
0x27f: {  	[tilespmem:s15+$0x200] =	vst v9;
	v15 =	vadd.s32 s17, v1;
	v9 =	vld.idx.msk [tilespmem:v14+s2+$0x0], $0xffff  }
0x280: {  	[tilespmem:s15+$0x280] =	vst v7;
	v6 =	vld.idx.msk [tilespmem:v20+s2+$0x0], $0xffff;
	v20 =	vadd.s32 s17, v2  }
0x281: {  	v23 =	vadd.s32 s17, v3;
	v7 =	vld.idx.msk [tilespmem:v16+s2+$0x0], $0xffff;
	[tilespmem:s15+$0xFFFFE080] =	vst v21  }
0x282: {  	v24 =	vadd.s32 s18, v3;
	[tilespmem:s15+$0xFFFFE100] =	vst v25;
	v14 =	vld.idx.msk [tilespmem:v17+s2+$0x0], $0xffff  }
0x283: {  	[tilespmem:s15+$0xFFFFE180] =	vst v26;
	v25 =	vadd.s32 s18, v2;
	v16 =	vld.idx.msk [tilespmem:v22+s2+$0x0], $0xffff  }
0x284: {  	[tilespmem:s15+$0xFFFFE200] =	vst v62;
	v21 =	vadd.s32 s19, v3;
	v11 =	vld.idx.msk [tilespmem:v15+s2+$0x0], $0xffff  }
0x285: {  	s21 =	simm.s32 $0xD;
	[tilespmem:s15+$0xFFFFE280] =	vst v63;
	v17 =	vld.idx.msk [tilespmem:v20+s2+$0x0], $0xffff;
	v20 =	vadd.s32 s19, v2  }
0x286: {  	[tilespmem:s15+$0xFFFFE300] =	vst v18;
	v15 =	vld.idx.msk [tilespmem:v23+s2+$0x0], $0xffff;
	v23 =	vadd.s32 s21, v3  }
0x287: {  	s22 =	simm.s32 $0xF;
	[tilespmem:s15+$0xFFFFE380] =	vst v37;
	v18 =	vld.idx.msk [tilespmem:v24+s2+$0x0], $0xffff;
	v22 =	vadd.s32 s21, v2  }
0x288: {  	s20 =	simm.s32 $0x10;
	[tilespmem:s15+$0xFFFFE000] =	vst v19;
	v24 =	vadd.s32 s22, v3;
	v19 =	vld.idx.msk [tilespmem:v25+s2+$0x0], $0xffff  }
.LBB2_11:
0x289: {  	p0 =	slt.u32 s20, $0x38;
	v21 =	vld.idx.msk [tilespmem:v21+s2+$0x0], $0xffff;
	s23 =	sadd.s32 $0x6, s14;
	v25 =	vadd.s32 s22, v2  }
0x28a: {  	v20 =	vld.idx.msk [tilespmem:v20+s2+$0x0], $0xffff;
	v26 =	vadd.s32 s23, v3  }
0x28b: {  	v27 =	vadd.s32 s22, v1;
	v23 =	vld.idx.msk [tilespmem:v23+s2+$0x0], $0xffff  }
0x28c: {  	v28 =	vadd.s32 s23, v2;
	v22 =	vld.idx.msk [tilespmem:v22+s2+$0x0], $0xffff  }
0x28d: {  	v29 =	vadd.s32 s22, v0;
	v24 =	vld.idx.msk [tilespmem:v24+s2+$0x0], $0xffff  }
0x28e: {  	v30 =	vadd.s32 s18, v1;
	v25 =	vld.idx.msk [tilespmem:v25+s2+$0x0], $0xffff  }
0x28f: {  	v31 =	vadd.s32 s19, v1;
	v26 =	vld.idx.msk [tilespmem:v26+s2+$0x0], $0xffff  }
0x290: {  	v32 =	vadd.s32 s21, v1;
	v27 =	vld.idx.msk [tilespmem:v27+s2+$0x0], $0xffff  }
0x291: {  	v33 =	vadd.s32 s23, v1;
	v28 =	vld.idx.msk [tilespmem:v28+s2+$0x0], $0xffff  }
0x292: {  	v34 =	vadd.s32 s21, v0;
	v29 =	vld.idx.msk [tilespmem:v29+s2+$0x0], $0xffff  }
0x293: {  	v10 =	vadd.f32 v12, v10;
	v12 =	vadd.f32 v16, v14;
	v16 =	vadd.s32 s23, v0;
	v14 =	vld.idx.msk [tilespmem:v30+s2+$0x0], $0xffff  }
0x294: {  	v15 =	vadd.f32 v17, v15;
	v30 =	vadd.s32 s14, v0;
	v24 =	vadd.f32 v25, v24;
	v17 =	vld.idx.msk [tilespmem:v31+s2+$0x0], $0xffff  }
0x295: {  	v18 =	vadd.f32 v19, v18;
	v19 =	vadd.f32 v20, v21;
	v21 =	vadd.s32 s22, v4;
	v20 =	vld.idx.msk [tilespmem:v32+s2+$0x0], $0xffff  }
0x296: {  	v22 =	vadd.f32 v22, v23;
	v25 =	vadd.s32 s16, v4;
	v24 =	vadd.f32 v27, v24;
	v23 =	vld.idx.msk [tilespmem:v33+s2+$0x0], $0xffff  }
0x297: {  	v12 =	vadd.f32 v13, v12;
	v13 =	vadd.s32 s17, v4;
	v26 =	vadd.f32 v28, v26;
	v27 =	vld.idx.msk [tilespmem:v34+s2+$0x0], $0xffff  }
0x298: {  	v11 =	vadd.f32 v11, v15;
	v15 =	vadd.s32 s18, v4;
	v24 =	vadd.f32 v29, v24;
	v16 =	vld.idx.msk [tilespmem:v16+s2+$0x0], $0xffff  }
0x299: {  	s15 =	sadd.s32 $0x400, s15;
	v8 =	vadd.f32 v8, v12;
	v12 =	vadd.f32 v14, v18;
	v14 =	vadd.s32 s19, v4;
	v28 =	vld.idx.msk [tilespmem:v30+s2+$0x0], $0xffff  }
0x29a: {  	v9 =	vadd.f32 v9, v11;
	v11 =	vadd.f32 v17, v19;
	v17 =	vadd.s32 s21, v4;
	v18 =	vld.idx.msk [tilespmem:v21+s2+$0x0], $0xffff;
	[tilespmem:s15+$0x380] =	vst v24  }
0x29b: {  	v7 =	vadd.f32 v7, v12;
	v12 =	vadd.s32 s23, v4;
	v19 =	vld.idx.msk [tilespmem:v25+s2+$0x0], $0xffff;
	[tilespmem:s15+$0x80] =	vst v8;
	v8 =	vadd.f32 v20, v22  }
0x29c: {  	v20 =	vadd.s32 s14, v4;
	v6 =	vadd.f32 v6, v11;
	s14 =	smov.u32 s20;
	v13 =	vld.idx.msk [tilespmem:v13+s2+$0x0], $0xffff;
	[tilespmem:s15+$0x100] =	vst v9;
	v9 =	vadd.f32 v23, v26  }
0x29d: {  	v5 =	vadd.f32 v5, v10;
	v11 =	vadd.s32 s20, v1;
	v15 =	vld.idx.msk [tilespmem:v15+s2+$0x0], $0xffff;
	[tilespmem:s15+$0x180] =	vst v7;
	v7 =	vadd.f32 v27, v8  }
0x29e: {  	v8 =	vadd.s32 s20, v3;
	v14 =	vld.idx.msk [tilespmem:v14+s2+$0x0], $0xffff;
	[tilespmem:s15+$0x200] =	vst v6;
	v6 =	vadd.f32 v16, v9  }
0x29f: {  	s16 =	sadd.s32 $0x1, s20;
	v9 =	vadd.s32 s20, v2;
	v5 =	vadd.f32 v28, v5;
	v16 =	vld.idx.msk [tilespmem:v17+s2+$0x0], $0xffff;
	[tilespmem:s15+$0x280] =	vst v7  }
0x2a0: {  	s17 =	sadd.s32 $0x2, s20;
	v7 =	vadd.s32 s16, v0;
	v17 =	vld.idx.msk [tilespmem:v12+s2+$0x0], $0xffff;
	[tilespmem:s15+$0x300] =	vst v6  }
0x2a1: {  	s18 =	sadd.s32 $0x3, s20;
	v6 =	vadd.s32 s17, v0;
	v20 =	vld.idx.msk [tilespmem:v20+s2+$0x0], $0xffff;
	[tilespmem:s15+$0x0] =	vst v5  }
0x2a2: {  	s19 =	sadd.s32 $0x4, s20;
	v5 =	vld.idx.msk [tilespmem:v11+s2+$0x0], $0xffff;
	v11 =	vadd.s32 s18, v0;
	[tilespmem:s15+$0xFFFFE080] =	vst v19  }
0x2a3: {  	v19 =	vadd.s32 s19, v0;
	v10 =	vld.idx.msk [tilespmem:v8+s2+$0x0], $0xffff;
	[tilespmem:s15+$0xFFFFE100] =	vst v13  }
0x2a4: {  	v13 =	vadd.s32 s16, v1;
	v12 =	vld.idx.msk [tilespmem:v9+s2+$0x0], $0xffff;
	[tilespmem:s15+$0xFFFFE180] =	vst v15  }
0x2a5: {  	v15 =	vadd.s32 s17, v1;
	v8 =	vld.idx.msk [tilespmem:v7+s2+$0x0], $0xffff;
	[tilespmem:s15+$0xFFFFE200] =	vst v14  }
0x2a6: {  	v14 =	vadd.s32 s16, v3;
	v9 =	vld.idx.msk [tilespmem:v6+s2+$0x0], $0xffff;
	[tilespmem:s15+$0xFFFFE280] =	vst v16  }
0x2a7: {  	v16 =	vadd.s32 s16, v2;
	v7 =	vld.idx.msk [tilespmem:v11+s2+$0x0], $0xffff;
	[tilespmem:s15+$0xFFFFE300] =	vst v17  }
0x2a8: {  	v17 =	vadd.s32 s17, v3;
	v6 =	vld.idx.msk [tilespmem:v19+s2+$0x0], $0xffff;
	[tilespmem:s15+$0xFFFFE380] =	vst v18  }
0x2a9: {  	v18 =	vadd.s32 s17, v2;
	v13 =	vld.idx.msk [tilespmem:v13+s2+$0x0], $0xffff;
	[tilespmem:s15+$0xFFFFE000] =	vst v20  }
0x2aa: {  	v19 =	vadd.s32 s18, v3;
	v11 =	vld.idx.msk [tilespmem:v15+s2+$0x0], $0xffff  }
0x2ab: {  	v24 =	vadd.s32 s18, v2;
	v14 =	vld.idx.msk [tilespmem:v14+s2+$0x0], $0xffff  }
.Ltmp5:
0x2ac: {  	v21 =	vadd.s32 s19, v3;
	v16 =	vld.idx.msk [tilespmem:v16+s2+$0x0], $0xffff;
	(pc) =	sbr.rel @p0 .LBB2_11-.Ltmp5, $4  }
0x2ad: {  	s21 =	sadd.s32 $0x5, s20;
	v20 =	vadd.s32 s19, v2;
	v15 =	vld.idx.msk [tilespmem:v17+s2+$0x0], $0xffff  }
0x2ae: {  	v23 =	vadd.s32 s21, v3;
	v17 =	vld.idx.msk [tilespmem:v18+s2+$0x0], $0xffff  }
0x2af: {  	s22 =	sadd.s32 $0x7, s20;
	v22 =	vadd.s32 s21, v2;
	v18 =	vld.idx.msk [tilespmem:v19+s2+$0x0], $0xffff  }
0x2b0: {  	s20 =	sadd.s32 $0x8, s20;
	v19 =	vld.idx.msk [tilespmem:v24+s2+$0x0], $0xffff;
	v24 =	vadd.s32 s22, v3  }
0x2b1: {  	_ =	sdelay $0x3  }
0x2b2: {  	v21 =	vld.idx.msk [tilespmem:v21+s2+$0x0], $0xffff;
	v25 =	vadd.s32 s22, v2  }
0x2b3: {  	v20 =	vld.idx.msk [tilespmem:v20+s2+$0x0], $0xffff;
	v26 =	vadd.s32 s22, v1  }
0x2b4: {  	v23 =	vld.idx.msk [tilespmem:v23+s2+$0x0], $0xffff;
	v28 =	vadd.s32 s18, v1  }
0x2b5: {  	s20 =	sadd.s32 $0x6, s14;
	v22 =	vld.idx.msk [tilespmem:v22+s2+$0x0], $0xffff;
	v29 =	vadd.s32 s19, v1  }
0x2b6: {  	v24 =	vld.idx.msk [tilespmem:v24+s2+$0x0], $0xffff;
	v3 =	vadd.s32 s20, v3  }
0x2b7: {  	v2 =	vadd.s32 s20, v2;
	v25 =	vld.idx.msk [tilespmem:v25+s2+$0x0], $0xffff  }
0x2b8: {  	v27 =	vadd.s32 s22, v0;
	v10 =	vadd.f32 v12, v10;
	v26 =	vld.idx.msk [tilespmem:v26+s2+$0x0], $0xffff  }
0x2b9: {  	v30 =	vadd.s32 s21, v1;
	v12 =	vadd.f32 v16, v14;
	v15 =	vadd.f32 v17, v15;
	v28 =	vld.idx.msk [tilespmem:v28+s2+$0x0], $0xffff  }
0x2ba: {  	v18 =	vadd.f32 v19, v18;
	v14 =	vld.idx.msk [tilespmem:v29+s2+$0x0], $0xffff;
	v19 =	vadd.f32 v20, v21;
	v20 =	vadd.s32 s16, v4  }
0x2bb: {  	v31 =	vadd.s32 s21, v0;
	v3 =	vld.idx.msk [tilespmem:v3+s2+$0x0], $0xffff  }
0x2bc: {  	v1 =	vadd.s32 s20, v1;
	v11 =	vadd.f32 v11, v15;
	v2 =	vld.idx.msk [tilespmem:v2+s2+$0x0], $0xffff  }
0x2bd: {  	v27 =	vld.idx.msk [tilespmem:v27+s2+$0x0], $0xffff;
	v21 =	vadd.f32 v22, v23;
	v22 =	vadd.s32 s17, v4  }
0x2be: {  	v32 =	vadd.s32 s20, v0;
	v12 =	vadd.f32 v13, v12;
	v17 =	vld.idx.msk [tilespmem:v30+s2+$0x0], $0xffff;
	v9 =	vadd.f32 v9, v11  }
0x2bf: {  	v0 =	vadd.s32 s14, v0;
	v16 =	vadd.f32 v25, v24;
	v11 =	vadd.f32 v14, v19;
	v14 =	vld.idx.msk [tilespmem:v20+s2+$0x0], $0xffff  }
0x2c0: {  	v8 =	vadd.f32 v8, v12;
	v23 =	vld.idx.msk [tilespmem:v31+s2+$0x0], $0xffff;
	v24 =	vadd.s32 s22, v4;
	v12 =	vadd.f32 v28, v18  }
0x2c1: {  	s15 =	sadd.s32 $0x400, s15;
	v1 =	vld.idx.msk [tilespmem:v1+s2+$0x0], $0xffff;
	v2 =	vadd.f32 v2, v3;
	v3 =	vadd.s32 s18, v4;
	v16 =	vadd.f32 v26, v16  }
0x2c2: {  	[tilespmem:s15+$0x80] =	vst v8;
	v7 =	vadd.f32 v7, v12;
	v12 =	vld.idx.msk [tilespmem:v22+s2+$0x0], $0xffff  }
0x2c3: {  	v13 =	vld.idx.msk [tilespmem:v32+s2+$0x0], $0xffff;
	[tilespmem:s15+$0x100] =	vst v9;
	v15 =	vadd.f32 v27, v16;
	v16 =	vadd.s32 s19, v4  }
0x2c4: {  	v0 =	vld.idx.msk [tilespmem:v0+s2+$0x0], $0xffff;
	v18 =	vadd.s32 s21, v4;
	[tilespmem:s15+$0xFFFFE080] =	vst v14  }
0x2c5: {  	v8 =	vadd.f32 v17, v21;
	v24 =	vld.idx.msk [tilespmem:v24+s2+$0x0], $0xffff;
	[tilespmem:s15+$0x380] =	vst v15  }
0x2c6: {  	v6 =	vadd.f32 v6, v11;
	v1 =	vadd.f32 v1, v2;
	v15 =	vadd.s32 s20, v4;
	v2 =	vld.idx.msk [tilespmem:v3+s2+$0x0], $0xffff;
	[tilespmem:s15+$0x180] =	vst v7  }
0x2c7: {  	v4 =	vadd.s32 s14, v4;
	v3 =	vadd.f32 v5, v10;
	v5 =	vadd.f32 v23, v8;
	[tilespmem:s15+$0xFFFFE100] =	vst v12  }
0x2c8: {  	v7 =	vld.idx.msk [tilespmem:v16+s2+$0x0], $0xffff;
	[tilespmem:s15+$0x200] =	vst v6  }
0x2c9: {  	v1 =	vadd.f32 v13, v1;
	v6 =	vld.idx.msk [tilespmem:v18+s2+$0x0], $0xffff;
	[tilespmem:s15+$0x280] =	vst v5  }
0x2ca: {  	v0 =	vadd.f32 v0, v3;
	[tilespmem:s15+$0xFFFFE380] =	vst v24  }
0x2cb: {  	v3 =	vld.idx.msk [tilespmem:v15+s2+$0x0], $0xffff;
	[tilespmem:s15+$0x300] =	vst v1  }
0x2cc: {  	v1 =	vld.idx.msk [tilespmem:v4+s2+$0x0], $0xffff;
	[tilespmem:s15+$0x0] =	vst v0  }
0x2cd: {  	[tilespmem:s15+$0xFFFFE180] =	vst v2  }
0x2ce: {  	[tilespmem:s15+$0xFFFFE200] =	vst v7  }
0x2cf: {  	[tilespmem:s15+$0xFFFFE280] =	vst v6  }
0x2d0: {  	[tilespmem:s15+$0xFFFFE300] =	vst v3  }
0x2d1: {  	[tilespmem:s15+$0xFFFFE000] =	vst v1  }
0x2d2: {  	v0 =	vld [tilespmem:$0x12D0]  }
0x2d3: {  	v2 =	vld [tilespmem:$0x11D0]  }
0x2d4: {  	v4 =	vld [tilespmem:$0x1250]  }
0x2d5: {  	v5 =	vld [tilespmem:$0x1350];
	_ =	sdelay $0x1  }
0x2d6: {  	v1 =	vmul.u32 $0x41, v0  }
0x2d7: {  	s23 =	simm.s32 $0x0;
	v3 =	vmul.u32 $0x41, v2  }
0x2d8: {  	v2 =	vmul.u32 $0x41, v4;
	v4 =	vadd.s32 s23, v1  }
0x2d9: {  	v0 =	vmul.u32 $0x41, v5;
	v5 =	vadd.s32 s23, v3  }
0x2da: {  	s24 =	simm.s32 $0x1;
	v6 =	vadd.s32 s23, v2  }
0x2db: {  	s25 =	simm.s32 $0x2;
	v7 =	vadd.s32 s24, v0  }
0x2dc: {  	s28 =	simm.s32 $0x4;
	v8 =	vld [tilespmem:$0x1150];
	v9 =	vadd.s32 s25, v0  }
0x2dd: {  	v10 =	vadd.s32 s28, v0;
	v11 =	vld.idx.msk [tilespmem:v4+s2+$0x0], $0xffff  }
0x2de: {  	v12 =	vadd.s32 s24, v1;
	v5 =	vld.idx.msk [tilespmem:v5+s2+$0x0], $0xffff  }
0x2df: {  	v13 =	vadd.s32 s25, v1;
	v6 =	vld.idx.msk [tilespmem:v6+s2+$0x0], $0xffff  }
0x2e0: {  	v14 =	vadd.s32 s24, v3;
	v7 =	vld.idx.msk [tilespmem:v7+s2+$0x0], $0xffff  }
0x2e1: {  	s26 =	simm.s32 $0x3;
	v15 =	vadd.s32 s24, v2;
	v9 =	vld.idx.msk [tilespmem:v9+s2+$0x0], $0xffff  }
0x2e2: {  	v4 =	vadd.s32 s26, v0;
	v10 =	vld.idx.msk [tilespmem:v10+s2+$0x0], $0xffff  }
0x2e3: {  	v17 =	vadd.s32 s25, v2;
	v12 =	vld.idx.msk [tilespmem:v12+s2+$0x0], $0xffff  }
0x2e4: {  	v18 =	vadd.s32 s26, v3;
	v13 =	vld.idx.msk [tilespmem:v13+s2+$0x0], $0xffff  }
0x2e5: {  	v19 =	vadd.s32 s26, v2;
	v14 =	vld.idx.msk [tilespmem:v14+s2+$0x0], $0xffff  }
0x2e6: {  	v20 =	vadd.s32 s28, v3;
	v15 =	vld.idx.msk [tilespmem:v15+s2+$0x0], $0xffff  }
0x2e7: {  	s29 =	simm.s32 $0x5;
	v16 =	vld.idx.msk [tilespmem:v4+s2+$0x0], $0xffff;
	v4 =	vadd.s32 s25, v3  }
0x2e8: {  	v22 =	vadd.s32 s29, v3;
	v17 =	vld.idx.msk [tilespmem:v17+s2+$0x0], $0xffff  }
0x2e9: {  	s30 =	simm.s32 $0x7;
	v23 =	vadd.s32 s29, v2;
	v18 =	vld.idx.msk [tilespmem:v18+s2+$0x0], $0xffff  }
0x2ea: {  	v24 =	vadd.s32 s30, v3;
	v19 =	vld.idx.msk [tilespmem:v19+s2+$0x0], $0xffff  }
0x2eb: {  	v25 =	vadd.s32 s30, v2;
	v20 =	vld.idx.msk [tilespmem:v20+s2+$0x0], $0xffff  }
0x2ec: {  	v21 =	vld.idx.msk [tilespmem:v4+s2+$0x0], $0xffff;
	v4 =	vadd.s32 s28, v2  }
0x2ed: {  	s31 =	simm.s32 $0x6;
	v27 =	vadd.s32 s30, v1;
	v22 =	vld.idx.msk [tilespmem:v22+s2+$0x0], $0xffff  }
0x2ee: {  	v56 =	vadd.s32 s31, v2;
	v23 =	vld.idx.msk [tilespmem:v23+s2+$0x0], $0xffff  }
0x2ef: {  	v57 =	vadd.s32 s30, v0;
	v24 =	vld.idx.msk [tilespmem:v24+s2+$0x0], $0xffff  }
0x2f0: {  	v59 =	vadd.s32 s28, v1;
	v25 =	vld.idx.msk [tilespmem:v25+s2+$0x0], $0xffff  }
0x2f1: {  	v26 =	vld.idx.msk [tilespmem:v4+s2+$0x0], $0xffff;
	v4 =	vadd.s32 s31, v3  }
0x2f2: {  	v33 =	vadd.s32 s29, v1;
	v27 =	vld.idx.msk [tilespmem:v27+s2+$0x0], $0xffff  }
0x2f3: {  	v34 =	vadd.s32 s31, v1;
	v28 =	vld.idx.msk [tilespmem:v56+s2+$0x0], $0xffff  }
0x2f4: {  	v35 =	vadd.s32 s29, v0;
	v29 =	vld.idx.msk [tilespmem:v57+s2+$0x0], $0xffff  }
0x2f5: {  	v61 =	vadd.s32 s31, v0;
	v31 =	vld.idx.msk [tilespmem:v59+s2+$0x0], $0xffff  }
0x2f6: {  	v36 =	vadd.s32 s23, v0;
	v60 =	vld.idx.msk [tilespmem:v4+s2+$0x0], $0xffff;
	v4 =	vmul.u32 $0x41, v8  }
0x2f7: {  	v58 =	vadd.s32 s26, v1;
	v33 =	vld.idx.msk [tilespmem:v33+s2+$0x0], $0xffff  }
0x2f8: {  	v34 =	vld.idx.msk [tilespmem:v34+s2+$0x0], $0xffff;
	v37 =	vadd.s32 s30, v4  }
0x2f9: {  	v35 =	vld.idx.msk [tilespmem:v35+s2+$0x0], $0xffff;
	v38 =	vadd.s32 s24, v4  }
0x2fa: {  	v30 =	vld.idx.msk [tilespmem:v61+s2+$0x0], $0xffff;
	v39 =	vadd.s32 s25, v4  }
0x2fb: {  	v36 =	vld.idx.msk [tilespmem:v36+s2+$0x0], $0xffff;
	v6 =	vadd.f32 v6, v5;
	v40 =	vadd.s32 s26, v4  }
0x2fc: {  	v5 =	vadd.f32 v15, v14;
	v18 =	vadd.f32 v19, v18;
	v8 =	vld.idx.msk [tilespmem:v58+s2+$0x0], $0xffff;
	v41 =	vadd.s32 s28, v4  }
0x2fd: {  	v15 =	vadd.f32 v17, v21;
	v17 =	vadd.f32 v25, v24;
	v14 =	vadd.s32 s29, v4;
	v37 =	vld.idx.msk [tilespmem:v37+s2+$0x0], $0xffff  }
0x2fe: {  	v22 =	vadd.f32 v23, v22;
	v5 =	vadd.f32 v12, v5;
	v24 =	vadd.s32 s31, v4;
	v21 =	vld.idx.msk [tilespmem:v38+s2+$0x0], $0xffff  }
0x2ff: {  	s14 =	simm.s32 $0x8;
	v17 =	vadd.f32 v27, v17;
	v19 =	vadd.f32 v26, v20;
	v20 =	vadd.s32 s23, v4;
	v25 =	vld.idx.msk [tilespmem:v39+s2+$0x0], $0xffff  }
0x300: {  	v23 =	vadd.s32 s14, v1;
	v6 =	vadd.f32 v11, v6;
	v13 =	vadd.f32 v13, v15;
	v26 =	vld.idx.msk [tilespmem:v40+s2+$0x0], $0xffff  }
0x301: {  	v5 =	vadd.f32 v7, v5;
	v27 =	vadd.s32 s14, v3;
	v15 =	vadd.f32 v29, v17;
	v62 =	vld.idx.msk [tilespmem:v41+s2+$0x0], $0xffff  }
0x302: {  	s16 =	simm.s32 $0x9;
	v17 =	vadd.s32 s14, v2;
	v9 =	vadd.f32 v9, v13;
	v13 =	vadd.f32 v31, v19;
	v63 =	vld.idx.msk [tilespmem:v14+s2+$0x0], $0xffff  }
0x303: {  	s15 =	simm.s32 $0x3550;
	v12 =	vadd.f32 v28, v60;
	v7 =	vadd.f32 v8, v18;
	v8 =	vadd.s32 s16, v0;
	v18 =	vld.idx.msk [tilespmem:v24+s2+$0x0], $0xffff  }
0x304: {  	s17 =	simm.s32 $0xA;
	v11 =	vadd.s32 s16, v1;
	v6 =	vadd.f32 v36, v6;
	v19 =	vld.idx.msk [tilespmem:v20+s2+$0x0], $0xffff;
	[tilespmem:s15+$0x80] =	vst v5  }
0x305: {  	s19 =	simm.s32 $0xC;
	v14 =	vadd.s32 s17, v0;
	v5 =	vld.idx.msk [tilespmem:v23+s2+$0x0], $0xffff;
	[tilespmem:s15+$0x100] =	vst v9;
	v9 =	vadd.f32 v10, v13;
	v13 =	vadd.f32 v34, v12  }
0x306: {  	s18 =	simm.s32 $0xB;
	[tilespmem:s15+$0x380] =	vst v15;
	v7 =	vadd.f32 v16, v7;
	v10 =	vld.idx.msk [tilespmem:v27+s2+$0x0], $0xffff;
	v20 =	vadd.s32 s19, v0  }
0x307: {  	v15 =	vadd.f32 v33, v22;
	v16 =	vadd.s32 s18, v0;
	v12 =	vld.idx.msk [tilespmem:v17+s2+$0x0], $0xffff;
	[tilespmem:s15+$0x0] =	vst v6;
	v13 =	vadd.f32 v30, v13  }
0x308: {  	v17 =	vadd.s32 s16, v3;
	[tilespmem:s15+$0x180] =	vst v7;
	v8 =	vld.idx.msk [tilespmem:v8+s2+$0x0], $0xffff  }
0x309: {  	v22 =	vadd.s32 s16, v2;
	v7 =	vadd.f32 v35, v15;
	[tilespmem:s15+$0x300] =	vst v13;
	v13 =	vld.idx.msk [tilespmem:v11+s2+$0x0], $0xffff  }
0x30a: {  	[tilespmem:s15+$0x200] =	vst v9;
	v15 =	vadd.s32 s17, v1;
	v9 =	vld.idx.msk [tilespmem:v14+s2+$0x0], $0xffff  }
0x30b: {  	[tilespmem:s15+$0x280] =	vst v7;
	v6 =	vld.idx.msk [tilespmem:v20+s2+$0x0], $0xffff;
	v20 =	vadd.s32 s17, v2  }
0x30c: {  	v23 =	vadd.s32 s17, v3;
	v7 =	vld.idx.msk [tilespmem:v16+s2+$0x0], $0xffff;
	[tilespmem:s15+$0xFFFFE080] =	vst v21  }
0x30d: {  	v24 =	vadd.s32 s18, v3;
	[tilespmem:s15+$0xFFFFE100] =	vst v25;
	v14 =	vld.idx.msk [tilespmem:v17+s2+$0x0], $0xffff  }
0x30e: {  	[tilespmem:s15+$0xFFFFE180] =	vst v26;
	v25 =	vadd.s32 s18, v2;
	v16 =	vld.idx.msk [tilespmem:v22+s2+$0x0], $0xffff  }
0x30f: {  	[tilespmem:s15+$0xFFFFE200] =	vst v62;
	v21 =	vadd.s32 s19, v3;
	v11 =	vld.idx.msk [tilespmem:v15+s2+$0x0], $0xffff  }
0x310: {  	s21 =	simm.s32 $0xD;
	[tilespmem:s15+$0xFFFFE280] =	vst v63;
	v17 =	vld.idx.msk [tilespmem:v20+s2+$0x0], $0xffff;
	v20 =	vadd.s32 s19, v2  }
0x311: {  	[tilespmem:s15+$0xFFFFE300] =	vst v18;
	v15 =	vld.idx.msk [tilespmem:v23+s2+$0x0], $0xffff;
	v23 =	vadd.s32 s21, v3  }
0x312: {  	s22 =	simm.s32 $0xF;
	[tilespmem:s15+$0xFFFFE380] =	vst v37;
	v18 =	vld.idx.msk [tilespmem:v24+s2+$0x0], $0xffff;
	v22 =	vadd.s32 s21, v2  }
0x313: {  	s20 =	simm.s32 $0x10;
	[tilespmem:s15+$0xFFFFE000] =	vst v19;
	v24 =	vadd.s32 s22, v3;
	v19 =	vld.idx.msk [tilespmem:v25+s2+$0x0], $0xffff  }
.LBB2_13:
0x314: {  	p0 =	slt.u32 s20, $0x38;
	v21 =	vld.idx.msk [tilespmem:v21+s2+$0x0], $0xffff;
	s23 =	sadd.s32 $0x6, s14;
	v25 =	vadd.s32 s22, v2  }
0x315: {  	v20 =	vld.idx.msk [tilespmem:v20+s2+$0x0], $0xffff;
	v26 =	vadd.s32 s23, v3  }
0x316: {  	v27 =	vadd.s32 s22, v1;
	v23 =	vld.idx.msk [tilespmem:v23+s2+$0x0], $0xffff  }
0x317: {  	v28 =	vadd.s32 s23, v2;
	v22 =	vld.idx.msk [tilespmem:v22+s2+$0x0], $0xffff  }
0x318: {  	v29 =	vadd.s32 s22, v0;
	v24 =	vld.idx.msk [tilespmem:v24+s2+$0x0], $0xffff  }
0x319: {  	v30 =	vadd.s32 s18, v1;
	v25 =	vld.idx.msk [tilespmem:v25+s2+$0x0], $0xffff  }
0x31a: {  	v31 =	vadd.s32 s19, v1;
	v26 =	vld.idx.msk [tilespmem:v26+s2+$0x0], $0xffff  }
0x31b: {  	v32 =	vadd.s32 s21, v1;
	v27 =	vld.idx.msk [tilespmem:v27+s2+$0x0], $0xffff  }
0x31c: {  	v33 =	vadd.s32 s23, v1;
	v28 =	vld.idx.msk [tilespmem:v28+s2+$0x0], $0xffff  }
0x31d: {  	v34 =	vadd.s32 s21, v0;
	v29 =	vld.idx.msk [tilespmem:v29+s2+$0x0], $0xffff  }
0x31e: {  	v10 =	vadd.f32 v12, v10;
	v12 =	vadd.f32 v16, v14;
	v16 =	vadd.s32 s23, v0;
	v14 =	vld.idx.msk [tilespmem:v30+s2+$0x0], $0xffff  }
0x31f: {  	v15 =	vadd.f32 v17, v15;
	v30 =	vadd.s32 s14, v0;
	v24 =	vadd.f32 v25, v24;
	v17 =	vld.idx.msk [tilespmem:v31+s2+$0x0], $0xffff  }
0x320: {  	v18 =	vadd.f32 v19, v18;
	v19 =	vadd.f32 v20, v21;
	v21 =	vadd.s32 s22, v4;
	v20 =	vld.idx.msk [tilespmem:v32+s2+$0x0], $0xffff  }
0x321: {  	v22 =	vadd.f32 v22, v23;
	v25 =	vadd.s32 s16, v4;
	v24 =	vadd.f32 v27, v24;
	v23 =	vld.idx.msk [tilespmem:v33+s2+$0x0], $0xffff  }
0x322: {  	v12 =	vadd.f32 v13, v12;
	v13 =	vadd.s32 s17, v4;
	v26 =	vadd.f32 v28, v26;
	v27 =	vld.idx.msk [tilespmem:v34+s2+$0x0], $0xffff  }
0x323: {  	v11 =	vadd.f32 v11, v15;
	v15 =	vadd.s32 s18, v4;
	v24 =	vadd.f32 v29, v24;
	v16 =	vld.idx.msk [tilespmem:v16+s2+$0x0], $0xffff  }
0x324: {  	s15 =	sadd.s32 $0x400, s15;
	v8 =	vadd.f32 v8, v12;
	v12 =	vadd.f32 v14, v18;
	v14 =	vadd.s32 s19, v4;
	v28 =	vld.idx.msk [tilespmem:v30+s2+$0x0], $0xffff  }
0x325: {  	v9 =	vadd.f32 v9, v11;
	v11 =	vadd.f32 v17, v19;
	v17 =	vadd.s32 s21, v4;
	v18 =	vld.idx.msk [tilespmem:v21+s2+$0x0], $0xffff;
	[tilespmem:s15+$0x380] =	vst v24  }
0x326: {  	v7 =	vadd.f32 v7, v12;
	v12 =	vadd.s32 s23, v4;
	v19 =	vld.idx.msk [tilespmem:v25+s2+$0x0], $0xffff;
	[tilespmem:s15+$0x80] =	vst v8;
	v8 =	vadd.f32 v20, v22  }
0x327: {  	v20 =	vadd.s32 s14, v4;
	v6 =	vadd.f32 v6, v11;
	s14 =	smov.u32 s20;
	v13 =	vld.idx.msk [tilespmem:v13+s2+$0x0], $0xffff;
	[tilespmem:s15+$0x100] =	vst v9;
	v9 =	vadd.f32 v23, v26  }
0x328: {  	v5 =	vadd.f32 v5, v10;
	v11 =	vadd.s32 s20, v1;
	v15 =	vld.idx.msk [tilespmem:v15+s2+$0x0], $0xffff;
	[tilespmem:s15+$0x180] =	vst v7;
	v7 =	vadd.f32 v27, v8  }
0x329: {  	v8 =	vadd.s32 s20, v3;
	v14 =	vld.idx.msk [tilespmem:v14+s2+$0x0], $0xffff;
	[tilespmem:s15+$0x200] =	vst v6;
	v6 =	vadd.f32 v16, v9  }
0x32a: {  	s16 =	sadd.s32 $0x1, s20;
	v9 =	vadd.s32 s20, v2;
	v5 =	vadd.f32 v28, v5;
	v16 =	vld.idx.msk [tilespmem:v17+s2+$0x0], $0xffff;
	[tilespmem:s15+$0x280] =	vst v7  }
0x32b: {  	s17 =	sadd.s32 $0x2, s20;
	v7 =	vadd.s32 s16, v0;
	v17 =	vld.idx.msk [tilespmem:v12+s2+$0x0], $0xffff;
	[tilespmem:s15+$0x300] =	vst v6  }
0x32c: {  	s18 =	sadd.s32 $0x3, s20;
	v6 =	vadd.s32 s17, v0;
	v20 =	vld.idx.msk [tilespmem:v20+s2+$0x0], $0xffff;
	[tilespmem:s15+$0x0] =	vst v5  }
0x32d: {  	s19 =	sadd.s32 $0x4, s20;
	v5 =	vld.idx.msk [tilespmem:v11+s2+$0x0], $0xffff;
	v11 =	vadd.s32 s18, v0;
	[tilespmem:s15+$0xFFFFE080] =	vst v19  }
0x32e: {  	v19 =	vadd.s32 s19, v0;
	v10 =	vld.idx.msk [tilespmem:v8+s2+$0x0], $0xffff;
	[tilespmem:s15+$0xFFFFE100] =	vst v13  }
0x32f: {  	v13 =	vadd.s32 s16, v1;
	v12 =	vld.idx.msk [tilespmem:v9+s2+$0x0], $0xffff;
	[tilespmem:s15+$0xFFFFE180] =	vst v15  }
0x330: {  	v15 =	vadd.s32 s17, v1;
	v8 =	vld.idx.msk [tilespmem:v7+s2+$0x0], $0xffff;
	[tilespmem:s15+$0xFFFFE200] =	vst v14  }
0x331: {  	v14 =	vadd.s32 s16, v3;
	v9 =	vld.idx.msk [tilespmem:v6+s2+$0x0], $0xffff;
	[tilespmem:s15+$0xFFFFE280] =	vst v16  }
0x332: {  	v16 =	vadd.s32 s16, v2;
	v7 =	vld.idx.msk [tilespmem:v11+s2+$0x0], $0xffff;
	[tilespmem:s15+$0xFFFFE300] =	vst v17  }
0x333: {  	v17 =	vadd.s32 s17, v3;
	v6 =	vld.idx.msk [tilespmem:v19+s2+$0x0], $0xffff;
	[tilespmem:s15+$0xFFFFE380] =	vst v18  }
0x334: {  	v18 =	vadd.s32 s17, v2;
	v13 =	vld.idx.msk [tilespmem:v13+s2+$0x0], $0xffff;
	[tilespmem:s15+$0xFFFFE000] =	vst v20  }
0x335: {  	v19 =	vadd.s32 s18, v3;
	v11 =	vld.idx.msk [tilespmem:v15+s2+$0x0], $0xffff  }
0x336: {  	v24 =	vadd.s32 s18, v2;
	v14 =	vld.idx.msk [tilespmem:v14+s2+$0x0], $0xffff  }
.Ltmp6:
0x337: {  	v21 =	vadd.s32 s19, v3;
	v16 =	vld.idx.msk [tilespmem:v16+s2+$0x0], $0xffff;
	(pc) =	sbr.rel @p0 .LBB2_13-.Ltmp6, $4  }
0x338: {  	s21 =	sadd.s32 $0x5, s20;
	v20 =	vadd.s32 s19, v2;
	v15 =	vld.idx.msk [tilespmem:v17+s2+$0x0], $0xffff  }
0x339: {  	v23 =	vadd.s32 s21, v3;
	v17 =	vld.idx.msk [tilespmem:v18+s2+$0x0], $0xffff  }
0x33a: {  	s22 =	sadd.s32 $0x7, s20;
	v22 =	vadd.s32 s21, v2;
	v18 =	vld.idx.msk [tilespmem:v19+s2+$0x0], $0xffff  }
0x33b: {  	s20 =	sadd.s32 $0x8, s20;
	v19 =	vld.idx.msk [tilespmem:v24+s2+$0x0], $0xffff;
	v24 =	vadd.s32 s22, v3  }
0x33c: {  	_ =	sdelay $0x3  }
0x33d: {  	v21 =	vld.idx.msk [tilespmem:v21+s2+$0x0], $0xffff;
	v25 =	vadd.s32 s22, v2  }
0x33e: {  	v20 =	vld.idx.msk [tilespmem:v20+s2+$0x0], $0xffff;
	v26 =	vadd.s32 s22, v1  }
0x33f: {  	v23 =	vld.idx.msk [tilespmem:v23+s2+$0x0], $0xffff;
	v28 =	vadd.s32 s18, v1  }
0x340: {  	s20 =	sadd.s32 $0x6, s14;
	v22 =	vld.idx.msk [tilespmem:v22+s2+$0x0], $0xffff;
	v29 =	vadd.s32 s19, v1  }
0x341: {  	v24 =	vld.idx.msk [tilespmem:v24+s2+$0x0], $0xffff;
	v3 =	vadd.s32 s20, v3  }
0x342: {  	v2 =	vadd.s32 s20, v2;
	v25 =	vld.idx.msk [tilespmem:v25+s2+$0x0], $0xffff  }
0x343: {  	v27 =	vadd.s32 s22, v0;
	v10 =	vadd.f32 v12, v10;
	v26 =	vld.idx.msk [tilespmem:v26+s2+$0x0], $0xffff  }
0x344: {  	v30 =	vadd.s32 s21, v1;
	v12 =	vadd.f32 v16, v14;
	v15 =	vadd.f32 v17, v15;
	v28 =	vld.idx.msk [tilespmem:v28+s2+$0x0], $0xffff  }
0x345: {  	v18 =	vadd.f32 v19, v18;
	v14 =	vld.idx.msk [tilespmem:v29+s2+$0x0], $0xffff;
	v19 =	vadd.f32 v20, v21;
	v20 =	vadd.s32 s16, v4  }
0x346: {  	v31 =	vadd.s32 s21, v0;
	v3 =	vld.idx.msk [tilespmem:v3+s2+$0x0], $0xffff  }
0x347: {  	v1 =	vadd.s32 s20, v1;
	v11 =	vadd.f32 v11, v15;
	v2 =	vld.idx.msk [tilespmem:v2+s2+$0x0], $0xffff  }
0x348: {  	v27 =	vld.idx.msk [tilespmem:v27+s2+$0x0], $0xffff;
	v21 =	vadd.f32 v22, v23;
	v22 =	vadd.s32 s17, v4  }
0x349: {  	v32 =	vadd.s32 s20, v0;
	v12 =	vadd.f32 v13, v12;
	v17 =	vld.idx.msk [tilespmem:v30+s2+$0x0], $0xffff;
	v9 =	vadd.f32 v9, v11  }
0x34a: {  	v0 =	vadd.s32 s14, v0;
	v16 =	vadd.f32 v25, v24;
	v11 =	vadd.f32 v14, v19;
	v14 =	vld.idx.msk [tilespmem:v20+s2+$0x0], $0xffff  }
0x34b: {  	v8 =	vadd.f32 v8, v12;
	v23 =	vld.idx.msk [tilespmem:v31+s2+$0x0], $0xffff;
	v24 =	vadd.s32 s22, v4;
	v12 =	vadd.f32 v28, v18  }
0x34c: {  	s15 =	sadd.s32 $0x400, s15;
	v1 =	vld.idx.msk [tilespmem:v1+s2+$0x0], $0xffff;
	v2 =	vadd.f32 v2, v3;
	v3 =	vadd.s32 s18, v4;
	v16 =	vadd.f32 v26, v16  }
0x34d: {  	[tilespmem:s15+$0x80] =	vst v8;
	v7 =	vadd.f32 v7, v12;
	v12 =	vld.idx.msk [tilespmem:v22+s2+$0x0], $0xffff  }
0x34e: {  	v13 =	vld.idx.msk [tilespmem:v32+s2+$0x0], $0xffff;
	[tilespmem:s15+$0x100] =	vst v9;
	v15 =	vadd.f32 v27, v16;
	v16 =	vadd.s32 s19, v4  }
0x34f: {  	v0 =	vld.idx.msk [tilespmem:v0+s2+$0x0], $0xffff;
	v18 =	vadd.s32 s21, v4;
	[tilespmem:s15+$0xFFFFE080] =	vst v14  }
0x350: {  	v8 =	vadd.f32 v17, v21;
	v24 =	vld.idx.msk [tilespmem:v24+s2+$0x0], $0xffff;
	[tilespmem:s15+$0x380] =	vst v15  }
0x351: {  	v6 =	vadd.f32 v6, v11;
	v1 =	vadd.f32 v1, v2;
	v15 =	vadd.s32 s20, v4;
	v2 =	vld.idx.msk [tilespmem:v3+s2+$0x0], $0xffff;
	[tilespmem:s15+$0x180] =	vst v7  }
0x352: {  	v4 =	vadd.s32 s14, v4;
	v3 =	vadd.f32 v5, v10;
	v5 =	vadd.f32 v23, v8;
	[tilespmem:s15+$0xFFFFE100] =	vst v12  }
0x353: {  	v7 =	vld.idx.msk [tilespmem:v16+s2+$0x0], $0xffff;
	[tilespmem:s15+$0x200] =	vst v6  }
0x354: {  	v1 =	vadd.f32 v13, v1;
	v6 =	vld.idx.msk [tilespmem:v18+s2+$0x0], $0xffff;
	[tilespmem:s15+$0x280] =	vst v5  }
0x355: {  	v0 =	vadd.f32 v0, v3;
	[tilespmem:s15+$0xFFFFE380] =	vst v24  }
0x356: {  	v3 =	vld.idx.msk [tilespmem:v15+s2+$0x0], $0xffff;
	[tilespmem:s15+$0x300] =	vst v1  }
0x357: {  	v1 =	vld.idx.msk [tilespmem:v4+s2+$0x0], $0xffff;
	[tilespmem:s15+$0x0] =	vst v0  }
0x358: {  	[tilespmem:s15+$0xFFFFE180] =	vst v2  }
0x359: {  	[tilespmem:s15+$0xFFFFE200] =	vst v7  }
0x35a: {  	[tilespmem:s15+$0xFFFFE280] =	vst v6  }
0x35b: {  	[tilespmem:s15+$0xFFFFE300] =	vst v3  }
0x35c: {  	[tilespmem:s15+$0xFFFFE000] =	vst v1  }
0x35d: {  	v0 =	vld [tilespmem:$0x12E0]  }
0x35e: {  	v2 =	vld [tilespmem:$0x11E0]  }
0x35f: {  	v4 =	vld [tilespmem:$0x1260]  }
0x360: {  	v5 =	vld [tilespmem:$0x1360];
	_ =	sdelay $0x1  }
0x361: {  	v1 =	vmul.u32 $0x41, v0  }
0x362: {  	s23 =	simm.s32 $0x0;
	v3 =	vmul.u32 $0x41, v2  }
0x363: {  	v2 =	vmul.u32 $0x41, v4;
	v4 =	vadd.s32 s23, v1  }
0x364: {  	v0 =	vmul.u32 $0x41, v5;
	v5 =	vadd.s32 s23, v3  }
0x365: {  	s24 =	simm.s32 $0x1;
	v6 =	vadd.s32 s23, v2  }
0x366: {  	s25 =	simm.s32 $0x2;
	v7 =	vadd.s32 s24, v0  }
0x367: {  	s28 =	simm.s32 $0x4;
	v8 =	vld [tilespmem:$0x1160];
	v9 =	vadd.s32 s25, v0  }
0x368: {  	v10 =	vadd.s32 s28, v0;
	v11 =	vld.idx.msk [tilespmem:v4+s2+$0x0], $0xffff  }
0x369: {  	v12 =	vadd.s32 s24, v1;
	v5 =	vld.idx.msk [tilespmem:v5+s2+$0x0], $0xffff  }
0x36a: {  	v13 =	vadd.s32 s25, v1;
	v6 =	vld.idx.msk [tilespmem:v6+s2+$0x0], $0xffff  }
0x36b: {  	v14 =	vadd.s32 s24, v3;
	v7 =	vld.idx.msk [tilespmem:v7+s2+$0x0], $0xffff  }
0x36c: {  	s26 =	simm.s32 $0x3;
	v15 =	vadd.s32 s24, v2;
	v9 =	vld.idx.msk [tilespmem:v9+s2+$0x0], $0xffff  }
0x36d: {  	v4 =	vadd.s32 s26, v0;
	v10 =	vld.idx.msk [tilespmem:v10+s2+$0x0], $0xffff  }
0x36e: {  	v17 =	vadd.s32 s25, v2;
	v12 =	vld.idx.msk [tilespmem:v12+s2+$0x0], $0xffff  }
0x36f: {  	v18 =	vadd.s32 s26, v3;
	v13 =	vld.idx.msk [tilespmem:v13+s2+$0x0], $0xffff  }
0x370: {  	v19 =	vadd.s32 s26, v2;
	v14 =	vld.idx.msk [tilespmem:v14+s2+$0x0], $0xffff  }
0x371: {  	v20 =	vadd.s32 s28, v3;
	v15 =	vld.idx.msk [tilespmem:v15+s2+$0x0], $0xffff  }
0x372: {  	s29 =	simm.s32 $0x5;
	v16 =	vld.idx.msk [tilespmem:v4+s2+$0x0], $0xffff;
	v4 =	vadd.s32 s25, v3  }
0x373: {  	v22 =	vadd.s32 s29, v3;
	v17 =	vld.idx.msk [tilespmem:v17+s2+$0x0], $0xffff  }
0x374: {  	s30 =	simm.s32 $0x7;
	v23 =	vadd.s32 s29, v2;
	v18 =	vld.idx.msk [tilespmem:v18+s2+$0x0], $0xffff  }
0x375: {  	v24 =	vadd.s32 s30, v3;
	v19 =	vld.idx.msk [tilespmem:v19+s2+$0x0], $0xffff  }
0x376: {  	v25 =	vadd.s32 s30, v2;
	v20 =	vld.idx.msk [tilespmem:v20+s2+$0x0], $0xffff  }
0x377: {  	v21 =	vld.idx.msk [tilespmem:v4+s2+$0x0], $0xffff;
	v4 =	vadd.s32 s28, v2  }
0x378: {  	s31 =	simm.s32 $0x6;
	v27 =	vadd.s32 s30, v1;
	v22 =	vld.idx.msk [tilespmem:v22+s2+$0x0], $0xffff  }
0x379: {  	v56 =	vadd.s32 s31, v2;
	v23 =	vld.idx.msk [tilespmem:v23+s2+$0x0], $0xffff  }
0x37a: {  	v57 =	vadd.s32 s30, v0;
	v24 =	vld.idx.msk [tilespmem:v24+s2+$0x0], $0xffff  }
0x37b: {  	v59 =	vadd.s32 s28, v1;
	v25 =	vld.idx.msk [tilespmem:v25+s2+$0x0], $0xffff  }
0x37c: {  	v26 =	vld.idx.msk [tilespmem:v4+s2+$0x0], $0xffff;
	v4 =	vadd.s32 s31, v3  }
0x37d: {  	v33 =	vadd.s32 s29, v1;
	v27 =	vld.idx.msk [tilespmem:v27+s2+$0x0], $0xffff  }
0x37e: {  	v34 =	vadd.s32 s31, v1;
	v28 =	vld.idx.msk [tilespmem:v56+s2+$0x0], $0xffff  }
0x37f: {  	v35 =	vadd.s32 s29, v0;
	v29 =	vld.idx.msk [tilespmem:v57+s2+$0x0], $0xffff  }
0x380: {  	v61 =	vadd.s32 s31, v0;
	v31 =	vld.idx.msk [tilespmem:v59+s2+$0x0], $0xffff  }
0x381: {  	v36 =	vadd.s32 s23, v0;
	v60 =	vld.idx.msk [tilespmem:v4+s2+$0x0], $0xffff;
	v4 =	vmul.u32 $0x41, v8  }
0x382: {  	v58 =	vadd.s32 s26, v1;
	v33 =	vld.idx.msk [tilespmem:v33+s2+$0x0], $0xffff  }
0x383: {  	v34 =	vld.idx.msk [tilespmem:v34+s2+$0x0], $0xffff;
	v37 =	vadd.s32 s30, v4  }
0x384: {  	v35 =	vld.idx.msk [tilespmem:v35+s2+$0x0], $0xffff;
	v38 =	vadd.s32 s24, v4  }
0x385: {  	v30 =	vld.idx.msk [tilespmem:v61+s2+$0x0], $0xffff;
	v39 =	vadd.s32 s25, v4  }
0x386: {  	v36 =	vld.idx.msk [tilespmem:v36+s2+$0x0], $0xffff;
	v6 =	vadd.f32 v6, v5;
	v40 =	vadd.s32 s26, v4  }
0x387: {  	v5 =	vadd.f32 v15, v14;
	v18 =	vadd.f32 v19, v18;
	v8 =	vld.idx.msk [tilespmem:v58+s2+$0x0], $0xffff;
	v41 =	vadd.s32 s28, v4  }
0x388: {  	v15 =	vadd.f32 v17, v21;
	v17 =	vadd.f32 v25, v24;
	v14 =	vadd.s32 s29, v4;
	v37 =	vld.idx.msk [tilespmem:v37+s2+$0x0], $0xffff  }
0x389: {  	v22 =	vadd.f32 v23, v22;
	v5 =	vadd.f32 v12, v5;
	v24 =	vadd.s32 s31, v4;
	v21 =	vld.idx.msk [tilespmem:v38+s2+$0x0], $0xffff  }
0x38a: {  	s14 =	simm.s32 $0x8;
	v17 =	vadd.f32 v27, v17;
	v19 =	vadd.f32 v26, v20;
	v20 =	vadd.s32 s23, v4;
	v25 =	vld.idx.msk [tilespmem:v39+s2+$0x0], $0xffff  }
0x38b: {  	v23 =	vadd.s32 s14, v1;
	v6 =	vadd.f32 v11, v6;
	v13 =	vadd.f32 v13, v15;
	v26 =	vld.idx.msk [tilespmem:v40+s2+$0x0], $0xffff  }
0x38c: {  	v5 =	vadd.f32 v7, v5;
	v27 =	vadd.s32 s14, v3;
	v15 =	vadd.f32 v29, v17;
	v62 =	vld.idx.msk [tilespmem:v41+s2+$0x0], $0xffff  }
0x38d: {  	s16 =	simm.s32 $0x9;
	v17 =	vadd.s32 s14, v2;
	v9 =	vadd.f32 v9, v13;
	v13 =	vadd.f32 v31, v19;
	v63 =	vld.idx.msk [tilespmem:v14+s2+$0x0], $0xffff  }
0x38e: {  	s15 =	simm.s32 $0x3560;
	v12 =	vadd.f32 v28, v60;
	v7 =	vadd.f32 v8, v18;
	v8 =	vadd.s32 s16, v0;
	v18 =	vld.idx.msk [tilespmem:v24+s2+$0x0], $0xffff  }
0x38f: {  	s17 =	simm.s32 $0xA;
	v11 =	vadd.s32 s16, v1;
	v6 =	vadd.f32 v36, v6;
	v19 =	vld.idx.msk [tilespmem:v20+s2+$0x0], $0xffff;
	[tilespmem:s15+$0x80] =	vst v5  }
0x390: {  	s19 =	simm.s32 $0xC;
	v14 =	vadd.s32 s17, v0;
	v5 =	vld.idx.msk [tilespmem:v23+s2+$0x0], $0xffff;
	[tilespmem:s15+$0x100] =	vst v9;
	v9 =	vadd.f32 v10, v13;
	v13 =	vadd.f32 v34, v12  }
0x391: {  	s18 =	simm.s32 $0xB;
	[tilespmem:s15+$0x380] =	vst v15;
	v7 =	vadd.f32 v16, v7;
	v10 =	vld.idx.msk [tilespmem:v27+s2+$0x0], $0xffff;
	v20 =	vadd.s32 s19, v0  }
0x392: {  	v15 =	vadd.f32 v33, v22;
	v16 =	vadd.s32 s18, v0;
	v12 =	vld.idx.msk [tilespmem:v17+s2+$0x0], $0xffff;
	[tilespmem:s15+$0x0] =	vst v6;
	v13 =	vadd.f32 v30, v13  }
0x393: {  	v17 =	vadd.s32 s16, v3;
	[tilespmem:s15+$0x180] =	vst v7;
	v8 =	vld.idx.msk [tilespmem:v8+s2+$0x0], $0xffff  }
0x394: {  	v22 =	vadd.s32 s16, v2;
	v7 =	vadd.f32 v35, v15;
	[tilespmem:s15+$0x300] =	vst v13;
	v13 =	vld.idx.msk [tilespmem:v11+s2+$0x0], $0xffff  }
0x395: {  	[tilespmem:s15+$0x200] =	vst v9;
	v15 =	vadd.s32 s17, v1;
	v9 =	vld.idx.msk [tilespmem:v14+s2+$0x0], $0xffff  }
0x396: {  	[tilespmem:s15+$0x280] =	vst v7;
	v6 =	vld.idx.msk [tilespmem:v20+s2+$0x0], $0xffff;
	v20 =	vadd.s32 s17, v2  }
0x397: {  	v23 =	vadd.s32 s17, v3;
	v7 =	vld.idx.msk [tilespmem:v16+s2+$0x0], $0xffff;
	[tilespmem:s15+$0xFFFFE080] =	vst v21  }
0x398: {  	v24 =	vadd.s32 s18, v3;
	[tilespmem:s15+$0xFFFFE100] =	vst v25;
	v14 =	vld.idx.msk [tilespmem:v17+s2+$0x0], $0xffff  }
0x399: {  	[tilespmem:s15+$0xFFFFE180] =	vst v26;
	v25 =	vadd.s32 s18, v2;
	v16 =	vld.idx.msk [tilespmem:v22+s2+$0x0], $0xffff  }
0x39a: {  	[tilespmem:s15+$0xFFFFE200] =	vst v62;
	v21 =	vadd.s32 s19, v3;
	v11 =	vld.idx.msk [tilespmem:v15+s2+$0x0], $0xffff  }
0x39b: {  	s21 =	simm.s32 $0xD;
	[tilespmem:s15+$0xFFFFE280] =	vst v63;
	v17 =	vld.idx.msk [tilespmem:v20+s2+$0x0], $0xffff;
	v20 =	vadd.s32 s19, v2  }
0x39c: {  	[tilespmem:s15+$0xFFFFE300] =	vst v18;
	v15 =	vld.idx.msk [tilespmem:v23+s2+$0x0], $0xffff;
	v23 =	vadd.s32 s21, v3  }
0x39d: {  	s22 =	simm.s32 $0xF;
	[tilespmem:s15+$0xFFFFE380] =	vst v37;
	v18 =	vld.idx.msk [tilespmem:v24+s2+$0x0], $0xffff;
	v22 =	vadd.s32 s21, v2  }
0x39e: {  	s20 =	simm.s32 $0x10;
	[tilespmem:s15+$0xFFFFE000] =	vst v19;
	v24 =	vadd.s32 s22, v3;
	v19 =	vld.idx.msk [tilespmem:v25+s2+$0x0], $0xffff  }
.LBB2_15:
0x39f: {  	p0 =	slt.u32 s20, $0x38;
	v21 =	vld.idx.msk [tilespmem:v21+s2+$0x0], $0xffff;
	s23 =	sadd.s32 $0x6, s14;
	v25 =	vadd.s32 s22, v2  }
0x3a0: {  	v20 =	vld.idx.msk [tilespmem:v20+s2+$0x0], $0xffff;
	v26 =	vadd.s32 s23, v3  }
0x3a1: {  	v27 =	vadd.s32 s22, v1;
	v23 =	vld.idx.msk [tilespmem:v23+s2+$0x0], $0xffff  }
0x3a2: {  	v28 =	vadd.s32 s23, v2;
	v22 =	vld.idx.msk [tilespmem:v22+s2+$0x0], $0xffff  }
0x3a3: {  	v29 =	vadd.s32 s22, v0;
	v24 =	vld.idx.msk [tilespmem:v24+s2+$0x0], $0xffff  }
0x3a4: {  	v30 =	vadd.s32 s18, v1;
	v25 =	vld.idx.msk [tilespmem:v25+s2+$0x0], $0xffff  }
0x3a5: {  	v31 =	vadd.s32 s19, v1;
	v26 =	vld.idx.msk [tilespmem:v26+s2+$0x0], $0xffff  }
0x3a6: {  	v32 =	vadd.s32 s21, v1;
	v27 =	vld.idx.msk [tilespmem:v27+s2+$0x0], $0xffff  }
0x3a7: {  	v33 =	vadd.s32 s23, v1;
	v28 =	vld.idx.msk [tilespmem:v28+s2+$0x0], $0xffff  }
0x3a8: {  	v34 =	vadd.s32 s21, v0;
	v29 =	vld.idx.msk [tilespmem:v29+s2+$0x0], $0xffff  }
0x3a9: {  	v10 =	vadd.f32 v12, v10;
	v12 =	vadd.f32 v16, v14;
	v16 =	vadd.s32 s23, v0;
	v14 =	vld.idx.msk [tilespmem:v30+s2+$0x0], $0xffff  }
0x3aa: {  	v15 =	vadd.f32 v17, v15;
	v30 =	vadd.s32 s14, v0;
	v24 =	vadd.f32 v25, v24;
	v17 =	vld.idx.msk [tilespmem:v31+s2+$0x0], $0xffff  }
0x3ab: {  	v18 =	vadd.f32 v19, v18;
	v19 =	vadd.f32 v20, v21;
	v21 =	vadd.s32 s22, v4;
	v20 =	vld.idx.msk [tilespmem:v32+s2+$0x0], $0xffff  }
0x3ac: {  	v22 =	vadd.f32 v22, v23;
	v25 =	vadd.s32 s16, v4;
	v24 =	vadd.f32 v27, v24;
	v23 =	vld.idx.msk [tilespmem:v33+s2+$0x0], $0xffff  }
0x3ad: {  	v12 =	vadd.f32 v13, v12;
	v13 =	vadd.s32 s17, v4;
	v26 =	vadd.f32 v28, v26;
	v27 =	vld.idx.msk [tilespmem:v34+s2+$0x0], $0xffff  }
0x3ae: {  	v11 =	vadd.f32 v11, v15;
	v15 =	vadd.s32 s18, v4;
	v24 =	vadd.f32 v29, v24;
	v16 =	vld.idx.msk [tilespmem:v16+s2+$0x0], $0xffff  }
0x3af: {  	s15 =	sadd.s32 $0x400, s15;
	v8 =	vadd.f32 v8, v12;
	v12 =	vadd.f32 v14, v18;
	v14 =	vadd.s32 s19, v4;
	v28 =	vld.idx.msk [tilespmem:v30+s2+$0x0], $0xffff  }
0x3b0: {  	v9 =	vadd.f32 v9, v11;
	v11 =	vadd.f32 v17, v19;
	v17 =	vadd.s32 s21, v4;
	v18 =	vld.idx.msk [tilespmem:v21+s2+$0x0], $0xffff;
	[tilespmem:s15+$0x380] =	vst v24  }
0x3b1: {  	v7 =	vadd.f32 v7, v12;
	v12 =	vadd.s32 s23, v4;
	v19 =	vld.idx.msk [tilespmem:v25+s2+$0x0], $0xffff;
	[tilespmem:s15+$0x80] =	vst v8;
	v8 =	vadd.f32 v20, v22  }
0x3b2: {  	v20 =	vadd.s32 s14, v4;
	v6 =	vadd.f32 v6, v11;
	s14 =	smov.u32 s20;
	v13 =	vld.idx.msk [tilespmem:v13+s2+$0x0], $0xffff;
	[tilespmem:s15+$0x100] =	vst v9;
	v9 =	vadd.f32 v23, v26  }
0x3b3: {  	v5 =	vadd.f32 v5, v10;
	v11 =	vadd.s32 s20, v1;
	v15 =	vld.idx.msk [tilespmem:v15+s2+$0x0], $0xffff;
	[tilespmem:s15+$0x180] =	vst v7;
	v7 =	vadd.f32 v27, v8  }
0x3b4: {  	v8 =	vadd.s32 s20, v3;
	v14 =	vld.idx.msk [tilespmem:v14+s2+$0x0], $0xffff;
	[tilespmem:s15+$0x200] =	vst v6;
	v6 =	vadd.f32 v16, v9  }
0x3b5: {  	s16 =	sadd.s32 $0x1, s20;
	v9 =	vadd.s32 s20, v2;
	v5 =	vadd.f32 v28, v5;
	v16 =	vld.idx.msk [tilespmem:v17+s2+$0x0], $0xffff;
	[tilespmem:s15+$0x280] =	vst v7  }
0x3b6: {  	s17 =	sadd.s32 $0x2, s20;
	v7 =	vadd.s32 s16, v0;
	v17 =	vld.idx.msk [tilespmem:v12+s2+$0x0], $0xffff;
	[tilespmem:s15+$0x300] =	vst v6  }
0x3b7: {  	s18 =	sadd.s32 $0x3, s20;
	v6 =	vadd.s32 s17, v0;
	v20 =	vld.idx.msk [tilespmem:v20+s2+$0x0], $0xffff;
	[tilespmem:s15+$0x0] =	vst v5  }
0x3b8: {  	s19 =	sadd.s32 $0x4, s20;
	v5 =	vld.idx.msk [tilespmem:v11+s2+$0x0], $0xffff;
	v11 =	vadd.s32 s18, v0;
	[tilespmem:s15+$0xFFFFE080] =	vst v19  }
0x3b9: {  	v19 =	vadd.s32 s19, v0;
	v10 =	vld.idx.msk [tilespmem:v8+s2+$0x0], $0xffff;
	[tilespmem:s15+$0xFFFFE100] =	vst v13  }
0x3ba: {  	v13 =	vadd.s32 s16, v1;
	v12 =	vld.idx.msk [tilespmem:v9+s2+$0x0], $0xffff;
	[tilespmem:s15+$0xFFFFE180] =	vst v15  }
0x3bb: {  	v15 =	vadd.s32 s17, v1;
	v8 =	vld.idx.msk [tilespmem:v7+s2+$0x0], $0xffff;
	[tilespmem:s15+$0xFFFFE200] =	vst v14  }
0x3bc: {  	v14 =	vadd.s32 s16, v3;
	v9 =	vld.idx.msk [tilespmem:v6+s2+$0x0], $0xffff;
	[tilespmem:s15+$0xFFFFE280] =	vst v16  }
0x3bd: {  	v16 =	vadd.s32 s16, v2;
	v7 =	vld.idx.msk [tilespmem:v11+s2+$0x0], $0xffff;
	[tilespmem:s15+$0xFFFFE300] =	vst v17  }
0x3be: {  	v17 =	vadd.s32 s17, v3;
	v6 =	vld.idx.msk [tilespmem:v19+s2+$0x0], $0xffff;
	[tilespmem:s15+$0xFFFFE380] =	vst v18  }
0x3bf: {  	v18 =	vadd.s32 s17, v2;
	v13 =	vld.idx.msk [tilespmem:v13+s2+$0x0], $0xffff;
	[tilespmem:s15+$0xFFFFE000] =	vst v20  }
0x3c0: {  	v19 =	vadd.s32 s18, v3;
	v11 =	vld.idx.msk [tilespmem:v15+s2+$0x0], $0xffff  }
0x3c1: {  	v24 =	vadd.s32 s18, v2;
	v14 =	vld.idx.msk [tilespmem:v14+s2+$0x0], $0xffff  }
.Ltmp7:
0x3c2: {  	v21 =	vadd.s32 s19, v3;
	v16 =	vld.idx.msk [tilespmem:v16+s2+$0x0], $0xffff;
	(pc) =	sbr.rel @p0 .LBB2_15-.Ltmp7, $4  }
0x3c3: {  	s21 =	sadd.s32 $0x5, s20;
	v20 =	vadd.s32 s19, v2;
	v15 =	vld.idx.msk [tilespmem:v17+s2+$0x0], $0xffff  }
0x3c4: {  	v23 =	vadd.s32 s21, v3;
	v17 =	vld.idx.msk [tilespmem:v18+s2+$0x0], $0xffff  }
0x3c5: {  	s22 =	sadd.s32 $0x7, s20;
	v22 =	vadd.s32 s21, v2;
	v18 =	vld.idx.msk [tilespmem:v19+s2+$0x0], $0xffff  }
0x3c6: {  	s20 =	sadd.s32 $0x8, s20;
	v19 =	vld.idx.msk [tilespmem:v24+s2+$0x0], $0xffff;
	v24 =	vadd.s32 s22, v3  }
0x3c7: {  	_ =	sdelay $0x3  }
0x3c8: {  	v21 =	vld.idx.msk [tilespmem:v21+s2+$0x0], $0xffff;
	v25 =	vadd.s32 s22, v2  }
0x3c9: {  	v20 =	vld.idx.msk [tilespmem:v20+s2+$0x0], $0xffff;
	v26 =	vadd.s32 s22, v1  }
0x3ca: {  	v23 =	vld.idx.msk [tilespmem:v23+s2+$0x0], $0xffff;
	v28 =	vadd.s32 s18, v1  }
0x3cb: {  	s20 =	sadd.s32 $0x6, s14;
	v22 =	vld.idx.msk [tilespmem:v22+s2+$0x0], $0xffff;
	v29 =	vadd.s32 s19, v1  }
0x3cc: {  	v24 =	vld.idx.msk [tilespmem:v24+s2+$0x0], $0xffff;
	v3 =	vadd.s32 s20, v3  }
0x3cd: {  	v2 =	vadd.s32 s20, v2;
	v25 =	vld.idx.msk [tilespmem:v25+s2+$0x0], $0xffff  }
0x3ce: {  	v27 =	vadd.s32 s22, v0;
	v10 =	vadd.f32 v12, v10;
	v26 =	vld.idx.msk [tilespmem:v26+s2+$0x0], $0xffff  }
0x3cf: {  	v30 =	vadd.s32 s21, v1;
	v12 =	vadd.f32 v16, v14;
	v15 =	vadd.f32 v17, v15;
	v28 =	vld.idx.msk [tilespmem:v28+s2+$0x0], $0xffff  }
0x3d0: {  	v18 =	vadd.f32 v19, v18;
	v14 =	vld.idx.msk [tilespmem:v29+s2+$0x0], $0xffff;
	v19 =	vadd.f32 v20, v21;
	v20 =	vadd.s32 s16, v4  }
0x3d1: {  	v31 =	vadd.s32 s21, v0;
	v3 =	vld.idx.msk [tilespmem:v3+s2+$0x0], $0xffff  }
0x3d2: {  	v1 =	vadd.s32 s20, v1;
	v11 =	vadd.f32 v11, v15;
	v2 =	vld.idx.msk [tilespmem:v2+s2+$0x0], $0xffff  }
0x3d3: {  	v27 =	vld.idx.msk [tilespmem:v27+s2+$0x0], $0xffff;
	v21 =	vadd.f32 v22, v23;
	v22 =	vadd.s32 s17, v4  }
0x3d4: {  	v32 =	vadd.s32 s20, v0;
	v12 =	vadd.f32 v13, v12;
	v17 =	vld.idx.msk [tilespmem:v30+s2+$0x0], $0xffff;
	v9 =	vadd.f32 v9, v11  }
0x3d5: {  	v0 =	vadd.s32 s14, v0;
	v16 =	vadd.f32 v25, v24;
	v11 =	vadd.f32 v14, v19;
	v14 =	vld.idx.msk [tilespmem:v20+s2+$0x0], $0xffff  }
0x3d6: {  	v8 =	vadd.f32 v8, v12;
	v23 =	vld.idx.msk [tilespmem:v31+s2+$0x0], $0xffff;
	v24 =	vadd.s32 s22, v4;
	v12 =	vadd.f32 v28, v18  }
0x3d7: {  	s15 =	sadd.s32 $0x400, s15;
	v1 =	vld.idx.msk [tilespmem:v1+s2+$0x0], $0xffff;
	v2 =	vadd.f32 v2, v3;
	v3 =	vadd.s32 s18, v4;
	v16 =	vadd.f32 v26, v16  }
0x3d8: {  	[tilespmem:s15+$0x80] =	vst v8;
	v7 =	vadd.f32 v7, v12;
	v12 =	vld.idx.msk [tilespmem:v22+s2+$0x0], $0xffff  }
0x3d9: {  	v13 =	vld.idx.msk [tilespmem:v32+s2+$0x0], $0xffff;
	[tilespmem:s15+$0x100] =	vst v9;
	v15 =	vadd.f32 v27, v16;
	v16 =	vadd.s32 s19, v4  }
0x3da: {  	v0 =	vld.idx.msk [tilespmem:v0+s2+$0x0], $0xffff;
	v18 =	vadd.s32 s21, v4;
	[tilespmem:s15+$0xFFFFE080] =	vst v14  }
0x3db: {  	v8 =	vadd.f32 v17, v21;
	v24 =	vld.idx.msk [tilespmem:v24+s2+$0x0], $0xffff;
	[tilespmem:s15+$0x380] =	vst v15  }
0x3dc: {  	v6 =	vadd.f32 v6, v11;
	v1 =	vadd.f32 v1, v2;
	v15 =	vadd.s32 s20, v4;
	v2 =	vld.idx.msk [tilespmem:v3+s2+$0x0], $0xffff;
	[tilespmem:s15+$0x180] =	vst v7  }
0x3dd: {  	v4 =	vadd.s32 s14, v4;
	v3 =	vadd.f32 v5, v10;
	v5 =	vadd.f32 v23, v8;
	[tilespmem:s15+$0xFFFFE100] =	vst v12  }
0x3de: {  	v7 =	vld.idx.msk [tilespmem:v16+s2+$0x0], $0xffff;
	[tilespmem:s15+$0x200] =	vst v6  }
0x3df: {  	v1 =	vadd.f32 v13, v1;
	v6 =	vld.idx.msk [tilespmem:v18+s2+$0x0], $0xffff;
	[tilespmem:s15+$0x280] =	vst v5  }
0x3e0: {  	v0 =	vadd.f32 v0, v3;
	[tilespmem:s15+$0xFFFFE380] =	vst v24  }
0x3e1: {  	v3 =	vld.idx.msk [tilespmem:v15+s2+$0x0], $0xffff;
	[tilespmem:s15+$0x300] =	vst v1  }
0x3e2: {  	v1 =	vld.idx.msk [tilespmem:v4+s2+$0x0], $0xffff;
	[tilespmem:s15+$0x0] =	vst v0  }
0x3e3: {  	[tilespmem:s15+$0xFFFFE180] =	vst v2  }
0x3e4: {  	[tilespmem:s15+$0xFFFFE200] =	vst v7  }
0x3e5: {  	[tilespmem:s15+$0xFFFFE280] =	vst v6  }
0x3e6: {  	[tilespmem:s15+$0xFFFFE300] =	vst v3  }
0x3e7: {  	[tilespmem:s15+$0xFFFFE000] =	vst v1  }
0x3e8: {  	v0 =	vld [tilespmem:$0x12F0]  }
0x3e9: {  	v2 =	vld [tilespmem:$0x11F0]  }
0x3ea: {  	v4 =	vld [tilespmem:$0x1270]  }
0x3eb: {  	v5 =	vld [tilespmem:$0x1370];
	_ =	sdelay $0x1  }
0x3ec: {  	v1 =	vmul.u32 $0x41, v0  }
0x3ed: {  	s23 =	simm.s32 $0x0;
	v3 =	vmul.u32 $0x41, v2  }
0x3ee: {  	v2 =	vmul.u32 $0x41, v4;
	v4 =	vadd.s32 s23, v1  }
0x3ef: {  	v0 =	vmul.u32 $0x41, v5;
	v5 =	vadd.s32 s23, v3  }
0x3f0: {  	s24 =	simm.s32 $0x1;
	v6 =	vadd.s32 s23, v2  }
0x3f1: {  	s25 =	simm.s32 $0x2;
	v7 =	vadd.s32 s24, v0  }
0x3f2: {  	s28 =	simm.s32 $0x4;
	v8 =	vld [tilespmem:$0x1170];
	v9 =	vadd.s32 s25, v0  }
0x3f3: {  	v10 =	vadd.s32 s28, v0;
	v11 =	vld.idx.msk [tilespmem:v4+s2+$0x0], $0xffff  }
0x3f4: {  	v12 =	vadd.s32 s24, v1;
	v5 =	vld.idx.msk [tilespmem:v5+s2+$0x0], $0xffff  }
0x3f5: {  	v13 =	vadd.s32 s25, v1;
	v6 =	vld.idx.msk [tilespmem:v6+s2+$0x0], $0xffff  }
0x3f6: {  	v14 =	vadd.s32 s24, v3;
	v7 =	vld.idx.msk [tilespmem:v7+s2+$0x0], $0xffff  }
0x3f7: {  	s26 =	simm.s32 $0x3;
	v15 =	vadd.s32 s24, v2;
	v9 =	vld.idx.msk [tilespmem:v9+s2+$0x0], $0xffff  }
0x3f8: {  	v4 =	vadd.s32 s26, v0;
	v10 =	vld.idx.msk [tilespmem:v10+s2+$0x0], $0xffff  }
0x3f9: {  	v17 =	vadd.s32 s25, v2;
	v12 =	vld.idx.msk [tilespmem:v12+s2+$0x0], $0xffff  }
0x3fa: {  	v18 =	vadd.s32 s26, v3;
	v13 =	vld.idx.msk [tilespmem:v13+s2+$0x0], $0xffff  }
0x3fb: {  	v19 =	vadd.s32 s26, v2;
	v14 =	vld.idx.msk [tilespmem:v14+s2+$0x0], $0xffff  }
0x3fc: {  	v20 =	vadd.s32 s28, v3;
	v15 =	vld.idx.msk [tilespmem:v15+s2+$0x0], $0xffff  }
0x3fd: {  	s29 =	simm.s32 $0x5;
	v16 =	vld.idx.msk [tilespmem:v4+s2+$0x0], $0xffff;
	v4 =	vadd.s32 s25, v3  }
0x3fe: {  	v22 =	vadd.s32 s29, v3;
	v17 =	vld.idx.msk [tilespmem:v17+s2+$0x0], $0xffff  }
0x3ff: {  	s30 =	simm.s32 $0x7;
	v23 =	vadd.s32 s29, v2;
	v18 =	vld.idx.msk [tilespmem:v18+s2+$0x0], $0xffff  }
0x400: {  	v24 =	vadd.s32 s30, v3;
	v19 =	vld.idx.msk [tilespmem:v19+s2+$0x0], $0xffff  }
0x401: {  	v25 =	vadd.s32 s30, v2;
	v20 =	vld.idx.msk [tilespmem:v20+s2+$0x0], $0xffff  }
0x402: {  	v21 =	vld.idx.msk [tilespmem:v4+s2+$0x0], $0xffff;
	v4 =	vadd.s32 s28, v2  }
0x403: {  	s31 =	simm.s32 $0x6;
	v27 =	vadd.s32 s30, v1;
	v22 =	vld.idx.msk [tilespmem:v22+s2+$0x0], $0xffff  }
0x404: {  	v56 =	vadd.s32 s31, v2;
	v23 =	vld.idx.msk [tilespmem:v23+s2+$0x0], $0xffff  }
0x405: {  	v57 =	vadd.s32 s30, v0;
	v24 =	vld.idx.msk [tilespmem:v24+s2+$0x0], $0xffff  }
0x406: {  	v59 =	vadd.s32 s28, v1;
	v25 =	vld.idx.msk [tilespmem:v25+s2+$0x0], $0xffff  }
0x407: {  	v26 =	vld.idx.msk [tilespmem:v4+s2+$0x0], $0xffff;
	v4 =	vadd.s32 s31, v3  }
0x408: {  	v33 =	vadd.s32 s29, v1;
	v27 =	vld.idx.msk [tilespmem:v27+s2+$0x0], $0xffff  }
0x409: {  	v34 =	vadd.s32 s31, v1;
	v28 =	vld.idx.msk [tilespmem:v56+s2+$0x0], $0xffff  }
0x40a: {  	v35 =	vadd.s32 s29, v0;
	v29 =	vld.idx.msk [tilespmem:v57+s2+$0x0], $0xffff  }
0x40b: {  	v61 =	vadd.s32 s31, v0;
	v31 =	vld.idx.msk [tilespmem:v59+s2+$0x0], $0xffff  }
0x40c: {  	v36 =	vadd.s32 s23, v0;
	v60 =	vld.idx.msk [tilespmem:v4+s2+$0x0], $0xffff;
	v4 =	vmul.u32 $0x41, v8  }
0x40d: {  	v58 =	vadd.s32 s26, v1;
	v33 =	vld.idx.msk [tilespmem:v33+s2+$0x0], $0xffff  }
0x40e: {  	v34 =	vld.idx.msk [tilespmem:v34+s2+$0x0], $0xffff;
	v37 =	vadd.s32 s30, v4  }
0x40f: {  	v35 =	vld.idx.msk [tilespmem:v35+s2+$0x0], $0xffff;
	v38 =	vadd.s32 s24, v4  }
0x410: {  	v30 =	vld.idx.msk [tilespmem:v61+s2+$0x0], $0xffff;
	v39 =	vadd.s32 s25, v4  }
0x411: {  	v36 =	vld.idx.msk [tilespmem:v36+s2+$0x0], $0xffff;
	v6 =	vadd.f32 v6, v5;
	v40 =	vadd.s32 s26, v4  }
0x412: {  	v5 =	vadd.f32 v15, v14;
	v18 =	vadd.f32 v19, v18;
	v8 =	vld.idx.msk [tilespmem:v58+s2+$0x0], $0xffff;
	v41 =	vadd.s32 s28, v4  }
0x413: {  	v15 =	vadd.f32 v17, v21;
	v17 =	vadd.f32 v25, v24;
	v14 =	vadd.s32 s29, v4;
	v37 =	vld.idx.msk [tilespmem:v37+s2+$0x0], $0xffff  }
0x414: {  	v22 =	vadd.f32 v23, v22;
	v5 =	vadd.f32 v12, v5;
	v24 =	vadd.s32 s31, v4;
	v21 =	vld.idx.msk [tilespmem:v38+s2+$0x0], $0xffff  }
0x415: {  	s14 =	simm.s32 $0x8;
	v17 =	vadd.f32 v27, v17;
	v19 =	vadd.f32 v26, v20;
	v20 =	vadd.s32 s23, v4;
	v25 =	vld.idx.msk [tilespmem:v39+s2+$0x0], $0xffff  }
0x416: {  	v23 =	vadd.s32 s14, v1;
	v6 =	vadd.f32 v11, v6;
	v13 =	vadd.f32 v13, v15;
	v26 =	vld.idx.msk [tilespmem:v40+s2+$0x0], $0xffff  }
0x417: {  	v5 =	vadd.f32 v7, v5;
	v27 =	vadd.s32 s14, v3;
	v15 =	vadd.f32 v29, v17;
	v62 =	vld.idx.msk [tilespmem:v41+s2+$0x0], $0xffff  }
0x418: {  	s16 =	simm.s32 $0x9;
	v17 =	vadd.s32 s14, v2;
	v9 =	vadd.f32 v9, v13;
	v13 =	vadd.f32 v31, v19;
	v63 =	vld.idx.msk [tilespmem:v14+s2+$0x0], $0xffff  }
0x419: {  	s15 =	simm.s32 $0x3570;
	v12 =	vadd.f32 v28, v60;
	v7 =	vadd.f32 v8, v18;
	v8 =	vadd.s32 s16, v0;
	v18 =	vld.idx.msk [tilespmem:v24+s2+$0x0], $0xffff  }
0x41a: {  	s17 =	simm.s32 $0xA;
	v11 =	vadd.s32 s16, v1;
	v6 =	vadd.f32 v36, v6;
	v19 =	vld.idx.msk [tilespmem:v20+s2+$0x0], $0xffff;
	[tilespmem:s15+$0x80] =	vst v5  }
0x41b: {  	s19 =	simm.s32 $0xC;
	v14 =	vadd.s32 s17, v0;
	v5 =	vld.idx.msk [tilespmem:v23+s2+$0x0], $0xffff;
	[tilespmem:s15+$0x100] =	vst v9;
	v9 =	vadd.f32 v10, v13;
	v13 =	vadd.f32 v34, v12  }
0x41c: {  	s18 =	simm.s32 $0xB;
	[tilespmem:s15+$0x380] =	vst v15;
	v7 =	vadd.f32 v16, v7;
	v10 =	vld.idx.msk [tilespmem:v27+s2+$0x0], $0xffff;
	v20 =	vadd.s32 s19, v0  }
0x41d: {  	v15 =	vadd.f32 v33, v22;
	v16 =	vadd.s32 s18, v0;
	v12 =	vld.idx.msk [tilespmem:v17+s2+$0x0], $0xffff;
	[tilespmem:s15+$0x0] =	vst v6;
	v13 =	vadd.f32 v30, v13  }
0x41e: {  	v17 =	vadd.s32 s16, v3;
	[tilespmem:s15+$0x180] =	vst v7;
	v8 =	vld.idx.msk [tilespmem:v8+s2+$0x0], $0xffff  }
0x41f: {  	v22 =	vadd.s32 s16, v2;
	v7 =	vadd.f32 v35, v15;
	[tilespmem:s15+$0x300] =	vst v13;
	v13 =	vld.idx.msk [tilespmem:v11+s2+$0x0], $0xffff  }
0x420: {  	[tilespmem:s15+$0x200] =	vst v9;
	v15 =	vadd.s32 s17, v1;
	v9 =	vld.idx.msk [tilespmem:v14+s2+$0x0], $0xffff  }
0x421: {  	[tilespmem:s15+$0x280] =	vst v7;
	v6 =	vld.idx.msk [tilespmem:v20+s2+$0x0], $0xffff;
	v20 =	vadd.s32 s17, v2  }
0x422: {  	v23 =	vadd.s32 s17, v3;
	v7 =	vld.idx.msk [tilespmem:v16+s2+$0x0], $0xffff;
	[tilespmem:s15+$0xFFFFE080] =	vst v21  }
0x423: {  	v24 =	vadd.s32 s18, v3;
	[tilespmem:s15+$0xFFFFE100] =	vst v25;
	v14 =	vld.idx.msk [tilespmem:v17+s2+$0x0], $0xffff  }
0x424: {  	[tilespmem:s15+$0xFFFFE180] =	vst v26;
	v25 =	vadd.s32 s18, v2;
	v16 =	vld.idx.msk [tilespmem:v22+s2+$0x0], $0xffff  }
0x425: {  	[tilespmem:s15+$0xFFFFE200] =	vst v62;
	v21 =	vadd.s32 s19, v3;
	v11 =	vld.idx.msk [tilespmem:v15+s2+$0x0], $0xffff  }
0x426: {  	s21 =	simm.s32 $0xD;
	[tilespmem:s15+$0xFFFFE280] =	vst v63;
	v17 =	vld.idx.msk [tilespmem:v20+s2+$0x0], $0xffff;
	v20 =	vadd.s32 s19, v2  }
0x427: {  	[tilespmem:s15+$0xFFFFE300] =	vst v18;
	v15 =	vld.idx.msk [tilespmem:v23+s2+$0x0], $0xffff;
	v23 =	vadd.s32 s21, v3  }
0x428: {  	s22 =	simm.s32 $0xF;
	[tilespmem:s15+$0xFFFFE380] =	vst v37;
	v18 =	vld.idx.msk [tilespmem:v24+s2+$0x0], $0xffff;
	v22 =	vadd.s32 s21, v2  }
0x429: {  	s20 =	simm.s32 $0x10;
	[tilespmem:s15+$0xFFFFE000] =	vst v19;
	v24 =	vadd.s32 s22, v3;
	v19 =	vld.idx.msk [tilespmem:v25+s2+$0x0], $0xffff  }
.LBB2_17:
0x42a: {  	p0 =	slt.u32 s20, $0x38;
	v21 =	vld.idx.msk [tilespmem:v21+s2+$0x0], $0xffff;
	s23 =	sadd.s32 $0x6, s14;
	v25 =	vadd.s32 s22, v2  }
0x42b: {  	v20 =	vld.idx.msk [tilespmem:v20+s2+$0x0], $0xffff;
	v26 =	vadd.s32 s23, v3  }
0x42c: {  	v27 =	vadd.s32 s22, v1;
	v23 =	vld.idx.msk [tilespmem:v23+s2+$0x0], $0xffff  }
0x42d: {  	v28 =	vadd.s32 s23, v2;
	v22 =	vld.idx.msk [tilespmem:v22+s2+$0x0], $0xffff  }
0x42e: {  	v29 =	vadd.s32 s22, v0;
	v24 =	vld.idx.msk [tilespmem:v24+s2+$0x0], $0xffff  }
0x42f: {  	v30 =	vadd.s32 s18, v1;
	v25 =	vld.idx.msk [tilespmem:v25+s2+$0x0], $0xffff  }
0x430: {  	v31 =	vadd.s32 s19, v1;
	v26 =	vld.idx.msk [tilespmem:v26+s2+$0x0], $0xffff  }
0x431: {  	v32 =	vadd.s32 s21, v1;
	v27 =	vld.idx.msk [tilespmem:v27+s2+$0x0], $0xffff  }
0x432: {  	v33 =	vadd.s32 s23, v1;
	v28 =	vld.idx.msk [tilespmem:v28+s2+$0x0], $0xffff  }
0x433: {  	v34 =	vadd.s32 s21, v0;
	v29 =	vld.idx.msk [tilespmem:v29+s2+$0x0], $0xffff  }
0x434: {  	v10 =	vadd.f32 v12, v10;
	v12 =	vadd.f32 v16, v14;
	v16 =	vadd.s32 s23, v0;
	v14 =	vld.idx.msk [tilespmem:v30+s2+$0x0], $0xffff  }
0x435: {  	v15 =	vadd.f32 v17, v15;
	v30 =	vadd.s32 s14, v0;
	v24 =	vadd.f32 v25, v24;
	v17 =	vld.idx.msk [tilespmem:v31+s2+$0x0], $0xffff  }
0x436: {  	v18 =	vadd.f32 v19, v18;
	v19 =	vadd.f32 v20, v21;
	v21 =	vadd.s32 s22, v4;
	v20 =	vld.idx.msk [tilespmem:v32+s2+$0x0], $0xffff  }
0x437: {  	v22 =	vadd.f32 v22, v23;
	v25 =	vadd.s32 s16, v4;
	v24 =	vadd.f32 v27, v24;
	v23 =	vld.idx.msk [tilespmem:v33+s2+$0x0], $0xffff  }
0x438: {  	v12 =	vadd.f32 v13, v12;
	v13 =	vadd.s32 s17, v4;
	v26 =	vadd.f32 v28, v26;
	v27 =	vld.idx.msk [tilespmem:v34+s2+$0x0], $0xffff  }
0x439: {  	v11 =	vadd.f32 v11, v15;
	v15 =	vadd.s32 s18, v4;
	v24 =	vadd.f32 v29, v24;
	v16 =	vld.idx.msk [tilespmem:v16+s2+$0x0], $0xffff  }
0x43a: {  	s15 =	sadd.s32 $0x400, s15;
	v8 =	vadd.f32 v8, v12;
	v12 =	vadd.f32 v14, v18;
	v14 =	vadd.s32 s19, v4;
	v28 =	vld.idx.msk [tilespmem:v30+s2+$0x0], $0xffff  }
0x43b: {  	v9 =	vadd.f32 v9, v11;
	v11 =	vadd.f32 v17, v19;
	v17 =	vadd.s32 s21, v4;
	v18 =	vld.idx.msk [tilespmem:v21+s2+$0x0], $0xffff;
	[tilespmem:s15+$0x380] =	vst v24  }
0x43c: {  	v7 =	vadd.f32 v7, v12;
	v12 =	vadd.s32 s23, v4;
	v19 =	vld.idx.msk [tilespmem:v25+s2+$0x0], $0xffff;
	[tilespmem:s15+$0x80] =	vst v8;
	v8 =	vadd.f32 v20, v22  }
0x43d: {  	v20 =	vadd.s32 s14, v4;
	v6 =	vadd.f32 v6, v11;
	s14 =	smov.u32 s20;
	v13 =	vld.idx.msk [tilespmem:v13+s2+$0x0], $0xffff;
	[tilespmem:s15+$0x100] =	vst v9;
	v9 =	vadd.f32 v23, v26  }
0x43e: {  	v5 =	vadd.f32 v5, v10;
	v11 =	vadd.s32 s20, v1;
	v15 =	vld.idx.msk [tilespmem:v15+s2+$0x0], $0xffff;
	[tilespmem:s15+$0x180] =	vst v7;
	v7 =	vadd.f32 v27, v8  }
0x43f: {  	v8 =	vadd.s32 s20, v3;
	v14 =	vld.idx.msk [tilespmem:v14+s2+$0x0], $0xffff;
	[tilespmem:s15+$0x200] =	vst v6;
	v6 =	vadd.f32 v16, v9  }
0x440: {  	s16 =	sadd.s32 $0x1, s20;
	v9 =	vadd.s32 s20, v2;
	v5 =	vadd.f32 v28, v5;
	v16 =	vld.idx.msk [tilespmem:v17+s2+$0x0], $0xffff;
	[tilespmem:s15+$0x280] =	vst v7  }
0x441: {  	s17 =	sadd.s32 $0x2, s20;
	v7 =	vadd.s32 s16, v0;
	v17 =	vld.idx.msk [tilespmem:v12+s2+$0x0], $0xffff;
	[tilespmem:s15+$0x300] =	vst v6  }
0x442: {  	s18 =	sadd.s32 $0x3, s20;
	v6 =	vadd.s32 s17, v0;
	v20 =	vld.idx.msk [tilespmem:v20+s2+$0x0], $0xffff;
	[tilespmem:s15+$0x0] =	vst v5  }
0x443: {  	s19 =	sadd.s32 $0x4, s20;
	v5 =	vld.idx.msk [tilespmem:v11+s2+$0x0], $0xffff;
	v11 =	vadd.s32 s18, v0;
	[tilespmem:s15+$0xFFFFE080] =	vst v19  }
0x444: {  	v19 =	vadd.s32 s19, v0;
	v10 =	vld.idx.msk [tilespmem:v8+s2+$0x0], $0xffff;
	[tilespmem:s15+$0xFFFFE100] =	vst v13  }
0x445: {  	v13 =	vadd.s32 s16, v1;
	v12 =	vld.idx.msk [tilespmem:v9+s2+$0x0], $0xffff;
	[tilespmem:s15+$0xFFFFE180] =	vst v15  }
0x446: {  	v15 =	vadd.s32 s17, v1;
	v8 =	vld.idx.msk [tilespmem:v7+s2+$0x0], $0xffff;
	[tilespmem:s15+$0xFFFFE200] =	vst v14  }
0x447: {  	v14 =	vadd.s32 s16, v3;
	v9 =	vld.idx.msk [tilespmem:v6+s2+$0x0], $0xffff;
	[tilespmem:s15+$0xFFFFE280] =	vst v16  }
0x448: {  	v16 =	vadd.s32 s16, v2;
	v7 =	vld.idx.msk [tilespmem:v11+s2+$0x0], $0xffff;
	[tilespmem:s15+$0xFFFFE300] =	vst v17  }
0x449: {  	v17 =	vadd.s32 s17, v3;
	v6 =	vld.idx.msk [tilespmem:v19+s2+$0x0], $0xffff;
	[tilespmem:s15+$0xFFFFE380] =	vst v18  }
0x44a: {  	v18 =	vadd.s32 s17, v2;
	v13 =	vld.idx.msk [tilespmem:v13+s2+$0x0], $0xffff;
	[tilespmem:s15+$0xFFFFE000] =	vst v20  }
0x44b: {  	v19 =	vadd.s32 s18, v3;
	v11 =	vld.idx.msk [tilespmem:v15+s2+$0x0], $0xffff  }
0x44c: {  	v24 =	vadd.s32 s18, v2;
	v14 =	vld.idx.msk [tilespmem:v14+s2+$0x0], $0xffff  }
.Ltmp8:
0x44d: {  	v21 =	vadd.s32 s19, v3;
	v16 =	vld.idx.msk [tilespmem:v16+s2+$0x0], $0xffff;
	(pc) =	sbr.rel @p0 .LBB2_17-.Ltmp8, $4  }
0x44e: {  	s21 =	sadd.s32 $0x5, s20;
	v20 =	vadd.s32 s19, v2;
	v15 =	vld.idx.msk [tilespmem:v17+s2+$0x0], $0xffff  }
0x44f: {  	v23 =	vadd.s32 s21, v3;
	v17 =	vld.idx.msk [tilespmem:v18+s2+$0x0], $0xffff  }
0x450: {  	s22 =	sadd.s32 $0x7, s20;
	v22 =	vadd.s32 s21, v2;
	v18 =	vld.idx.msk [tilespmem:v19+s2+$0x0], $0xffff  }
0x451: {  	s20 =	sadd.s32 $0x8, s20;
	v19 =	vld.idx.msk [tilespmem:v24+s2+$0x0], $0xffff;
	v24 =	vadd.s32 s22, v3  }
0x452: {  	_ =	sdelay $0x3  }
0x453: {  	v21 =	vld.idx.msk [tilespmem:v21+s2+$0x0], $0xffff;
	v25 =	vadd.s32 s22, v2  }
0x454: {  	v20 =	vld.idx.msk [tilespmem:v20+s2+$0x0], $0xffff;
	v26 =	vadd.s32 s22, v1  }
0x455: {  	v23 =	vld.idx.msk [tilespmem:v23+s2+$0x0], $0xffff;
	v28 =	vadd.s32 s18, v1  }
0x456: {  	v22 =	vld.idx.msk [tilespmem:v22+s2+$0x0], $0xffff;
	v29 =	vadd.s32 s19, v1  }
0x457: {  	v24 =	vld.idx.msk [tilespmem:v24+s2+$0x0], $0xffff;
	v30 =	vadd.s32 s21, v1  }
0x458: {  	v35 =	vadd.s32 s14, v0;
	v25 =	vld.idx.msk [tilespmem:v25+s2+$0x0], $0xffff  }
0x459: {  	v41 =	vadd.s32 s16, v4;
	v26 =	vld.idx.msk [tilespmem:v26+s2+$0x0], $0xffff  }
0x45a: {  	v43 =	vadd.s32 s17, v4;
	v28 =	vld.idx.msk [tilespmem:v28+s2+$0x0], $0xffff  }
0x45b: {  	v45 =	vadd.s32 s18, v4;
	v36 =	vld.idx.msk [tilespmem:v29+s2+$0x0], $0xffff  }
0x45c: {  	s20 =	sadd.s32 $0x6, s14;
	v27 =	vadd.s32 s22, v0;
	v31 =	vadd.s32 s21, v0;
	v48 =	vadd.s32 s19, v4;
	v38 =	vld.idx.msk [tilespmem:v30+s2+$0x0], $0xffff  }
0x45d: {  	v34 =	vadd.f32 v16, v14;
	v50 =	vadd.s32 s21, v4;
	v32 =	vadd.s32 s20, v0;
	v0 =	vld.idx.msk [tilespmem:v35+s2+$0x0], $0xffff  }
0x45e: {  	v62 =	vadd.s32 s20, v2;
	v15 =	vadd.f32 v17, v15;
	v52 =	vld.idx.msk [tilespmem:v41+s2+$0x0], $0xffff  }
0x45f: {  	v10 =	vadd.f32 v12, v10;
	v63 =	vadd.s32 s20, v1;
	v12 =	vadd.f32 v13, v34;
	v56 =	vld.idx.msk [tilespmem:v43+s2+$0x0], $0xffff  }
0x460: {  	v53 =	vadd.s32 s20, v4;
	v11 =	vadd.f32 v11, v15;
	v57 =	vld.idx.msk [tilespmem:v45+s2+$0x0], $0xffff  }
0x461: {  	v55 =	vadd.s32 s14, v4;
	v8 =	vadd.f32 v8, v12;
	v60 =	vld.idx.msk [tilespmem:v48+s2+$0x0], $0xffff  }
0x462: {  	s15 =	sadd.s32 $0x400, s15;
	v3 =	vadd.s32 s20, v3;
	v61 =	vld.idx.msk [tilespmem:v50+s2+$0x0], $0xffff;
	v9 =	vadd.f32 v9, v11  }
0x463: {  	v2 =	vld.idx.msk [tilespmem:v62+s2+$0x0], $0xffff;
	[tilespmem:s15+$0x80] =	vst v8  }
0x464: {  	v1 =	vld.idx.msk [tilespmem:v63+s2+$0x0], $0xffff;
	[tilespmem:s15+$0x100] =	vst v9  }
0x465: {  	v62 =	vld.idx.msk [tilespmem:v53+s2+$0x0], $0xffff;
	[tilespmem:s15+$0xFFFFE080] =	vst v52  }
0x466: {  	v39 =	vadd.s32 s22, v4;
	v63 =	vld.idx.msk [tilespmem:v55+s2+$0x0], $0xffff;
	[tilespmem:s15+$0xFFFFE100] =	vst v56  }
0x467: {  	v58 =	vadd.f32 v5, v10;
	v18 =	vadd.f32 v19, v18;
	v3 =	vld.idx.msk [tilespmem:v3+s2+$0x0], $0xffff;
	[tilespmem:s15+$0xFFFFE180] =	vst v57  }
0x468: {  	v40 =	vadd.f32 v20, v21;
	v42 =	vadd.f32 v22, v23;
	v44 =	vld.idx.msk [tilespmem:v31+s2+$0x0], $0xffff;
	[tilespmem:s15+$0xFFFFE200] =	vst v60  }
0x469: {  	v27 =	vld.idx.msk [tilespmem:v27+s2+$0x0], $0xffff;
	v37 =	vadd.f32 v25, v24;
	v49 =	vadd.f32 v28, v18;
	[tilespmem:s15+$0xFFFFE280] =	vst v61  }
0x46a: {  	v46 =	vld.idx.msk [tilespmem:v32+s2+$0x0], $0xffff;
	v51 =	vadd.f32 v36, v40;
	v0 =	vadd.f32 v0, v58;
	[tilespmem:s15+$0xFFFFE300] =	vst v62  }
0x46b: {  	v24 =	vld.idx.msk [tilespmem:v39+s2+$0x0], $0xffff;
	v54 =	vadd.f32 v38, v42;
	[tilespmem:s15+$0xFFFFE000] =	vst v63;
	v7 =	vadd.f32 v7, v49  }
0x46c: {  	v2 =	vadd.f32 v2, v3;
	v6 =	vadd.f32 v6, v51;
	[tilespmem:s15+$0x0] =	vst v0  }
0x46d: {  	v16 =	vadd.f32 v26, v37;
	v59 =	vadd.f32 v44, v54;
	[tilespmem:s15+$0x180] =	vst v7  }
0x46e: {  	v1 =	vadd.f32 v1, v2;
	[tilespmem:s15+$0x200] =	vst v6  }
0x46f: {  	v47 =	vadd.f32 v27, v16;
	[tilespmem:s15+$0x280] =	vst v59  }
0x470: {  	s13 =	sadd.s32 $0x1, s13;
	v1 =	vadd.f32 v46, v1;
	[tilespmem:s15+$0xFFFFE380] =	vst v24  }
0x471: {  	p0 =	sne.s32 s13, s6;
	[tilespmem:s15+$0x380] =	vst v47  }
.Ltmp9:
0x472: {  	[tilespmem:s15+$0x300] =	vst v1;
	(pc) =	sbr.rel @p0 .LBB2_2-.Ltmp9, $4  }
0x473: {  	[hbm4b:s4+s7] =	stream.strided.scatter [tilespmem:s11], [sflag:$0x2], $0x4000, s8, s7, $0x38;
	[tilespmem:$0x5500] =	vst v63  }
0x474: {  	_ =	swait.ge [sflag:s12], $0x4000  }
0x475: {  	[sflag:s12] =	ssyncset.done $0x0  }
0x476: {  	[sflag:s12] =	ssyncadd.s32 $0xFFFFC000  }
.LBB2_19:
0x477: {  	_ =	sfence.sel $0x180000  }
0x478: {  	[bflag:$0x0] =	sbarrier.arrive $0xFFFF  }
0x479: {  	p0 =	sne.s32 s1, $0x0;
	_ =	strace $0x90000047  }
0x47a: {  	s0 =	sadd.s32 @!p0 $0x100000, s0;
	[bflag:$0x2] =	sbarrier.arrive $0xFFFF  }
0x47b: {  	[sflag:s0] =	ssyncadd.tile.s32 @!p0 $0x1;
	_ =	shalt  }
.Lfunc_end2:
_tile_overlayer_lowered:
.L_overlay_start_2:
0x47c: {  	(tag) =	ssettag $0x2  }
0x47d: {  	s0 =	rddreg [dreg:$0x0];
	s2 =	stileid.u32  }
0x47e: {  	s1 =	rddreg [dreg:$0x1];
	p0 =	sne.s32 s2, $0x0  }
0x47f: {  	s3 =	rddreg [dreg:$0x2];
	[bflag:$0x3] =	sbarrier.arrive $0xFFFF;
	s2 =	simm.s32 @!p0 $0x1C02  }
0x480: {  	[timem:s3], [sflag:s2] =	dma.local @!p0 [hbm:s0], s1  }
0x481: {  	s0 =	simm.s32 @!p0 $0x2  }
0x482: {  	_ =	swait.ge @!p0 [sflag:s0], s1  }
0x483: {  	s1 =	ssub.s32 @!p0 $0x0, s1;
	[sflag:s0] =	ssyncset.done @!p0 $0x0  }
0x484: {  	[sflag:s0] =	ssyncadd.s32 @!p0 s1  }
0x485: {  	[bflag:$0x3] =	sbarrier.arrive $0xFFFF  }
0x486: {  	_ =	shalt  }

</sc_bundles>
